<compile_context>
chip_gen: v7x
topology: tpu7x:2x2x1
jax: 0.10.2.dev20260603
libtpu: 0.0.44.dev20260713+nightly
codegen_flags: <defaults>
</compile_context>

<pallas_src>
import jax
import jax.numpy as jnp
from jax import lax
from jax.experimental import pallas as pl
from jax.experimental.pallas import tpu as pltpu, tpu_sc as plsc

VOCAB = 1000000
D = 64
B = 4096
S = 50
SP = S // 2

_info = plsc.get_sparse_core_info()
NC, NS = _info.num_cores, _info.num_subcores
NW = NC * NS
BLK = B // NW
CH = 2 * BLK
L = 16
NG = BLK // L
DU = 16
RING = 3


def _body(xg_hbm, tab_hbm, out_hbm, xv, pr, st, gsem, osem):
    wid = lax.axis_index("s") * NC + lax.axis_index("c")
    pltpu.sync_copy(xg_hbm.at[wid], xv)
    iota = lax.iota(jnp.int32, L)
    ones = iota < L

    def fire_g(s2, ph):
        pltpu.async_copy(tab_hbm.at[xv.at[pl.ds(s2 * CH, CH)]], pr.at[ph], gsem.at[ph])

    def prime(s2, c):
        fire_g(s2, s2)
        return c

    lax.fori_loop(0, RING, prime, 0)

    def step(s2, c):
        ph = lax.rem(s2, RING)
        prbuf = pr.at[ph]
        pltpu.make_async_copy(tab_hbm.at[xv.at[pl.ds(0, CH)]], prbuf, gsem.at[ph]).wait()

        for k in range(2):
            stbuf = st.at[k]

            @pl.when(s2 >= 1)
            def _():
                pltpu.make_async_copy(
                    stbuf, out_hbm.at[0, :, wid], osem.at[k]
                ).wait()

            for g in range(NG):
                rows = k * BLK + g * L + iota

                @plsc.parallel_loop(0, D, step=1, unroll=DU)
                def dstep(d):
                    vals = plsc.load_gather(prbuf, [rows, iota * 0 + d], mask=ones)
                    stbuf[d // 8, lax.rem(d, 8), pl.ds(g * L, L)] = vals

            pltpu.async_copy(
                stbuf, out_hbm.at[2 * s2 + k, :, wid], osem.at[k]
            )

        @pl.when(s2 < SP - RING)
        def _():
            fire_g(s2 + RING, ph)

        return c

    lax.fori_loop(0, SP, step, 0)
    pltpu.make_async_copy(st.at[0], out_hbm.at[0, :, wid], osem.at[0]).wait()
    pltpu.make_async_copy(st.at[1], out_hbm.at[0, :, wid], osem.at[1]).wait()


def kernel(x, table):
    xg = (
        x.T.reshape(SP, 2, NW, BLK).transpose(2, 0, 1, 3).reshape(NW, SP * CH)
    )
    tab = jnp.pad(table, ((0, 0), (0, 2 * D - table.shape[1])))
    mesh = plsc.VectorSubcoreMesh(core_axis_name="c", subcore_axis_name="s")
    out5 = pl.kernel(
        _body,
        out_type=jax.ShapeDtypeStruct((S, D // 8, NW, 8, BLK), jnp.float32),
        mesh=mesh,
        scratch_types=[
            pltpu.VMEM((SP * CH,), jnp.int32),
            pltpu.VMEM((RING, CH, 2 * D), jnp.float32),
            pltpu.VMEM((2, D // 8, 8, BLK), jnp.float32),
            pltpu.SemaphoreType.DMA((RING,)),
            pltpu.SemaphoreType.DMA((2,)),
        ],
        compiler_params=pltpu.CompilerParams(needs_layout_passes=False),
    )(xg, tab)
    return out5.transpose(2, 4, 0, 1, 3).reshape(B, S, D)

# --- scband reference (transcript-rebuilt; emitter-appended) ---
"""Pipeline reference for scband-word-embedding-13194139533554 (READ-ONLY COPY).

The authoritative reference and input builder live on the scoring server;
editing this copy changes nothing except your own understanding.
"""

import jax, jax.numpy as jnp
import numpy as np

VOCAB_SIZE = 1000000
EMBD_SIZE = 64
BATCH = 4096
SEQ_LEN = 50

def setup_inputs(seed: int = 0) -> dict:
    key = jax.random.key(seed)
    k1, k2 = jax.random.split(key)
    x = jax.random.randint(k1, (BATCH, SEQ_LEN), 0, VOCAB_SIZE, dtype=jnp.int64 if jax.config.jax_enable_x64 else jnp.int32)
    table = jax.random.normal(k2, (VOCAB_SIZE, EMBD_SIZE), dtype=jnp.float32) * 0.02
    return {"x": x, "table": table}

def reference(x, table):
    # nn.Embedding lookup: out[n, s, :] = table[x[n, s], :]
    return jnp.take(table, x, axis=0)

if __name__ == "__main__":
    import jax
    _d = setup_inputs()
    print(jax.jit(kernel)(*tuple(_d.values())))

</pallas_src>

<mosaic_0001>
#map = affine_map<(d0, d1) -> (0, 0)>
#map1 = affine_map<(d0, d1) -> (0, 0, 0, 0, 0)>
module attributes {stable_mosaic.version = 14 : i64} {
  func.func @_body(%arg0: i32, %arg1: i32, %arg2: memref<32x6400xi32, #tpu.memory_space<hbm>>, %arg3: memref<1000000x128xf32, #tpu.memory_space<hbm>>, %arg4: memref<50x8x32x8x128xf32, #tpu.memory_space<hbm>>, %arg5: memref<6400xi32, #tpu.memory_space<vmem>>, %arg6: memref<3x256x128xf32, #tpu.memory_space<vmem>>, %arg7: memref<2x8x8x128xf32, #tpu.memory_space<vmem>>, %arg8: memref<3x!tpu.dma_semaphore, #tpu.memory_space<semaphore_mem>>, %arg9: memref<2x!tpu.dma_semaphore, #tpu.memory_space<semaphore_mem>>) attributes {dimension_semantics = [#tpu.dimension_semantics<core_parallel>, #tpu.dimension_semantics<subcore_parallel>], iteration_bounds = array<i64: 2, 16>, scalar_prefetch = 0 : i64, scratch_operands = 5 : i64, tpu.core_type = #tpu.core_type<sc_vector_subcore>, window_params = [{transform_indices = #map}, {transform_indices = #map}, {transform_indices = #map1}]} {
    %mul3A = arith.constant 2 : i32
    %mul3A_0 = arith.muli %arg1, %mul3A : i32
    %add3A = arith.addi %mul3A_0, %arg0 : i32
    "tpu.region"() ({
      %run_scoped3A = tpu.sem_alloc : memref<!tpu.dma_semaphore, #tpu.memory_space<semaphore_mem>>
      %dma_start3A = arith.constant 0 : i32
      %dma_start3A_63 = tpu.memref_slice %arg2[%add3A, %dma_start3A] : memref<32x6400xi32, #tpu.memory_space<hbm>> -> memref<1x6400xi32, #tpu.memory_space<hbm>>
      %dma_start3A_64 = tpu.memref_squeeze %dma_start3A_63 : memref<1x6400xi32, #tpu.memory_space<hbm>> -> memref<6400xi32, #tpu.memory_space<hbm>>
      %dma_start3A_65 = arith.constant 0 : i32
      %dma_start3A_66 = tpu.memref_slice %arg2[%add3A, %dma_start3A_65] : memref<32x6400xi32, #tpu.memory_space<hbm>> -> memref<1x6400xi32, #tpu.memory_space<hbm>>
      %dma_start3A_67 = tpu.memref_squeeze %dma_start3A_66 : memref<1x6400xi32, #tpu.memory_space<hbm>> -> memref<6400xi32, #tpu.memory_space<hbm>>
      tpu.enqueue_dma source(%dma_start3A_67 : memref<6400xi32, #tpu.memory_space<hbm>>) target(%arg5 : memref<6400xi32, #tpu.memory_space<vmem>>) target_semaphore(%run_scoped3A : memref<!tpu.dma_semaphore, #tpu.memory_space<semaphore_mem>>)
      %dma_wait3A_68 = arith.constant 0 : i32
      %dma_wait3A_69 = tpu.memref_slice %arg2[%add3A, %dma_wait3A_68] : memref<32x6400xi32, #tpu.memory_space<hbm>> -> memref<1x6400xi32, #tpu.memory_space<hbm>>
      %dma_wait3A_70 = tpu.memref_squeeze %dma_wait3A_69 : memref<1x6400xi32, #tpu.memory_space<hbm>> -> memref<6400xi32, #tpu.memory_space<hbm>>
      %dma_wait3A_71 = arith.constant 0 : i32
      %dma_wait3A_72 = tpu.memref_slice %arg2[%add3A, %dma_wait3A_71] : memref<32x6400xi32, #tpu.memory_space<hbm>> -> memref<1x6400xi32, #tpu.memory_space<hbm>>
      %dma_wait3A_73 = tpu.memref_squeeze %dma_wait3A_72 : memref<1x6400xi32, #tpu.memory_space<hbm>> -> memref<6400xi32, #tpu.memory_space<hbm>>
      tpu.wait_dma2 semaphore(%run_scoped3A : memref<!tpu.dma_semaphore, #tpu.memory_space<semaphore_mem>>) src(%dma_wait3A_73 : memref<6400xi32, #tpu.memory_space<hbm>>) dst(%arg5 : memref<6400xi32, #tpu.memory_space<vmem>>)
      tpu.yield
    }) : () -> ()
    %iota3A = tpu.iota {dimensions = array<i32: 0>} : vector<16xi32>
    %lt3A = arith.constant 16 : i32
    %lt3A_1 = vector.broadcast %lt3A : i32 to vector<16xi32>
    %lt3A_2 = arith.cmpi slt, %iota3A, %lt3A_1 : vector<16xi32>
    %scan3A = arith.constant 0 : i32
    %scan3A_3 = arith.constant 0 : i32
    %scan3A_4 = arith.constant 3 : i32
    %scan3A_5 = arith.addi %scan3A_3, %scan3A_4 : i32
    %scan3A_6 = arith.constant 1 : i32
    scf.for %scan3A_63 = %scan3A_3 to %scan3A_5 step %scan3A_6  : i32 {
      %mul3A_64 = arith.constant 256 : i32
      %mul3A_65 = arith.muli %scan3A_63, %mul3A_64 : i32
      %dma_start3A = arith.constant 0 : i32
      %dma_start3A_66 = arith.constant 0 : i32
      %dma_start3A_67 = tpu.memref_slice %arg6[%scan3A_63, %dma_start3A, %dma_start3A_66] : memref<3x256x128xf32, #tpu.memory_space<vmem>> -> memref<1x256x128xf32, #tpu.memory_space<vmem>>
      %dma_start3A_68 = tpu.memref_squeeze %dma_start3A_67 : memref<1x256x128xf32, #tpu.memory_space<vmem>> -> memref<256x128xf32, #tpu.memory_space<vmem>>
      %dma_start3A_69 = tpu.memref_slice %arg5[%mul3A_65] : memref<6400xi32, #tpu.memory_space<vmem>> -> memref<256xi32, #tpu.memory_space<vmem>>
      %dma_start3A_70 = arith.constant 0 : i32
      %dma_start3A_71 = arith.constant 0 : i32
      %dma_start3A_72 = tpu.memref_slice %arg3[%dma_start3A_70, %dma_start3A_71] : memref<1000000x128xf32, #tpu.memory_space<hbm>> -> memref<1000000x128xf32, #tpu.memory_space<hbm>>
      %dma_start3A_73 = tpu.memref_slice %arg8[%scan3A_63] : memref<3x!tpu.dma_semaphore, #tpu.memory_space<semaphore_mem>> -> memref<1x!tpu.dma_semaphore, #tpu.memory_space<semaphore_mem>>
      %dma_start3A_74 = tpu.memref_squeeze %dma_start3A_73 : memref<1x!tpu.dma_semaphore, #tpu.memory_space<semaphore_mem>> -> memref<!tpu.dma_semaphore, #tpu.memory_space<semaphore_mem>>
      tpu.enqueue_indirect_dma source(%dma_start3A_72 : memref<1000000x128xf32, #tpu.memory_space<hbm>>) target(%dma_start3A_68 : memref<256x128xf32, #tpu.memory_space<vmem>>) offsets(%dma_start3A_69 : memref<256xi32, #tpu.memory_space<vmem>>) semaphore(%dma_start3A_74 : memref<!tpu.dma_semaphore, #tpu.memory_space<semaphore_mem>>)
    }
    %scan3A_7 = arith.constant 3 : i32
    %scan3A_8 = arith.constant 0 : i32
    %scan3A_9 = arith.constant 0 : i32
    %scan3A_10 = arith.constant 25 : i32
    %scan3A_11 = arith.addi %scan3A_9, %scan3A_10 : i32
    %scan3A_12 = arith.constant 1 : i32
    scf.for %scan3A_63 = %scan3A_9 to %scan3A_11 step %scan3A_12  : i32 {
      %rem3A = arith.constant 3 : i32
      %rem3A_64 = arith.remsi %scan3A_63, %rem3A : i32
      %dma_wait3A_65 = arith.constant 0 : i32
      %dma_wait3A_66 = arith.constant 0 : i32
      %dma_wait3A_67 = tpu.memref_slice %arg6[%rem3A_64, %dma_wait3A_65, %dma_wait3A_66] : memref<3x256x128xf32, #tpu.memory_space<vmem>> -> memref<1x256x128xf32, #tpu.memory_space<vmem>>
      %dma_wait3A_68 = tpu.memref_squeeze %dma_wait3A_67 : memref<1x256x128xf32, #tpu.memory_space<vmem>> -> memref<256x128xf32, #tpu.memory_space<vmem>>
      %dma_wait3A_69 = arith.constant 0 : i32
      %dma_wait3A_70 = tpu.memref_slice %arg5[%dma_wait3A_69] : memref<6400xi32, #tpu.memory_space<vmem>> -> memref<256xi32, #tpu.memory_space<vmem>>
      %dma_wait3A_71 = arith.constant 0 : i32
      %dma_wait3A_72 = arith.constant 0 : i32
      %dma_wait3A_73 = tpu.memref_slice %arg3[%dma_wait3A_71, %dma_wait3A_72] : memref<1000000x128xf32, #tpu.memory_space<hbm>> -> memref<1000000x128xf32, #tpu.memory_space<hbm>>
      %dma_wait3A_74 = tpu.memref_slice %arg8[%rem3A_64] : memref<3x!tpu.dma_semaphore, #tpu.memory_space<semaphore_mem>> -> memref<1x!tpu.dma_semaphore, #tpu.memory_space<semaphore_mem>>
      %dma_wait3A_75 = tpu.memref_squeeze %dma_wait3A_74 : memref<1x!tpu.dma_semaphore, #tpu.memory_space<semaphore_mem>> -> memref<!tpu.dma_semaphore, #tpu.memory_space<semaphore_mem>>
      tpu.wait_indirect_dma semaphore(%dma_wait3A_75 : memref<!tpu.dma_semaphore, #tpu.memory_space<semaphore_mem>>) src(%dma_wait3A_73 : memref<1000000x128xf32, #tpu.memory_space<hbm>>) dst(%dma_wait3A_68 : memref<256x128xf32, #tpu.memory_space<vmem>>)
      %ge3A = arith.constant 1 : i32
      %ge3A_76 = arith.cmpi sge, %scan3A_63, %ge3A : i32
      %convert_element_type3A = arith.extui %ge3A_76 : i1 to i32
      %cond3A = arith.constant 0 : i32
      %cond3A_77 = arith.constant 0 : i32
      %cond3A_78 = arith.cmpi ne, %convert_element_type3A, %cond3A_77 : i32
      scf.if %cond3A_78 {
        %dma_wait3A_256 = arith.constant 0 : i32
        %dma_wait3A_257 = arith.constant 0 : i32
        %dma_wait3A_258 = arith.constant 0 : i32
        %dma_wait3A_259 = arith.constant 0 : i32
        %dma_wait3A_260 = arith.constant 0 : i32
        %dma_wait3A_261 = tpu.memref_slice %arg7[%cond3A, %dma_wait3A_258, %dma_wait3A_259, %dma_wait3A_260] : memref<2x8x8x128xf32, #tpu.memory_space<vmem>> -> memref<1x8x8x128xf32, #tpu.memory_space<vmem>>
        %dma_wait3A_262 = tpu.memref_squeeze %dma_wait3A_261 : memref<1x8x8x128xf32, #tpu.memory_space<vmem>> -> memref<8x8x128xf32, #tpu.memory_space<vmem>>
        %dma_wait3A_263 = arith.constant 0 : i32
        %dma_wait3A_264 = arith.constant 0 : i32
        %dma_wait3A_265 = arith.constant 0 : i32
        %dma_wait3A_266 = tpu.memref_slice %arg4[%dma_wait3A_256, %dma_wait3A_263, %add3A, %dma_wait3A_264, %dma_wait3A_265] : memref<50x8x32x8x128xf32, #tpu.memory_space<hbm>> -> memref<1x8x1x8x128xf32, #tpu.memory_space<hbm>>
        %dma_wait3A_267 = tpu.memref_squeeze %dma_wait3A_266 : memref<1x8x1x8x128xf32, #tpu.memory_space<hbm>> -> memref<8x8x128xf32, #tpu.memory_space<hbm>>
        %dma_wait3A_268 = tpu.memref_slice %arg9[%dma_wait3A_257] : memref<2x!tpu.dma_semaphore, #tpu.memory_space<semaphore_mem>> -> memref<1x!tpu.dma_semaphore, #tpu.memory_space<semaphore_mem>>
        %dma_wait3A_269 = tpu.memref_squeeze %dma_wait3A_268 : memref<1x!tpu.dma_semaphore, #tpu.memory_space<semaphore_mem>> -> memref<!tpu.dma_semaphore, #tpu.memory_space<semaphore_mem>>
        %dma_wait3A_270 = arith.constant 0 : i32
        %dma_wait3A_271 = arith.constant 0 : i32
        %dma_wait3A_272 = arith.constant 0 : i32
        %dma_wait3A_273 = tpu.memref_slice %arg4[%dma_wait3A_256, %dma_wait3A_270, %add3A, %dma_wait3A_271, %dma_wait3A_272] : memref<50x8x32x8x128xf32, #tpu.memory_space<hbm>> -> memref<1x8x1x8x128xf32, #tpu.memory_space<hbm>>
        %dma_wait3A_274 = tpu.memref_squeeze %dma_wait3A_273 : memref<1x8x1x8x128xf32, #tpu.memory_space<hbm>> -> memref<8x8x128xf32, #tpu.memory_space<hbm>>
        %dma_wait3A_275 = arith.constant 0 : i32
        %dma_wait3A_276 = arith.constant 0 : i32
        %dma_wait3A_277 = arith.constant 0 : i32
        %dma_wait3A_278 = tpu.memref_slice %arg7[%cond3A, %dma_wait3A_275, %dma_wait3A_276, %dma_wait3A_277] : memref<2x8x8x128xf32, #tpu.memory_space<vmem>> -> memref<1x8x8x128xf32, #tpu.memory_space<vmem>>
        %dma_wait3A_279 = tpu.memref_squeeze %dma_wait3A_278 : memref<1x8x8x128xf32, #tpu.memory_space<vmem>> -> memref<8x8x128xf32, #tpu.memory_space<vmem>>
        tpu.wait_dma2 semaphore(%dma_wait3A_269 : memref<!tpu.dma_semaphore, #tpu.memory_space<semaphore_mem>>) src(%dma_wait3A_279 : memref<8x8x128xf32, #tpu.memory_space<vmem>>) dst(%dma_wait3A_274 : memref<8x8x128xf32, #tpu.memory_space<hbm>>)
      } else {
      }
      %add3A_79 = arith.constant 0 : i32
      %add3A_80 = vector.broadcast %add3A_79 : i32 to vector<16xi32>
      %add3A_81 = arith.addi %add3A_80, %iota3A : vector<16xi32>
      %parallel_loop3A = arith.constant 0 : i32
      %parallel_loop3A_82 = arith.constant 64 : i32
      %parallel_loop3A_83 = arith.constant 1 : i32
      %parallel_loop3A_84 = arith.constant 0 : i32
      scf.for %parallel_loop3A_256 = %parallel_loop3A to %parallel_loop3A_82 step %parallel_loop3A_83  : i32 {
        %parallel_loop3A_257 = arith.constant 0 : i32
        %parallel_loop3A_258 = vector.broadcast %parallel_loop3A_257 : i32 to vector<16xi32>
        %parallel_loop3A_259 = arith.muli %iota3A, %parallel_loop3A_258 : vector<16xi32>
        %parallel_loop3A_260 = vector.broadcast %parallel_loop3A_256 : i32 to vector<16xi32>
        %parallel_loop3A_261 = arith.addi %parallel_loop3A_259, %parallel_loop3A_260 : vector<16xi32>
        %parallel_loop3A_262 = arith.constant 0 : i32
        %parallel_loop3A_263 = arith.constant 0 : i32
        %parallel_loop3A_264 = tpu.memref_slice %arg6[%rem3A_64, %parallel_loop3A_262, %parallel_loop3A_263] : memref<3x256x128xf32, #tpu.memory_space<vmem>> -> memref<1x256x128xf32, #tpu.memory_space<vmem>>
        %parallel_loop3A_265 = tpu.memref_squeeze %parallel_loop3A_264 : memref<1x256x128xf32, #tpu.memory_space<vmem>> -> memref<256x128xf32, #tpu.memory_space<vmem>>
        %parallel_loop3A_266 = tpu.vector_load_idx %parallel_loop3A_265[%add3A_81, %parallel_loop3A_261] masked %lt3A_2 : memref<256x128xf32, #tpu.memory_space<vmem>>[vector<16xi32>, vector<16xi32>], vector<16xf32>, vector<16xi1>
        %parallel_loop3A_267 = arith.constant 8 : i32
        %parallel_loop3A_268 = arith.divsi %parallel_loop3A_256, %parallel_loop3A_267 : i32
        %parallel_loop3A_269 = arith.constant 0 : i32
        %parallel_loop3A_270 = arith.cmpi sgt, %parallel_loop3A_256, %parallel_loop3A_269 : i32
        %parallel_loop3A_271 = arith.extui %parallel_loop3A_270 : i1 to i32
        %parallel_loop3A_272 = arith.constant 0 : i32
        %parallel_loop3A_273 = arith.cmpi slt, %parallel_loop3A_256, %parallel_loop3A_272 : i32
        %parallel_loop3A_274 = arith.extui %parallel_loop3A_273 : i1 to i32
        %parallel_loop3A_275 = arith.subi %parallel_loop3A_271, %parallel_loop3A_274 : i32
        %parallel_loop3A_276 = arith.constant 0 : i32
        %parallel_loop3A_277 = arith.cmpi sgt, %parallel_loop3A_267, %parallel_loop3A_276 : i32
        %parallel_loop3A_278 = arith.extui %parallel_loop3A_277 : i1 to i32
        %parallel_loop3A_279 = arith.constant 0 : i32
        %parallel_loop3A_280 = arith.cmpi slt, %parallel_loop3A_267, %parallel_loop3A_279 : i32
        %parallel_loop3A_281 = arith.extui %parallel_loop3A_280 : i1 to i32
        %parallel_loop3A_282 = arith.subi %parallel_loop3A_278, %parallel_loop3A_281 : i32
        %parallel_loop3A_283 = arith.cmpi ne, %parallel_loop3A_275, %parallel_loop3A_282 : i32
        %parallel_loop3A_284 = arith.remsi %parallel_loop3A_256, %parallel_loop3A_267 : i32
        %parallel_loop3A_285 = arith.constant 0 : i32
        %parallel_loop3A_286 = arith.cmpi ne, %parallel_loop3A_284, %parallel_loop3A_285 : i32
        %parallel_loop3A_287 = arith.andi %parallel_loop3A_283, %parallel_loop3A_286 : i1
        %parallel_loop3A_288 = arith.constant 1 : i32
        %parallel_loop3A_289 = arith.subi %parallel_loop3A_268, %parallel_loop3A_288 : i32
        %parallel_loop3A_290 = arith.select %parallel_loop3A_287, %parallel_loop3A_289, %parallel_loop3A_268 : i32
        %parallel_loop3A_291 = arith.constant 8 : i32
        %parallel_loop3A_292 = arith.remsi %parallel_loop3A_256, %parallel_loop3A_291 : i32
        %parallel_loop3A_293 = arith.constant 0 : i32
        %parallel_loop3A_294 = arith.constant 0 : i32
        %parallel_loop3A_295 = arith.constant 0 : i32
        %parallel_loop3A_296 = tpu.memref_slice %arg7[%parallel_loop3A_84, %parallel_loop3A_293, %parallel_loop3A_294, %parallel_loop3A_295] : memref<2x8x8x128xf32, #tpu.memory_space<vmem>> -> memref<1x8x8x128xf32, #tpu.memory_space<vmem>>
        %parallel_loop3A_297 = tpu.memref_squeeze %parallel_loop3A_296 : memref<1x8x8x128xf32, #tpu.memory_space<vmem>> -> memref<8x8x128xf32, #tpu.memory_space<vmem>>
        %parallel_loop3A_298 = arith.index_cast %parallel_loop3A_290 : i32 to index
        %parallel_loop3A_299 = arith.index_cast %parallel_loop3A_292 : i32 to index
        %parallel_loop3A_300 = arith.constant 0 : index
        %parallel_loop3A_301 = tpu.vector_load %parallel_loop3A_297[%parallel_loop3A_298, %parallel_loop3A_299, %parallel_loop3A_300] {strides = array<i32>} : memref<8x8x128xf32, #tpu.memory_space<vmem>>, vector<16xf32>,
        tpu.vector_store %parallel_loop3A_297[%parallel_loop3A_298, %parallel_loop3A_299, %parallel_loop3A_300], %parallel_loop3A_266 {strides = array<i32>} : memref<8x8x128xf32, #tpu.memory_space<vmem>>, vector<16xf32>,
      } {sc.loop_unroll_factor = 16 : i64, sc.parallel_access}
      %add3A_85 = arith.constant 16 : i32
      %add3A_86 = vector.broadcast %add3A_85 : i32 to vector<16xi32>
      %add3A_87 = arith.addi %add3A_86, %iota3A : vector<16xi32>
      %parallel_loop3A_88 = arith.constant 0 : i32
      %parallel_loop3A_89 = arith.constant 64 : i32
      %parallel_loop3A_90 = arith.constant 1 : i32
      %parallel_loop3A_91 = arith.constant 0 : i32
      scf.for %parallel_loop3A_256 = %parallel_loop3A_88 to %parallel_loop3A_89 step %parallel_loop3A_90  : i32 {
        %parallel_loop3A_257 = arith.constant 0 : i32
        %parallel_loop3A_258 = vector.broadcast %parallel_loop3A_257 : i32 to vector<16xi32>
        %parallel_loop3A_259 = arith.muli %iota3A, %parallel_loop3A_258 : vector<16xi32>
        %parallel_loop3A_260 = vector.broadcast %parallel_loop3A_256 : i32 to vector<16xi32>
        %parallel_loop3A_261 = arith.addi %parallel_loop3A_259, %parallel_loop3A_260 : vector<16xi32>
        %parallel_loop3A_262 = arith.constant 0 : i32
        %parallel_loop3A_263 = arith.constant 0 : i32
        %parallel_loop3A_264 = tpu.memref_slice %arg6[%rem3A_64, %parallel_loop3A_262, %parallel_loop3A_263] : memref<3x256x128xf32, #tpu.memory_space<vmem>> -> memref<1x256x128xf32, #tpu.memory_space<vmem>>
        %parallel_loop3A_265 = tpu.memref_squeeze %parallel_loop3A_264 : memref<1x256x128xf32, #tpu.memory_space<vmem>> -> memref<256x128xf32, #tpu.memory_space<vmem>>
        %parallel_loop3A_266 = tpu.vector_load_idx %parallel_loop3A_265[%add3A_87, %parallel_loop3A_261] masked %lt3A_2 : memref<256x128xf32, #tpu.memory_space<vmem>>[vector<16xi32>, vector<16xi32>], vector<16xf32>, vector<16xi1>
        %parallel_loop3A_267 = arith.constant 8 : i32
        %parallel_loop3A_268 = arith.divsi %parallel_loop3A_256, %parallel_loop3A_267 : i32
        %parallel_loop3A_269 = arith.constant 0 : i32
        %parallel_loop3A_270 = arith.cmpi sgt, %parallel_loop3A_256, %parallel_loop3A_269 : i32
        %parallel_loop3A_271 = arith.extui %parallel_loop3A_270 : i1 to i32
        %parallel_loop3A_272 = arith.constant 0 : i32
        %parallel_loop3A_273 = arith.cmpi slt, %parallel_loop3A_256, %parallel_loop3A_272 : i32
        %parallel_loop3A_274 = arith.extui %parallel_loop3A_273 : i1 to i32
        %parallel_loop3A_275 = arith.subi %parallel_loop3A_271, %parallel_loop3A_274 : i32
        %parallel_loop3A_276 = arith.constant 0 : i32
        %parallel_loop3A_277 = arith.cmpi sgt, %parallel_loop3A_267, %parallel_loop3A_276 : i32
        %parallel_loop3A_278 = arith.extui %parallel_loop3A_277 : i1 to i32
        %parallel_loop3A_279 = arith.constant 0 : i32
        %parallel_loop3A_280 = arith.cmpi slt, %parallel_loop3A_267, %parallel_loop3A_279 : i32
        %parallel_loop3A_281 = arith.extui %parallel_loop3A_280 : i1 to i32
        %parallel_loop3A_282 = arith.subi %parallel_loop3A_278, %parallel_loop3A_281 : i32
        %parallel_loop3A_283 = arith.cmpi ne, %parallel_loop3A_275, %parallel_loop3A_282 : i32
        %parallel_loop3A_284 = arith.remsi %parallel_loop3A_256, %parallel_loop3A_267 : i32
        %parallel_loop3A_285 = arith.constant 0 : i32
        %parallel_loop3A_286 = arith.cmpi ne, %parallel_loop3A_284, %parallel_loop3A_285 : i32
        %parallel_loop3A_287 = arith.andi %parallel_loop3A_283, %parallel_loop3A_286 : i1
        %parallel_loop3A_288 = arith.constant 1 : i32
        %parallel_loop3A_289 = arith.subi %parallel_loop3A_268, %parallel_loop3A_288 : i32
        %parallel_loop3A_290 = arith.select %parallel_loop3A_287, %parallel_loop3A_289, %parallel_loop3A_268 : i32
        %parallel_loop3A_291 = arith.constant 8 : i32
        %parallel_loop3A_292 = arith.remsi %parallel_loop3A_256, %parallel_loop3A_291 : i32
        %parallel_loop3A_293 = arith.constant 0 : i32
        %parallel_loop3A_294 = arith.constant 0 : i32
        %parallel_loop3A_295 = arith.constant 0 : i32
        %parallel_loop3A_296 = tpu.memref_slice %arg7[%parallel_loop3A_91, %parallel_loop3A_293, %parallel_loop3A_294, %parallel_loop3A_295] : memref<2x8x8x128xf32, #tpu.memory_space<vmem>> -> memref<1x8x8x128xf32, #tpu.memory_space<vmem>>
        %parallel_loop3A_297 = tpu.memref_squeeze %parallel_loop3A_296 : memref<1x8x8x128xf32, #tpu.memory_space<vmem>> -> memref<8x8x128xf32, #tpu.memory_space<vmem>>
        %parallel_loop3A_298 = arith.index_cast %parallel_loop3A_290 : i32 to index
        %parallel_loop3A_299 = arith.index_cast %parallel_loop3A_292 : i32 to index
        %parallel_loop3A_300 = arith.constant 16 : index
        %parallel_loop3A_301 = tpu.vector_load %parallel_loop3A_297[%parallel_loop3A_298, %parallel_loop3A_299, %parallel_loop3A_300] {strides = array<i32>} : memref<8x8x128xf32, #tpu.memory_space<vmem>>, vector<16xf32>,
        tpu.vector_store %parallel_loop3A_297[%parallel_loop3A_298, %parallel_loop3A_299, %parallel_loop3A_300], %parallel_loop3A_266 {strides = array<i32>} : memref<8x8x128xf32, #tpu.memory_space<vmem>>, vector<16xf32>,
      } {sc.loop_unroll_factor = 16 : i64, sc.parallel_access}
      %add3A_92 = arith.constant 32 : i32
      %add3A_93 = vector.broadcast %add3A_92 : i32 to vector<16xi32>
      %add3A_94 = arith.addi %add3A_93, %iota3A : vector<16xi32>
      %parallel_loop3A_95 = arith.constant 0 : i32
      %parallel_loop3A_96 = arith.constant 64 : i32
      %parallel_loop3A_97 = arith.constant 1 : i32
      %parallel_loop3A_98 = arith.constant 0 : i32
      scf.for %parallel_loop3A_256 = %parallel_loop3A_95 to %parallel_loop3A_96 step %parallel_loop3A_97  : i32 {
        %parallel_loop3A_257 = arith.constant 0 : i32
        %parallel_loop3A_258 = vector.broadcast %parallel_loop3A_257 : i32 to vector<16xi32>
        %parallel_loop3A_259 = arith.muli %iota3A, %parallel_loop3A_258 : vector<16xi32>
        %parallel_loop3A_260 = vector.broadcast %parallel_loop3A_256 : i32 to vector<16xi32>
        %parallel_loop3A_261 = arith.addi %parallel_loop3A_259, %parallel_loop3A_260 : vector<16xi32>
        %parallel_loop3A_262 = arith.constant 0 : i32
        %parallel_loop3A_263 = arith.constant 0 : i32
        %parallel_loop3A_264 = tpu.memref_slice %arg6[%rem3A_64, %parallel_loop3A_262, %parallel_loop3A_263] : memref<3x256x128xf32, #tpu.memory_space<vmem>> -> memref<1x256x128xf32, #tpu.memory_space<vmem>>
        %parallel_loop3A_265 = tpu.memref_squeeze %parallel_loop3A_264 : memref<1x256x128xf32, #tpu.memory_space<vmem>> -> memref<256x128xf32, #tpu.memory_space<vmem>>
        %parallel_loop3A_266 = tpu.vector_load_idx %parallel_loop3A_265[%add3A_94, %parallel_loop3A_261] masked %lt3A_2 : memref<256x128xf32, #tpu.memory_space<vmem>>[vector<16xi32>, vector<16xi32>], vector<16xf32>, vector<16xi1>
        %parallel_loop3A_267 = arith.constant 8 : i32
        %parallel_loop3A_268 = arith.divsi %parallel_loop3A_256, %parallel_loop3A_267 : i32
        %parallel_loop3A_269 = arith.constant 0 : i32
        %parallel_loop3A_270 = arith.cmpi sgt, %parallel_loop3A_256, %parallel_loop3A_269 : i32
        %parallel_loop3A_271 = arith.extui %parallel_loop3A_270 : i1 to i32
        %parallel_loop3A_272 = arith.constant 0 : i32
        %parallel_loop3A_273 = arith.cmpi slt, %parallel_loop3A_256, %parallel_loop3A_272 : i32
        %parallel_loop3A_274 = arith.extui %parallel_loop3A_273 : i1 to i32
        %parallel_loop3A_275 = arith.subi %parallel_loop3A_271, %parallel_loop3A_274 : i32
        %parallel_loop3A_276 = arith.constant 0 : i32
        %parallel_loop3A_277 = arith.cmpi sgt, %parallel_loop3A_267, %parallel_loop3A_276 : i32
        %parallel_loop3A_278 = arith.extui %parallel_loop3A_277 : i1 to i32
        %parallel_loop3A_279 = arith.constant 0 : i32
        %parallel_loop3A_280 = arith.cmpi slt, %parallel_loop3A_267, %parallel_loop3A_279 : i32
        %parallel_loop3A_281 = arith.extui %parallel_loop3A_280 : i1 to i32
        %parallel_loop3A_282 = arith.subi %parallel_loop3A_278, %parallel_loop3A_281 : i32
        %parallel_loop3A_283 = arith.cmpi ne, %parallel_loop3A_275, %parallel_loop3A_282 : i32
        %parallel_loop3A_284 = arith.remsi %parallel_loop3A_256, %parallel_loop3A_267 : i32
        %parallel_loop3A_285 = arith.constant 0 : i32
        %parallel_loop3A_286 = arith.cmpi ne, %parallel_loop3A_284, %parallel_loop3A_285 : i32
        %parallel_loop3A_287 = arith.andi %parallel_loop3A_283, %parallel_loop3A_286 : i1
        %parallel_loop3A_288 = arith.constant 1 : i32
        %parallel_loop3A_289 = arith.subi %parallel_loop3A_268, %parallel_loop3A_288 : i32
        %parallel_loop3A_290 = arith.select %parallel_loop3A_287, %parallel_loop3A_289, %parallel_loop3A_268 : i32
        %parallel_loop3A_291 = arith.constant 8 : i32
        %parallel_loop3A_292 = arith.remsi %parallel_loop3A_256, %parallel_loop3A_291 : i32
        %parallel_loop3A_293 = arith.constant 0 : i32
        %parallel_loop3A_294 = arith.constant 0 : i32
        %parallel_loop3A_295 = arith.constant 0 : i32
        %parallel_loop3A_296 = tpu.memref_slice %arg7[%parallel_loop3A_98, %parallel_loop3A_293, %parallel_loop3A_294, %parallel_loop3A_295] : memref<2x8x8x128xf32, #tpu.memory_space<vmem>> -> memref<1x8x8x128xf32, #tpu.memory_space<vmem>>
        %parallel_loop3A_297 = tpu.memref_squeeze %parallel_loop3A_296 : memref<1x8x8x128xf32, #tpu.memory_space<vmem>> -> memref<8x8x128xf32, #tpu.memory_space<vmem>>
        %parallel_loop3A_298 = arith.index_cast %parallel_loop3A_290 : i32 to index
        %parallel_loop3A_299 = arith.index_cast %parallel_loop3A_292 : i32 to index
        %parallel_loop3A_300 = arith.constant 32 : index
        %parallel_loop3A_301 = tpu.vector_load %parallel_loop3A_297[%parallel_loop3A_298, %parallel_loop3A_299, %parallel_loop3A_300] {strides = array<i32>} : memref<8x8x128xf32, #tpu.memory_space<vmem>>, vector<16xf32>,
        tpu.vector_store %parallel_loop3A_297[%parallel_loop3A_298, %parallel_loop3A_299, %parallel_loop3A_300], %parallel_loop3A_266 {strides = array<i32>} : memref<8x8x128xf32, #tpu.memory_space<vmem>>, vector<16xf32>,
      } {sc.loop_unroll_factor = 16 : i64, sc.parallel_access}
      %add3A_99 = arith.constant 48 : i32
      %add3A_100 = vector.broadcast %add3A_99 : i32 to vector<16xi32>
      %add3A_101 = arith.addi %add3A_100, %iota3A : vector<16xi32>
      %parallel_loop3A_102 = arith.constant 0 : i32
      %parallel_loop3A_103 = arith.constant 64 : i32
      %parallel_loop3A_104 = arith.constant 1 : i32
      %parallel_loop3A_105 = arith.constant 0 : i32
      scf.for %parallel_loop3A_256 = %parallel_loop3A_102 to %parallel_loop3A_103 step %parallel_loop3A_104  : i32 {
        %parallel_loop3A_257 = arith.constant 0 : i32
        %parallel_loop3A_258 = vector.broadcast %parallel_loop3A_257 : i32 to vector<16xi32>
        %parallel_loop3A_259 = arith.muli %iota3A, %parallel_loop3A_258 : vector<16xi32>
        %parallel_loop3A_260 = vector.broadcast %parallel_loop3A_256 : i32 to vector<16xi32>
        %parallel_loop3A_261 = arith.addi %parallel_loop3A_259, %parallel_loop3A_260 : vector<16xi32>
        %parallel_loop3A_262 = arith.constant 0 : i32
        %parallel_loop3A_263 = arith.constant 0 : i32
        %parallel_loop3A_264 = tpu.memref_slice %arg6[%rem3A_64, %parallel_loop3A_262, %parallel_loop3A_263] : memref<3x256x128xf32, #tpu.memory_space<vmem>> -> memref<1x256x128xf32, #tpu.memory_space<vmem>>
        %parallel_loop3A_265 = tpu.memref_squeeze %parallel_loop3A_264 : memref<1x256x128xf32, #tpu.memory_space<vmem>> -> memref<256x128xf32, #tpu.memory_space<vmem>>
        %parallel_loop3A_266 = tpu.vector_load_idx %parallel_loop3A_265[%add3A_101, %parallel_loop3A_261] masked %lt3A_2 : memref<256x128xf32, #tpu.memory_space<vmem>>[vector<16xi32>, vector<16xi32>], vector<16xf32>, vector<16xi1>
        %parallel_loop3A_267 = arith.constant 8 : i32
        %parallel_loop3A_268 = arith.divsi %parallel_loop3A_256, %parallel_loop3A_267 : i32
        %parallel_loop3A_269 = arith.constant 0 : i32
        %parallel_loop3A_270 = arith.cmpi sgt, %parallel_loop3A_256, %parallel_loop3A_269 : i32
        %parallel_loop3A_271 = arith.extui %parallel_loop3A_270 : i1 to i32
        %parallel_loop3A_272 = arith.constant 0 : i32
        %parallel_loop3A_273 = arith.cmpi slt, %parallel_loop3A_256, %parallel_loop3A_272 : i32
        %parallel_loop3A_274 = arith.extui %parallel_loop3A_273 : i1 to i32
        %parallel_loop3A_275 = arith.subi %parallel_loop3A_271, %parallel_loop3A_274 : i32
        %parallel_loop3A_276 = arith.constant 0 : i32
        %parallel_loop3A_277 = arith.cmpi sgt, %parallel_loop3A_267, %parallel_loop3A_276 : i32
        %parallel_loop3A_278 = arith.extui %parallel_loop3A_277 : i1 to i32
        %parallel_loop3A_279 = arith.constant 0 : i32
        %parallel_loop3A_280 = arith.cmpi slt, %parallel_loop3A_267, %parallel_loop3A_279 : i32
        %parallel_loop3A_281 = arith.extui %parallel_loop3A_280 : i1 to i32
        %parallel_loop3A_282 = arith.subi %parallel_loop3A_278, %parallel_loop3A_281 : i32
        %parallel_loop3A_283 = arith.cmpi ne, %parallel_loop3A_275, %parallel_loop3A_282 : i32
        %parallel_loop3A_284 = arith.remsi %parallel_loop3A_256, %parallel_loop3A_267 : i32
        %parallel_loop3A_285 = arith.constant 0 : i32
        %parallel_loop3A_286 = arith.cmpi ne, %parallel_loop3A_284, %parallel_loop3A_285 : i32
        %parallel_loop3A_287 = arith.andi %parallel_loop3A_283, %parallel_loop3A_286 : i1
        %parallel_loop3A_288 = arith.constant 1 : i32
        %parallel_loop3A_289 = arith.subi %parallel_loop3A_268, %parallel_loop3A_288 : i32
        %parallel_loop3A_290 = arith.select %parallel_loop3A_287, %parallel_loop3A_289, %parallel_loop3A_268 : i32
        %parallel_loop3A_291 = arith.constant 8 : i32
        %parallel_loop3A_292 = arith.remsi %parallel_loop3A_256, %parallel_loop3A_291 : i32
        %parallel_loop3A_293 = arith.constant 0 : i32
        %parallel_loop3A_294 = arith.constant 0 : i32
        %parallel_loop3A_295 = arith.constant 0 : i32
        %parallel_loop3A_296 = tpu.memref_slice %arg7[%parallel_loop3A_105, %parallel_loop3A_293, %parallel_loop3A_294, %parallel_loop3A_295] : memref<2x8x8x128xf32, #tpu.memory_space<vmem>> -> memref<1x8x8x128xf32, #tpu.memory_space<vmem>>
        %parallel_loop3A_297 = tpu.memref_squeeze %parallel_loop3A_296 : memref<1x8x8x128xf32, #tpu.memory_space<vmem>> -> memref<8x8x128xf32, #tpu.memory_space<vmem>>
        %parallel_loop3A_298 = arith.index_cast %parallel_loop3A_290 : i32 to index
        %parallel_loop3A_299 = arith.index_cast %parallel_loop3A_292 : i32 to index
        %parallel_loop3A_300 = arith.constant 48 : index
        %parallel_loop3A_301 = tpu.vector_load %parallel_loop3A_297[%parallel_loop3A_298, %parallel_loop3A_299, %parallel_loop3A_300] {strides = array<i32>} : memref<8x8x128xf32, #tpu.memory_space<vmem>>, vector<16xf32>,
        tpu.vector_store %parallel_loop3A_297[%parallel_loop3A_298, %parallel_loop3A_299, %parallel_loop3A_300], %parallel_loop3A_266 {strides = array<i32>} : memref<8x8x128xf32, #tpu.memory_space<vmem>>, vector<16xf32>,
      } {sc.loop_unroll_factor = 16 : i64, sc.parallel_access}
      %add3A_106 = arith.constant 64 : i32
      %add3A_107 = vector.broadcast %add3A_106 : i32 to vector<16xi32>
      %add3A_108 = arith.addi %add3A_107, %iota3A : vector<16xi32>
      %parallel_loop3A_109 = arith.constant 0 : i32
      %parallel_loop3A_110 = arith.constant 64 : i32
      %parallel_loop3A_111 = arith.constant 1 : i32
      %parallel_loop3A_112 = arith.constant 0 : i32
      scf.for %parallel_loop3A_256 = %parallel_loop3A_109 to %parallel_loop3A_110 step %parallel_loop3A_111  : i32 {
        %parallel_loop3A_257 = arith.constant 0 : i32
        %parallel_loop3A_258 = vector.broadcast %parallel_loop3A_257 : i32 to vector<16xi32>
        %parallel_loop3A_259 = arith.muli %iota3A, %parallel_loop3A_258 : vector<16xi32>
        %parallel_loop3A_260 = vector.broadcast %parallel_loop3A_256 : i32 to vector<16xi32>
        %parallel_loop3A_261 = arith.addi %parallel_loop3A_259, %parallel_loop3A_260 : vector<16xi32>
        %parallel_loop3A_262 = arith.constant 0 : i32
        %parallel_loop3A_263 = arith.constant 0 : i32
        %parallel_loop3A_264 = tpu.memref_slice %arg6[%rem3A_64, %parallel_loop3A_262, %parallel_loop3A_263] : memref<3x256x128xf32, #tpu.memory_space<vmem>> -> memref<1x256x128xf32, #tpu.memory_space<vmem>>
        %parallel_loop3A_265 = tpu.memref_squeeze %parallel_loop3A_264 : memref<1x256x128xf32, #tpu.memory_space<vmem>> -> memref<256x128xf32, #tpu.memory_space<vmem>>
        %parallel_loop3A_266 = tpu.vector_load_idx %parallel_loop3A_265[%add3A_108, %parallel_loop3A_261] masked %lt3A_2 : memref<256x128xf32, #tpu.memory_space<vmem>>[vector<16xi32>, vector<16xi32>], vector<16xf32>, vector<16xi1>
        %parallel_loop3A_267 = arith.constant 8 : i32
        %parallel_loop3A_268 = arith.divsi %parallel_loop3A_256, %parallel_loop3A_267 : i32
        %parallel_loop3A_269 = arith.constant 0 : i32
        %parallel_loop3A_270 = arith.cmpi sgt, %parallel_loop3A_256, %parallel_loop3A_269 : i32
        %parallel_loop3A_271 = arith.extui %parallel_loop3A_270 : i1 to i32
        %parallel_loop3A_272 = arith.constant 0 : i32
        %parallel_loop3A_273 = arith.cmpi slt, %parallel_loop3A_256, %parallel_loop3A_272 : i32
        %parallel_loop3A_274 = arith.extui %parallel_loop3A_273 : i1 to i32
        %parallel_loop3A_275 = arith.subi %parallel_loop3A_271, %parallel_loop3A_274 : i32
        %parallel_loop3A_276 = arith.constant 0 : i32
        %parallel_loop3A_277 = arith.cmpi sgt, %parallel_loop3A_267, %parallel_loop3A_276 : i32
        %parallel_loop3A_278 = arith.extui %parallel_loop3A_277 : i1 to i32
        %parallel_loop3A_279 = arith.constant 0 : i32
        %parallel_loop3A_280 = arith.cmpi slt, %parallel_loop3A_267, %parallel_loop3A_279 : i32
        %parallel_loop3A_281 = arith.extui %parallel_loop3A_280 : i1 to i32
        %parallel_loop3A_282 = arith.subi %parallel_loop3A_278, %parallel_loop3A_281 : i32
        %parallel_loop3A_283 = arith.cmpi ne, %parallel_loop3A_275, %parallel_loop3A_282 : i32
        %parallel_loop3A_284 = arith.remsi %parallel_loop3A_256, %parallel_loop3A_267 : i32
        %parallel_loop3A_285 = arith.constant 0 : i32
        %parallel_loop3A_286 = arith.cmpi ne, %parallel_loop3A_284, %parallel_loop3A_285 : i32
        %parallel_loop3A_287 = arith.andi %parallel_loop3A_283, %parallel_loop3A_286 : i1
        %parallel_loop3A_288 = arith.constant 1 : i32
        %parallel_loop3A_289 = arith.subi %parallel_loop3A_268, %parallel_loop3A_288 : i32
        %parallel_loop3A_290 = arith.select %parallel_loop3A_287, %parallel_loop3A_289, %parallel_loop3A_268 : i32
        %parallel_loop3A_291 = arith.constant 8 : i32
        %parallel_loop3A_292 = arith.remsi %parallel_loop3A_256, %parallel_loop3A_291 : i32
        %parallel_loop3A_293 = arith.constant 0 : i32
        %parallel_loop3A_294 = arith.constant 0 : i32
        %parallel_loop3A_295 = arith.constant 0 : i32
        %parallel_loop3A_296 = tpu.memref_slice %arg7[%parallel_loop3A_112, %parallel_loop3A_293, %parallel_loop3A_294, %parallel_loop3A_295] : memref<2x8x8x128xf32, #tpu.memory_space<vmem>> -> memref<1x8x8x128xf32, #tpu.memory_space<vmem>>
        %parallel_loop3A_297 = tpu.memref_squeeze %parallel_loop3A_296 : memref<1x8x8x128xf32, #tpu.memory_space<vmem>> -> memref<8x8x128xf32, #tpu.memory_space<vmem>>
        %parallel_loop3A_298 = arith.index_cast %parallel_loop3A_290 : i32 to index
        %parallel_loop3A_299 = arith.index_cast %parallel_loop3A_292 : i32 to index
        %parallel_loop3A_300 = arith.constant 64 : index
        %parallel_loop3A_301 = tpu.vector_load %parallel_loop3A_297[%parallel_loop3A_298, %parallel_loop3A_299, %parallel_loop3A_300] {strides = array<i32>} : memref<8x8x128xf32, #tpu.memory_space<vmem>>, vector<16xf32>,
        tpu.vector_store %parallel_loop3A_297[%parallel_loop3A_298, %parallel_loop3A_299, %parallel_loop3A_300], %parallel_loop3A_266 {strides = array<i32>} : memref<8x8x128xf32, #tpu.memory_space<vmem>>, vector<16xf32>,
      } {sc.loop_unroll_factor = 16 : i64, sc.parallel_access}
      %add3A_113 = arith.constant 80 : i32
      %add3A_114 = vector.broadcast %add3A_113 : i32 to vector<16xi32>
      %add3A_115 = arith.addi %add3A_114, %iota3A : vector<16xi32>
      %parallel_loop3A_116 = arith.constant 0 : i32
      %parallel_loop3A_117 = arith.constant 64 : i32
      %parallel_loop3A_118 = arith.constant 1 : i32
      %parallel_loop3A_119 = arith.constant 0 : i32
      scf.for %parallel_loop3A_256 = %parallel_loop3A_116 to %parallel_loop3A_117 step %parallel_loop3A_118  : i32 {
        %parallel_loop3A_257 = arith.constant 0 : i32
        %parallel_loop3A_258 = vector.broadcast %parallel_loop3A_257 : i32 to vector<16xi32>
        %parallel_loop3A_259 = arith.muli %iota3A, %parallel_loop3A_258 : vector<16xi32>
        %parallel_loop3A_260 = vector.broadcast %parallel_loop3A_256 : i32 to vector<16xi32>
        %parallel_loop3A_261 = arith.addi %parallel_loop3A_259, %parallel_loop3A_260 : vector<16xi32>
        %parallel_loop3A_262 = arith.constant 0 : i32
        %parallel_loop3A_263 = arith.constant 0 : i32
        %parallel_loop3A_264 = tpu.memref_slice %arg6[%rem3A_64, %parallel_loop3A_262, %parallel_loop3A_263] : memref<3x256x128xf32, #tpu.memory_space<vmem>> -> memref<1x256x128xf32, #tpu.memory_space<vmem>>
        %parallel_loop3A_265 = tpu.memref_squeeze %parallel_loop3A_264 : memref<1x256x128xf32, #tpu.memory_space<vmem>> -> memref<256x128xf32, #tpu.memory_space<vmem>>
        %parallel_loop3A_266 = tpu.vector_load_idx %parallel_loop3A_265[%add3A_115, %parallel_loop3A_261] masked %lt3A_2 : memref<256x128xf32, #tpu.memory_space<vmem>>[vector<16xi32>, vector<16xi32>], vector<16xf32>, vector<16xi1>
        %parallel_loop3A_267 = arith.constant 8 : i32
        %parallel_loop3A_268 = arith.divsi %parallel_loop3A_256, %parallel_loop3A_267 : i32
        %parallel_loop3A_269 = arith.constant 0 : i32
        %parallel_loop3A_270 = arith.cmpi sgt, %parallel_loop3A_256, %parallel_loop3A_269 : i32
        %parallel_loop3A_271 = arith.extui %parallel_loop3A_270 : i1 to i32
        %parallel_loop3A_272 = arith.constant 0 : i32
        %parallel_loop3A_273 = arith.cmpi slt, %parallel_loop3A_256, %parallel_loop3A_272 : i32
        %parallel_loop3A_274 = arith.extui %parallel_loop3A_273 : i1 to i32
        %parallel_loop3A_275 = arith.subi %parallel_loop3A_271, %parallel_loop3A_274 : i32
        %parallel_loop3A_276 = arith.constant 0 : i32
        %parallel_loop3A_277 = arith.cmpi sgt, %parallel_loop3A_267, %parallel_loop3A_276 : i32
        %parallel_loop3A_278 = arith.extui %parallel_loop3A_277 : i1 to i32
        %parallel_loop3A_279 = arith.constant 0 : i32
        %parallel_loop3A_280 = arith.cmpi slt, %parallel_loop3A_267, %parallel_loop3A_279 : i32
        %parallel_loop3A_281 = arith.extui %parallel_loop3A_280 : i1 to i32
        %parallel_loop3A_282 = arith.subi %parallel_loop3A_278, %parallel_loop3A_281 : i32
        %parallel_loop3A_283 = arith.cmpi ne, %parallel_loop3A_275, %parallel_loop3A_282 : i32
        %parallel_loop3A_284 = arith.remsi %parallel_loop3A_256, %parallel_loop3A_267 : i32
        %parallel_loop3A_285 = arith.constant 0 : i32
        %parallel_loop3A_286 = arith.cmpi ne, %parallel_loop3A_284, %parallel_loop3A_285 : i32
        %parallel_loop3A_287 = arith.andi %parallel_loop3A_283, %parallel_loop3A_286 : i1
        %parallel_loop3A_288 = arith.constant 1 : i32
        %parallel_loop3A_289 = arith.subi %parallel_loop3A_268, %parallel_loop3A_288 : i32
        %parallel_loop3A_290 = arith.select %parallel_loop3A_287, %parallel_loop3A_289, %parallel_loop3A_268 : i32
        %parallel_loop3A_291 = arith.constant 8 : i32
        %parallel_loop3A_292 = arith.remsi %parallel_loop3A_256, %parallel_loop3A_291 : i32
        %parallel_loop3A_293 = arith.constant 0 : i32
        %parallel_loop3A_294 = arith.constant 0 : i32
        %parallel_loop3A_295 = arith.constant 0 : i32
        %parallel_loop3A_296 = tpu.memref_slice %arg7[%parallel_loop3A_119, %parallel_loop3A_293, %parallel_loop3A_294, %parallel_loop3A_295] : memref<2x8x8x128xf32, #tpu.memory_space<vmem>> -> memref<1x8x8x128xf32, #tpu.memory_space<vmem>>
        %parallel_loop3A_297 = tpu.memref_squeeze %parallel_loop3A_296 : memref<1x8x8x128xf32, #tpu.memory_space<vmem>> -> memref<8x8x128xf32, #tpu.memory_space<vmem>>
        %parallel_loop3A_298 = arith.index_cast %parallel_loop3A_290 : i32 to index
        %parallel_loop3A_299 = arith.index_cast %parallel_loop3A_292 : i32 to index
        %parallel_loop3A_300 = arith.constant 80 : index
        %parallel_loop3A_301 = tpu.vector_load %parallel_loop3A_297[%parallel_loop3A_298, %parallel_loop3A_299, %parallel_loop3A_300] {strides = array<i32>} : memref<8x8x128xf32, #tpu.memory_space<vmem>>, vector<16xf32>,
        tpu.vector_store %parallel_loop3A_297[%parallel_loop3A_298, %parallel_loop3A_299, %parallel_loop3A_300], %parallel_loop3A_266 {strides = array<i32>} : memref<8x8x128xf32, #tpu.memory_space<vmem>>, vector<16xf32>,
      } {sc.loop_unroll_factor = 16 : i64, sc.parallel_access}
      %add3A_120 = arith.constant 96 : i32
      %add3A_121 = vector.broadcast %add3A_120 : i32 to vector<16xi32>
      %add3A_122 = arith.addi %add3A_121, %iota3A : vector<16xi32>
      %parallel_loop3A_123 = arith.constant 0 : i32
      %parallel_loop3A_124 = arith.constant 64 : i32
      %parallel_loop3A_125 = arith.constant 1 : i32
      %parallel_loop3A_126 = arith.constant 0 : i32
      scf.for %parallel_loop3A_256 = %parallel_loop3A_123 to %parallel_loop3A_124 step %parallel_loop3A_125  : i32 {
        %parallel_loop3A_257 = arith.constant 0 : i32
        %parallel_loop3A_258 = vector.broadcast %parallel_loop3A_257 : i32 to vector<16xi32>
        %parallel_loop3A_259 = arith.muli %iota3A, %parallel_loop3A_258 : vector<16xi32>
        %parallel_loop3A_260 = vector.broadcast %parallel_loop3A_256 : i32 to vector<16xi32>
        %parallel_loop3A_261 = arith.addi %parallel_loop3A_259, %parallel_loop3A_260 : vector<16xi32>
        %parallel_loop3A_262 = arith.constant 0 : i32
        %parallel_loop3A_263 = arith.constant 0 : i32
        %parallel_loop3A_264 = tpu.memref_slice %arg6[%rem3A_64, %parallel_loop3A_262, %parallel_loop3A_263] : memref<3x256x128xf32, #tpu.memory_space<vmem>> -> memref<1x256x128xf32, #tpu.memory_space<vmem>>
        %parallel_loop3A_265 = tpu.memref_squeeze %parallel_loop3A_264 : memref<1x256x128xf32, #tpu.memory_space<vmem>> -> memref<256x128xf32, #tpu.memory_space<vmem>>
        %parallel_loop3A_266 = tpu.vector_load_idx %parallel_loop3A_265[%add3A_122, %parallel_loop3A_261] masked %lt3A_2 : memref<256x128xf32, #tpu.memory_space<vmem>>[vector<16xi32>, vector<16xi32>], vector<16xf32>, vector<16xi1>
        %parallel_loop3A_267 = arith.constant 8 : i32
        %parallel_loop3A_268 = arith.divsi %parallel_loop3A_256, %parallel_loop3A_267 : i32
        %parallel_loop3A_269 = arith.constant 0 : i32
        %parallel_loop3A_270 = arith.cmpi sgt, %parallel_loop3A_256, %parallel_loop3A_269 : i32
        %parallel_loop3A_271 = arith.extui %parallel_loop3A_270 : i1 to i32
        %parallel_loop3A_272 = arith.constant 0 : i32
        %parallel_loop3A_273 = arith.cmpi slt, %parallel_loop3A_256, %parallel_loop3A_272 : i32
        %parallel_loop3A_274 = arith.extui %parallel_loop3A_273 : i1 to i32
        %parallel_loop3A_275 = arith.subi %parallel_loop3A_271, %parallel_loop3A_274 : i32
        %parallel_loop3A_276 = arith.constant 0 : i32
        %parallel_loop3A_277 = arith.cmpi sgt, %parallel_loop3A_267, %parallel_loop3A_276 : i32
        %parallel_loop3A_278 = arith.extui %parallel_loop3A_277 : i1 to i32
        %parallel_loop3A_279 = arith.constant 0 : i32
        %parallel_loop3A_280 = arith.cmpi slt, %parallel_loop3A_267, %parallel_loop3A_279 : i32
        %parallel_loop3A_281 = arith.extui %parallel_loop3A_280 : i1 to i32
        %parallel_loop3A_282 = arith.subi %parallel_loop3A_278, %parallel_loop3A_281 : i32
        %parallel_loop3A_283 = arith.cmpi ne, %parallel_loop3A_275, %parallel_loop3A_282 : i32
        %parallel_loop3A_284 = arith.remsi %parallel_loop3A_256, %parallel_loop3A_267 : i32
        %parallel_loop3A_285 = arith.constant 0 : i32
        %parallel_loop3A_286 = arith.cmpi ne, %parallel_loop3A_284, %parallel_loop3A_285 : i32
        %parallel_loop3A_287 = arith.andi %parallel_loop3A_283, %parallel_loop3A_286 : i1
        %parallel_loop3A_288 = arith.constant 1 : i32
        %parallel_loop3A_289 = arith.subi %parallel_loop3A_268, %parallel_loop3A_288 : i32
        %parallel_loop3A_290 = arith.select %parallel_loop3A_287, %parallel_loop3A_289, %parallel_loop3A_268 : i32
        %parallel_loop3A_291 = arith.constant 8 : i32
        %parallel_loop3A_292 = arith.remsi %parallel_loop3A_256, %parallel_loop3A_291 : i32
        %parallel_loop3A_293 = arith.constant 0 : i32
        %parallel_loop3A_294 = arith.constant 0 : i32
        %parallel_loop3A_295 = arith.constant 0 : i32
        %parallel_loop3A_296 = tpu.memref_slice %arg7[%parallel_loop3A_126, %parallel_loop3A_293, %parallel_loop3A_294, %parallel_loop3A_295] : memref<2x8x8x128xf32, #tpu.memory_space<vmem>> -> memref<1x8x8x128xf32, #tpu.memory_space<vmem>>
        %parallel_loop3A_297 = tpu.memref_squeeze %parallel_loop3A_296 : memref<1x8x8x128xf32, #tpu.memory_space<vmem>> -> memref<8x8x128xf32, #tpu.memory_space<vmem>>
        %parallel_loop3A_298 = arith.index_cast %parallel_loop3A_290 : i32 to index
        %parallel_loop3A_299 = arith.index_cast %parallel_loop3A_292 : i32 to index
        %parallel_loop3A_300 = arith.constant 96 : index
        %parallel_loop3A_301 = tpu.vector_load %parallel_loop3A_297[%parallel_loop3A_298, %parallel_loop3A_299, %parallel_loop3A_300] {strides = array<i32>} : memref<8x8x128xf32, #tpu.memory_space<vmem>>, vector<16xf32>,
        tpu.vector_store %parallel_loop3A_297[%parallel_loop3A_298, %parallel_loop3A_299, %parallel_loop3A_300], %parallel_loop3A_266 {strides = array<i32>} : memref<8x8x128xf32, #tpu.memory_space<vmem>>, vector<16xf32>,
      } {sc.loop_unroll_factor = 16 : i64, sc.parallel_access}
      %add3A_127 = arith.constant 112 : i32
      %add3A_128 = vector.broadcast %add3A_127 : i32 to vector<16xi32>
      %add3A_129 = arith.addi %add3A_128, %iota3A : vector<16xi32>
      %parallel_loop3A_130 = arith.constant 0 : i32
      %parallel_loop3A_131 = arith.constant 64 : i32
      %parallel_loop3A_132 = arith.constant 1 : i32
      %parallel_loop3A_133 = arith.constant 0 : i32
      scf.for %parallel_loop3A_256 = %parallel_loop3A_130 to %parallel_loop3A_131 step %parallel_loop3A_132  : i32 {
        %parallel_loop3A_257 = arith.constant 0 : i32
        %parallel_loop3A_258 = vector.broadcast %parallel_loop3A_257 : i32 to vector<16xi32>
        %parallel_loop3A_259 = arith.muli %iota3A, %parallel_loop3A_258 : vector<16xi32>
        %parallel_loop3A_260 = vector.broadcast %parallel_loop3A_256 : i32 to vector<16xi32>
        %parallel_loop3A_261 = arith.addi %parallel_loop3A_259, %parallel_loop3A_260 : vector<16xi32>
        %parallel_loop3A_262 = arith.constant 0 : i32
        %parallel_loop3A_263 = arith.constant 0 : i32
        %parallel_loop3A_264 = tpu.memref_slice %arg6[%rem3A_64, %parallel_loop3A_262, %parallel_loop3A_263] : memref<3x256x128xf32, #tpu.memory_space<vmem>> -> memref<1x256x128xf32, #tpu.memory_space<vmem>>
        %parallel_loop3A_265 = tpu.memref_squeeze %parallel_loop3A_264 : memref<1x256x128xf32, #tpu.memory_space<vmem>> -> memref<256x128xf32, #tpu.memory_space<vmem>>
        %parallel_loop3A_266 = tpu.vector_load_idx %parallel_loop3A_265[%add3A_129, %parallel_loop3A_261] masked %lt3A_2 : memref<256x128xf32, #tpu.memory_space<vmem>>[vector<16xi32>, vector<16xi32>], vector<16xf32>, vector<16xi1>
        %parallel_loop3A_267 = arith.constant 8 : i32
        %parallel_loop3A_268 = arith.divsi %parallel_loop3A_256, %parallel_loop3A_267 : i32
        %parallel_loop3A_269 = arith.constant 0 : i32
        %parallel_loop3A_270 = arith.cmpi sgt, %parallel_loop3A_256, %parallel_loop3A_269 : i32
        %parallel_loop3A_271 = arith.extui %parallel_loop3A_270 : i1 to i32
        %parallel_loop3A_272 = arith.constant 0 : i32
        %parallel_loop3A_273 = arith.cmpi slt, %parallel_loop3A_256, %parallel_loop3A_272 : i32
        %parallel_loop3A_274 = arith.extui %parallel_loop3A_273 : i1 to i32
        %parallel_loop3A_275 = arith.subi %parallel_loop3A_271, %parallel_loop3A_274 : i32
        %parallel_loop3A_276 = arith.constant 0 : i32
        %parallel_loop3A_277 = arith.cmpi sgt, %parallel_loop3A_267, %parallel_loop3A_276 : i32
        %parallel_loop3A_278 = arith.extui %parallel_loop3A_277 : i1 to i32
        %parallel_loop3A_279 = arith.constant 0 : i32
        %parallel_loop3A_280 = arith.cmpi slt, %parallel_loop3A_267, %parallel_loop3A_279 : i32
        %parallel_loop3A_281 = arith.extui %parallel_loop3A_280 : i1 to i32
        %parallel_loop3A_282 = arith.subi %parallel_loop3A_278, %parallel_loop3A_281 : i32
        %parallel_loop3A_283 = arith.cmpi ne, %parallel_loop3A_275, %parallel_loop3A_282 : i32
        %parallel_loop3A_284 = arith.remsi %parallel_loop3A_256, %parallel_loop3A_267 : i32
        %parallel_loop3A_285 = arith.constant 0 : i32
        %parallel_loop3A_286 = arith.cmpi ne, %parallel_loop3A_284, %parallel_loop3A_285 : i32
        %parallel_loop3A_287 = arith.andi %parallel_loop3A_283, %parallel_loop3A_286 : i1
        %parallel_loop3A_288 = arith.constant 1 : i32
        %parallel_loop3A_289 = arith.subi %parallel_loop3A_268, %parallel_loop3A_288 : i32
        %parallel_loop3A_290 = arith.select %parallel_loop3A_287, %parallel_loop3A_289, %parallel_loop3A_268 : i32
        %parallel_loop3A_291 = arith.constant 8 : i32
        %parallel_loop3A_292 = arith.remsi %parallel_loop3A_256, %parallel_loop3A_291 : i32
        %parallel_loop3A_293 = arith.constant 0 : i32
        %parallel_loop3A_294 = arith.constant 0 : i32
        %parallel_loop3A_295 = arith.constant 0 : i32
        %parallel_loop3A_296 = tpu.memref_slice %arg7[%parallel_loop3A_133, %parallel_loop3A_293, %parallel_loop3A_294, %parallel_loop3A_295] : memref<2x8x8x128xf32, #tpu.memory_space<vmem>> -> memref<1x8x8x128xf32, #tpu.memory_space<vmem>>
        %parallel_loop3A_297 = tpu.memref_squeeze %parallel_loop3A_296 : memref<1x8x8x128xf32, #tpu.memory_space<vmem>> -> memref<8x8x128xf32, #tpu.memory_space<vmem>>
        %parallel_loop3A_298 = arith.index_cast %parallel_loop3A_290 : i32 to index
        %parallel_loop3A_299 = arith.index_cast %parallel_loop3A_292 : i32 to index
        %parallel_loop3A_300 = arith.constant 112 : index
        %parallel_loop3A_301 = tpu.vector_load %parallel_loop3A_297[%parallel_loop3A_298, %parallel_loop3A_299, %parallel_loop3A_300] {strides = array<i32>} : memref<8x8x128xf32, #tpu.memory_space<vmem>>, vector<16xf32>,
        tpu.vector_store %parallel_loop3A_297[%parallel_loop3A_298, %parallel_loop3A_299, %parallel_loop3A_300], %parallel_loop3A_266 {strides = array<i32>} : memref<8x8x128xf32, #tpu.memory_space<vmem>>, vector<16xf32>,
      } {sc.loop_unroll_factor = 16 : i64, sc.parallel_access}
      %mul3A_134 = arith.constant 2 : i32
      %mul3A_135 = arith.muli %mul3A_134, %scan3A_63 : i32
      %add3A_136 = arith.constant 0 : i32
      %add3A_137 = arith.addi %mul3A_135, %add3A_136 : i32
      %dma_start3A = arith.constant 0 : i32
      %dma_start3A_138 = arith.constant 0 : i32
      %dma_start3A_139 = arith.constant 0 : i32
      %dma_start3A_140 = arith.constant 0 : i32
      %dma_start3A_141 = arith.constant 0 : i32
      %dma_start3A_142 = tpu.memref_slice %arg7[%dma_start3A, %dma_start3A_139, %dma_start3A_140, %dma_start3A_141] : memref<2x8x8x128xf32, #tpu.memory_space<vmem>> -> memref<1x8x8x128xf32, #tpu.memory_space<vmem>>
      %dma_start3A_143 = tpu.memref_squeeze %dma_start3A_142 : memref<1x8x8x128xf32, #tpu.memory_space<vmem>> -> memref<8x8x128xf32, #tpu.memory_space<vmem>>
      %dma_start3A_144 = arith.constant 0 : i32
      %dma_start3A_145 = arith.constant 0 : i32
      %dma_start3A_146 = arith.constant 0 : i32
      %dma_start3A_147 = tpu.memref_slice %arg4[%add3A_137, %dma_start3A_144, %add3A, %dma_start3A_145, %dma_start3A_146] : memref<50x8x32x8x128xf32, #tpu.memory_space<hbm>> -> memref<1x8x1x8x128xf32, #tpu.memory_space<hbm>>
      %dma_start3A_148 = tpu.memref_squeeze %dma_start3A_147 : memref<1x8x1x8x128xf32, #tpu.memory_space<hbm>> -> memref<8x8x128xf32, #tpu.memory_space<hbm>>
      %dma_start3A_149 = tpu.memref_slice %arg9[%dma_start3A_138] : memref<2x!tpu.dma_semaphore, #tpu.memory_space<semaphore_mem>> -> memref<1x!tpu.dma_semaphore, #tpu.memory_space<semaphore_mem>>
      %dma_start3A_150 = tpu.memref_squeeze %dma_start3A_149 : memref<1x!tpu.dma_semaphore, #tpu.memory_space<semaphore_mem>> -> memref<!tpu.dma_semaphore, #tpu.memory_space<semaphore_mem>>
      %dma_start3A_151 = arith.constant 0 : i32
      %dma_start3A_152 = arith.constant 0 : i32
      %dma_start3A_153 = arith.constant 0 : i32
      %dma_start3A_154 = tpu.memref_slice %arg4[%add3A_137, %dma_start3A_151, %add3A, %dma_start3A_152, %dma_start3A_153] : memref<50x8x32x8x128xf32, #tpu.memory_space<hbm>> -> memref<1x8x1x8x128xf32, #tpu.memory_space<hbm>>
      %dma_start3A_155 = tpu.memref_squeeze %dma_start3A_154 : memref<1x8x1x8x128xf32, #tpu.memory_space<hbm>> -> memref<8x8x128xf32, #tpu.memory_space<hbm>>
      %dma_start3A_156 = arith.constant 0 : i32
      %dma_start3A_157 = arith.constant 0 : i32
      %dma_start3A_158 = arith.constant 0 : i32
      %dma_start3A_159 = tpu.memref_slice %arg7[%dma_start3A, %dma_start3A_156, %dma_start3A_157, %dma_start3A_158] : memref<2x8x8x128xf32, #tpu.memory_space<vmem>> -> memref<1x8x8x128xf32, #tpu.memory_space<vmem>>
      %dma_start3A_160 = tpu.memref_squeeze %dma_start3A_159 : memref<1x8x8x128xf32, #tpu.memory_space<vmem>> -> memref<8x8x128xf32, #tpu.memory_space<vmem>>
      tpu.enqueue_dma source(%dma_start3A_160 : memref<8x8x128xf32, #tpu.memory_space<vmem>>) target(%dma_start3A_155 : memref<8x8x128xf32, #tpu.memory_space<hbm>>) target_semaphore(%dma_start3A_150 : memref<!tpu.dma_semaphore, #tpu.memory_space<semaphore_mem>>)
      %ge3A_161 = arith.constant 1 : i32
      %ge3A_162 = arith.cmpi sge, %scan3A_63, %ge3A_161 : i32
      %convert_element_type3A_163 = arith.extui %ge3A_162 : i1 to i32
      %cond3A_164 = arith.constant 1 : i32
      %cond3A_165 = arith.constant 0 : i32
      %cond3A_166 = arith.cmpi ne, %convert_element_type3A_163, %cond3A_165 : i32
      scf.if %cond3A_166 {
        %dma_wait3A_256 = arith.constant 0 : i32
        %dma_wait3A_257 = arith.constant 1 : i32
        %dma_wait3A_258 = arith.constant 0 : i32
        %dma_wait3A_259 = arith.constant 0 : i32
        %dma_wait3A_260 = arith.constant 0 : i32
        %dma_wait3A_261 = tpu.memref_slice %arg7[%cond3A_164, %dma_wait3A_258, %dma_wait3A_259, %dma_wait3A_260] : memref<2x8x8x128xf32, #tpu.memory_space<vmem>> -> memref<1x8x8x128xf32, #tpu.memory_space<vmem>>
        %dma_wait3A_262 = tpu.memref_squeeze %dma_wait3A_261 : memref<1x8x8x128xf32, #tpu.memory_space<vmem>> -> memref<8x8x128xf32, #tpu.memory_space<vmem>>
        %dma_wait3A_263 = arith.constant 0 : i32
        %dma_wait3A_264 = arith.constant 0 : i32
        %dma_wait3A_265 = arith.constant 0 : i32
        %dma_wait3A_266 = tpu.memref_slice %arg4[%dma_wait3A_256, %dma_wait3A_263, %add3A, %dma_wait3A_264, %dma_wait3A_265] : memref<50x8x32x8x128xf32, #tpu.memory_space<hbm>> -> memref<1x8x1x8x128xf32, #tpu.memory_space<hbm>>
        %dma_wait3A_267 = tpu.memref_squeeze %dma_wait3A_266 : memref<1x8x1x8x128xf32, #tpu.memory_space<hbm>> -> memref<8x8x128xf32, #tpu.memory_space<hbm>>
        %dma_wait3A_268 = tpu.memref_slice %arg9[%dma_wait3A_257] : memref<2x!tpu.dma_semaphore, #tpu.memory_space<semaphore_mem>> -> memref<1x!tpu.dma_semaphore, #tpu.memory_space<semaphore_mem>>
        %dma_wait3A_269 = tpu.memref_squeeze %dma_wait3A_268 : memref<1x!tpu.dma_semaphore, #tpu.memory_space<semaphore_mem>> -> memref<!tpu.dma_semaphore, #tpu.memory_space<semaphore_mem>>
        %dma_wait3A_270 = arith.constant 0 : i32
        %dma_wait3A_271 = arith.constant 0 : i32
        %dma_wait3A_272 = arith.constant 0 : i32
        %dma_wait3A_273 = tpu.memref_slice %arg4[%dma_wait3A_256, %dma_wait3A_270, %add3A, %dma_wait3A_271, %dma_wait3A_272] : memref<50x8x32x8x128xf32, #tpu.memory_space<hbm>> -> memref<1x8x1x8x128xf32, #tpu.memory_space<hbm>>
        %dma_wait3A_274 = tpu.memref_squeeze %dma_wait3A_273 : memref<1x8x1x8x128xf32, #tpu.memory_space<hbm>> -> memref<8x8x128xf32, #tpu.memory_space<hbm>>
        %dma_wait3A_275 = arith.constant 0 : i32
        %dma_wait3A_276 = arith.constant 0 : i32
        %dma_wait3A_277 = arith.constant 0 : i32
        %dma_wait3A_278 = tpu.memref_slice %arg7[%cond3A_164, %dma_wait3A_275, %dma_wait3A_276, %dma_wait3A_277] : memref<2x8x8x128xf32, #tpu.memory_space<vmem>> -> memref<1x8x8x128xf32, #tpu.memory_space<vmem>>
        %dma_wait3A_279 = tpu.memref_squeeze %dma_wait3A_278 : memref<1x8x8x128xf32, #tpu.memory_space<vmem>> -> memref<8x8x128xf32, #tpu.memory_space<vmem>>
        tpu.wait_dma2 semaphore(%dma_wait3A_269 : memref<!tpu.dma_semaphore, #tpu.memory_space<semaphore_mem>>) src(%dma_wait3A_279 : memref<8x8x128xf32, #tpu.memory_space<vmem>>) dst(%dma_wait3A_274 : memref<8x8x128xf32, #tpu.memory_space<hbm>>)
      } else {
      }
      %add3A_167 = arith.constant 128 : i32
      %add3A_168 = vector.broadcast %add3A_167 : i32 to vector<16xi32>
      %add3A_169 = arith.addi %add3A_168, %iota3A : vector<16xi32>
      %parallel_loop3A_170 = arith.constant 0 : i32
      %parallel_loop3A_171 = arith.constant 64 : i32
      %parallel_loop3A_172 = arith.constant 1 : i32
      %parallel_loop3A_173 = arith.constant 1 : i32
      scf.for %parallel_loop3A_256 = %parallel_loop3A_170 to %parallel_loop3A_171 step %parallel_loop3A_172  : i32 {
        %parallel_loop3A_257 = arith.constant 0 : i32
        %parallel_loop3A_258 = vector.broadcast %parallel_loop3A_257 : i32 to vector<16xi32>
        %parallel_loop3A_259 = arith.muli %iota3A, %parallel_loop3A_258 : vector<16xi32>
        %parallel_loop3A_260 = vector.broadcast %parallel_loop3A_256 : i32 to vector<16xi32>
        %parallel_loop3A_261 = arith.addi %parallel_loop3A_259, %parallel_loop3A_260 : vector<16xi32>
        %parallel_loop3A_262 = arith.constant 0 : i32
        %parallel_loop3A_263 = arith.constant 0 : i32
        %parallel_loop3A_264 = tpu.memref_slice %arg6[%rem3A_64, %parallel_loop3A_262, %parallel_loop3A_263] : memref<3x256x128xf32, #tpu.memory_space<vmem>> -> memref<1x256x128xf32, #tpu.memory_space<vmem>>
        %parallel_loop3A_265 = tpu.memref_squeeze %parallel_loop3A_264 : memref<1x256x128xf32, #tpu.memory_space<vmem>> -> memref<256x128xf32, #tpu.memory_space<vmem>>
        %parallel_loop3A_266 = tpu.vector_load_idx %parallel_loop3A_265[%add3A_169, %parallel_loop3A_261] masked %lt3A_2 : memref<256x128xf32, #tpu.memory_space<vmem>>[vector<16xi32>, vector<16xi32>], vector<16xf32>, vector<16xi1>
        %parallel_loop3A_267 = arith.constant 8 : i32
        %parallel_loop3A_268 = arith.divsi %parallel_loop3A_256, %parallel_loop3A_267 : i32
        %parallel_loop3A_269 = arith.constant 0 : i32
        %parallel_loop3A_270 = arith.cmpi sgt, %parallel_loop3A_256, %parallel_loop3A_269 : i32
        %parallel_loop3A_271 = arith.extui %parallel_loop3A_270 : i1 to i32
        %parallel_loop3A_272 = arith.constant 0 : i32
        %parallel_loop3A_273 = arith.cmpi slt, %parallel_loop3A_256, %parallel_loop3A_272 : i32
        %parallel_loop3A_274 = arith.extui %parallel_loop3A_273 : i1 to i32
        %parallel_loop3A_275 = arith.subi %parallel_loop3A_271, %parallel_loop3A_274 : i32
        %parallel_loop3A_276 = arith.constant 0 : i32
        %parallel_loop3A_277 = arith.cmpi sgt, %parallel_loop3A_267, %parallel_loop3A_276 : i32
        %parallel_loop3A_278 = arith.extui %parallel_loop3A_277 : i1 to i32
        %parallel_loop3A_279 = arith.constant 0 : i32
        %parallel_loop3A_280 = arith.cmpi slt, %parallel_loop3A_267, %parallel_loop3A_279 : i32
        %parallel_loop3A_281 = arith.extui %parallel_loop3A_280 : i1 to i32
        %parallel_loop3A_282 = arith.subi %parallel_loop3A_278, %parallel_loop3A_281 : i32
        %parallel_loop3A_283 = arith.cmpi ne, %parallel_loop3A_275, %parallel_loop3A_282 : i32
        %parallel_loop3A_284 = arith.remsi %parallel_loop3A_256, %parallel_loop3A_267 : i32
        %parallel_loop3A_285 = arith.constant 0 : i32
        %parallel_loop3A_286 = arith.cmpi ne, %parallel_loop3A_284, %parallel_loop3A_285 : i32
        %parallel_loop3A_287 = arith.andi %parallel_loop3A_283, %parallel_loop3A_286 : i1
        %parallel_loop3A_288 = arith.constant 1 : i32
        %parallel_loop3A_289 = arith.subi %parallel_loop3A_268, %parallel_loop3A_288 : i32
        %parallel_loop3A_290 = arith.select %parallel_loop3A_287, %parallel_loop3A_289, %parallel_loop3A_268 : i32
        %parallel_loop3A_291 = arith.constant 8 : i32
        %parallel_loop3A_292 = arith.remsi %parallel_loop3A_256, %parallel_loop3A_291 : i32
        %parallel_loop3A_293 = arith.constant 0 : i32
        %parallel_loop3A_294 = arith.constant 0 : i32
        %parallel_loop3A_295 = arith.constant 0 : i32
        %parallel_loop3A_296 = tpu.memref_slice %arg7[%parallel_loop3A_173, %parallel_loop3A_293, %parallel_loop3A_294, %parallel_loop3A_295] : memref<2x8x8x128xf32, #tpu.memory_space<vmem>> -> memref<1x8x8x128xf32, #tpu.memory_space<vmem>>
        %parallel_loop3A_297 = tpu.memref_squeeze %parallel_loop3A_296 : memref<1x8x8x128xf32, #tpu.memory_space<vmem>> -> memref<8x8x128xf32, #tpu.memory_space<vmem>>
        %parallel_loop3A_298 = arith.index_cast %parallel_loop3A_290 : i32 to index
        %parallel_loop3A_299 = arith.index_cast %parallel_loop3A_292 : i32 to index
        %parallel_loop3A_300 = arith.constant 0 : index
        %parallel_loop3A_301 = tpu.vector_load %parallel_loop3A_297[%parallel_loop3A_298, %parallel_loop3A_299, %parallel_loop3A_300] {strides = array<i32>} : memref<8x8x128xf32, #tpu.memory_space<vmem>>, vector<16xf32>,
        tpu.vector_store %parallel_loop3A_297[%parallel_loop3A_298, %parallel_loop3A_299, %parallel_loop3A_300], %parallel_loop3A_266 {strides = array<i32>} : memref<8x8x128xf32, #tpu.memory_space<vmem>>, vector<16xf32>,
      } {sc.loop_unroll_factor = 16 : i64, sc.parallel_access}
      %add3A_174 = arith.constant 144 : i32
      %add3A_175 = vector.broadcast %add3A_174 : i32 to vector<16xi32>
      %add3A_176 = arith.addi %add3A_175, %iota3A : vector<16xi32>
      %parallel_loop3A_177 = arith.constant 0 : i32
      %parallel_loop3A_178 = arith.constant 64 : i32
      %parallel_loop3A_179 = arith.constant 1 : i32
      %parallel_loop3A_180 = arith.constant 1 : i32
      scf.for %parallel_loop3A_256 = %parallel_loop3A_177 to %parallel_loop3A_178 step %parallel_loop3A_179  : i32 {
        %parallel_loop3A_257 = arith.constant 0 : i32
        %parallel_loop3A_258 = vector.broadcast %parallel_loop3A_257 : i32 to vector<16xi32>
        %parallel_loop3A_259 = arith.muli %iota3A, %parallel_loop3A_258 : vector<16xi32>
        %parallel_loop3A_260 = vector.broadcast %parallel_loop3A_256 : i32 to vector<16xi32>
        %parallel_loop3A_261 = arith.addi %parallel_loop3A_259, %parallel_loop3A_260 : vector<16xi32>
        %parallel_loop3A_262 = arith.constant 0 : i32
        %parallel_loop3A_263 = arith.constant 0 : i32
        %parallel_loop3A_264 = tpu.memref_slice %arg6[%rem3A_64, %parallel_loop3A_262, %parallel_loop3A_263] : memref<3x256x128xf32, #tpu.memory_space<vmem>> -> memref<1x256x128xf32, #tpu.memory_space<vmem>>
        %parallel_loop3A_265 = tpu.memref_squeeze %parallel_loop3A_264 : memref<1x256x128xf32, #tpu.memory_space<vmem>> -> memref<256x128xf32, #tpu.memory_space<vmem>>
        %parallel_loop3A_266 = tpu.vector_load_idx %parallel_loop3A_265[%add3A_176, %parallel_loop3A_261] masked %lt3A_2 : memref<256x128xf32, #tpu.memory_space<vmem>>[vector<16xi32>, vector<16xi32>], vector<16xf32>, vector<16xi1>
        %parallel_loop3A_267 = arith.constant 8 : i32
        %parallel_loop3A_268 = arith.divsi %parallel_loop3A_256, %parallel_loop3A_267 : i32
        %parallel_loop3A_269 = arith.constant 0 : i32
        %parallel_loop3A_270 = arith.cmpi sgt, %parallel_loop3A_256, %parallel_loop3A_269 : i32
        %parallel_loop3A_271 = arith.extui %parallel_loop3A_270 : i1 to i32
        %parallel_loop3A_272 = arith.constant 0 : i32
        %parallel_loop3A_273 = arith.cmpi slt, %parallel_loop3A_256, %parallel_loop3A_272 : i32
        %parallel_loop3A_274 = arith.extui %parallel_loop3A_273 : i1 to i32
        %parallel_loop3A_275 = arith.subi %parallel_loop3A_271, %parallel_loop3A_274 : i32
        %parallel_loop3A_276 = arith.constant 0 : i32
        %parallel_loop3A_277 = arith.cmpi sgt, %parallel_loop3A_267, %parallel_loop3A_276 : i32
        %parallel_loop3A_278 = arith.extui %parallel_loop3A_277 : i1 to i32
        %parallel_loop3A_279 = arith.constant 0 : i32
        %parallel_loop3A_280 = arith.cmpi slt, %parallel_loop3A_267, %parallel_loop3A_279 : i32
        %parallel_loop3A_281 = arith.extui %parallel_loop3A_280 : i1 to i32
        %parallel_loop3A_282 = arith.subi %parallel_loop3A_278, %parallel_loop3A_281 : i32
        %parallel_loop3A_283 = arith.cmpi ne, %parallel_loop3A_275, %parallel_loop3A_282 : i32
        %parallel_loop3A_284 = arith.remsi %parallel_loop3A_256, %parallel_loop3A_267 : i32
        %parallel_loop3A_285 = arith.constant 0 : i32
        %parallel_loop3A_286 = arith.cmpi ne, %parallel_loop3A_284, %parallel_loop3A_285 : i32
        %parallel_loop3A_287 = arith.andi %parallel_loop3A_283, %parallel_loop3A_286 : i1
        %parallel_loop3A_288 = arith.constant 1 : i32
        %parallel_loop3A_289 = arith.subi %parallel_loop3A_268, %parallel_loop3A_288 : i32
        %parallel_loop3A_290 = arith.select %parallel_loop3A_287, %parallel_loop3A_289, %parallel_loop3A_268 : i32
        %parallel_loop3A_291 = arith.constant 8 : i32
        %parallel_loop3A_292 = arith.remsi %parallel_loop3A_256, %parallel_loop3A_291 : i32
        %parallel_loop3A_293 = arith.constant 0 : i32
        %parallel_loop3A_294 = arith.constant 0 : i32
        %parallel_loop3A_295 = arith.constant 0 : i32
        %parallel_loop3A_296 = tpu.memref_slice %arg7[%parallel_loop3A_180, %parallel_loop3A_293, %parallel_loop3A_294, %parallel_loop3A_295] : memref<2x8x8x128xf32, #tpu.memory_space<vmem>> -> memref<1x8x8x128xf32, #tpu.memory_space<vmem>>
        %parallel_loop3A_297 = tpu.memref_squeeze %parallel_loop3A_296 : memref<1x8x8x128xf32, #tpu.memory_space<vmem>> -> memref<8x8x128xf32, #tpu.memory_space<vmem>>
        %parallel_loop3A_298 = arith.index_cast %parallel_loop3A_290 : i32 to index
        %parallel_loop3A_299 = arith.index_cast %parallel_loop3A_292 : i32 to index
        %parallel_loop3A_300 = arith.constant 16 : index
        %parallel_loop3A_301 = tpu.vector_load %parallel_loop3A_297[%parallel_loop3A_298, %parallel_loop3A_299, %parallel_loop3A_300] {strides = array<i32>} : memref<8x8x128xf32, #tpu.memory_space<vmem>>, vector<16xf32>,
        tpu.vector_store %parallel_loop3A_297[%parallel_loop3A_298, %parallel_loop3A_299, %parallel_loop3A_300], %parallel_loop3A_266 {strides = array<i32>} : memref<8x8x128xf32, #tpu.memory_space<vmem>>, vector<16xf32>,
      } {sc.loop_unroll_factor = 16 : i64, sc.parallel_access}
      %add3A_181 = arith.constant 160 : i32
      %add3A_182 = vector.broadcast %add3A_181 : i32 to vector<16xi32>
      %add3A_183 = arith.addi %add3A_182, %iota3A : vector<16xi32>
      %parallel_loop3A_184 = arith.constant 0 : i32
      %parallel_loop3A_185 = arith.constant 64 : i32
      %parallel_loop3A_186 = arith.constant 1 : i32
      %parallel_loop3A_187 = arith.constant 1 : i32
      scf.for %parallel_loop3A_256 = %parallel_loop3A_184 to %parallel_loop3A_185 step %parallel_loop3A_186  : i32 {
        %parallel_loop3A_257 = arith.constant 0 : i32
        %parallel_loop3A_258 = vector.broadcast %parallel_loop3A_257 : i32 to vector<16xi32>
        %parallel_loop3A_259 = arith.muli %iota3A, %parallel_loop3A_258 : vector<16xi32>
        %parallel_loop3A_260 = vector.broadcast %parallel_loop3A_256 : i32 to vector<16xi32>
        %parallel_loop3A_261 = arith.addi %parallel_loop3A_259, %parallel_loop3A_260 : vector<16xi32>
        %parallel_loop3A_262 = arith.constant 0 : i32
        %parallel_loop3A_263 = arith.constant 0 : i32
        %parallel_loop3A_264 = tpu.memref_slice %arg6[%rem3A_64, %parallel_loop3A_262, %parallel_loop3A_263] : memref<3x256x128xf32, #tpu.memory_space<vmem>> -> memref<1x256x128xf32, #tpu.memory_space<vmem>>
        %parallel_loop3A_265 = tpu.memref_squeeze %parallel_loop3A_264 : memref<1x256x128xf32, #tpu.memory_space<vmem>> -> memref<256x128xf32, #tpu.memory_space<vmem>>
        %parallel_loop3A_266 = tpu.vector_load_idx %parallel_loop3A_265[%add3A_183, %parallel_loop3A_261] masked %lt3A_2 : memref<256x128xf32, #tpu.memory_space<vmem>>[vector<16xi32>, vector<16xi32>], vector<16xf32>, vector<16xi1>
        %parallel_loop3A_267 = arith.constant 8 : i32
        %parallel_loop3A_268 = arith.divsi %parallel_loop3A_256, %parallel_loop3A_267 : i32
        %parallel_loop3A_269 = arith.constant 0 : i32
        %parallel_loop3A_270 = arith.cmpi sgt, %parallel_loop3A_256, %parallel_loop3A_269 : i32
        %parallel_loop3A_271 = arith.extui %parallel_loop3A_270 : i1 to i32
        %parallel_loop3A_272 = arith.constant 0 : i32
        %parallel_loop3A_273 = arith.cmpi slt, %parallel_loop3A_256, %parallel_loop3A_272 : i32
        %parallel_loop3A_274 = arith.extui %parallel_loop3A_273 : i1 to i32
        %parallel_loop3A_275 = arith.subi %parallel_loop3A_271, %parallel_loop3A_274 : i32
        %parallel_loop3A_276 = arith.constant 0 : i32
        %parallel_loop3A_277 = arith.cmpi sgt, %parallel_loop3A_267, %parallel_loop3A_276 : i32
        %parallel_loop3A_278 = arith.extui %parallel_loop3A_277 : i1 to i32
        %parallel_loop3A_279 = arith.constant 0 : i32
        %parallel_loop3A_280 = arith.cmpi slt, %parallel_loop3A_267, %parallel_loop3A_279 : i32
        %parallel_loop3A_281 = arith.extui %parallel_loop3A_280 : i1 to i32
        %parallel_loop3A_282 = arith.subi %parallel_loop3A_278, %parallel_loop3A_281 : i32
        %parallel_loop3A_283 = arith.cmpi ne, %parallel_loop3A_275, %parallel_loop3A_282 : i32
        %parallel_loop3A_284 = arith.remsi %parallel_loop3A_256, %parallel_loop3A_267 : i32
        %parallel_loop3A_285 = arith.constant 0 : i32
        %parallel_loop3A_286 = arith.cmpi ne, %parallel_loop3A_284, %parallel_loop3A_285 : i32
        %parallel_loop3A_287 = arith.andi %parallel_loop3A_283, %parallel_loop3A_286 : i1
        %parallel_loop3A_288 = arith.constant 1 : i32
        %parallel_loop3A_289 = arith.subi %parallel_loop3A_268, %parallel_loop3A_288 : i32
        %parallel_loop3A_290 = arith.select %parallel_loop3A_287, %parallel_loop3A_289, %parallel_loop3A_268 : i32
        %parallel_loop3A_291 = arith.constant 8 : i32
        %parallel_loop3A_292 = arith.remsi %parallel_loop3A_256, %parallel_loop3A_291 : i32
        %parallel_loop3A_293 = arith.constant 0 : i32
        %parallel_loop3A_294 = arith.constant 0 : i32
        %parallel_loop3A_295 = arith.constant 0 : i32
        %parallel_loop3A_296 = tpu.memref_slice %arg7[%parallel_loop3A_187, %parallel_loop3A_293, %parallel_loop3A_294, %parallel_loop3A_295] : memref<2x8x8x128xf32, #tpu.memory_space<vmem>> -> memref<1x8x8x128xf32, #tpu.memory_space<vmem>>
        %parallel_loop3A_297 = tpu.memref_squeeze %parallel_loop3A_296 : memref<1x8x8x128xf32, #tpu.memory_space<vmem>> -> memref<8x8x128xf32, #tpu.memory_space<vmem>>
        %parallel_loop3A_298 = arith.index_cast %parallel_loop3A_290 : i32 to index
        %parallel_loop3A_299 = arith.index_cast %parallel_loop3A_292 : i32 to index
        %parallel_loop3A_300 = arith.constant 32 : index
        %parallel_loop3A_301 = tpu.vector_load %parallel_loop3A_297[%parallel_loop3A_298, %parallel_loop3A_299, %parallel_loop3A_300] {strides = array<i32>} : memref<8x8x128xf32, #tpu.memory_space<vmem>>, vector<16xf32>,
        tpu.vector_store %parallel_loop3A_297[%parallel_loop3A_298, %parallel_loop3A_299, %parallel_loop3A_300], %parallel_loop3A_266 {strides = array<i32>} : memref<8x8x128xf32, #tpu.memory_space<vmem>>, vector<16xf32>,
      } {sc.loop_unroll_factor = 16 : i64, sc.parallel_access}
      %add3A_188 = arith.constant 176 : i32
      %add3A_189 = vector.broadcast %add3A_188 : i32 to vector<16xi32>
      %add3A_190 = arith.addi %add3A_189, %iota3A : vector<16xi32>
      %parallel_loop3A_191 = arith.constant 0 : i32
      %parallel_loop3A_192 = arith.constant 64 : i32
      %parallel_loop3A_193 = arith.constant 1 : i32
      %parallel_loop3A_194 = arith.constant 1 : i32
      scf.for %parallel_loop3A_256 = %parallel_loop3A_191 to %parallel_loop3A_192 step %parallel_loop3A_193  : i32 {
        %parallel_loop3A_257 = arith.constant 0 : i32
        %parallel_loop3A_258 = vector.broadcast %parallel_loop3A_257 : i32 to vector<16xi32>
        %parallel_loop3A_259 = arith.muli %iota3A, %parallel_loop3A_258 : vector<16xi32>
        %parallel_loop3A_260 = vector.broadcast %parallel_loop3A_256 : i32 to vector<16xi32>
        %parallel_loop3A_261 = arith.addi %parallel_loop3A_259, %parallel_loop3A_260 : vector<16xi32>
        %parallel_loop3A_262 = arith.constant 0 : i32
        %parallel_loop3A_263 = arith.constant 0 : i32
        %parallel_loop3A_264 = tpu.memref_slice %arg6[%rem3A_64, %parallel_loop3A_262, %parallel_loop3A_263] : memref<3x256x128xf32, #tpu.memory_space<vmem>> -> memref<1x256x128xf32, #tpu.memory_space<vmem>>
        %parallel_loop3A_265 = tpu.memref_squeeze %parallel_loop3A_264 : memref<1x256x128xf32, #tpu.memory_space<vmem>> -> memref<256x128xf32, #tpu.memory_space<vmem>>
        %parallel_loop3A_266 = tpu.vector_load_idx %parallel_loop3A_265[%add3A_190, %parallel_loop3A_261] masked %lt3A_2 : memref<256x128xf32, #tpu.memory_space<vmem>>[vector<16xi32>, vector<16xi32>], vector<16xf32>, vector<16xi1>
        %parallel_loop3A_267 = arith.constant 8 : i32
        %parallel_loop3A_268 = arith.divsi %parallel_loop3A_256, %parallel_loop3A_267 : i32
        %parallel_loop3A_269 = arith.constant 0 : i32
        %parallel_loop3A_270 = arith.cmpi sgt, %parallel_loop3A_256, %parallel_loop3A_269 : i32
        %parallel_loop3A_271 = arith.extui %parallel_loop3A_270 : i1 to i32
        %parallel_loop3A_272 = arith.constant 0 : i32
        %parallel_loop3A_273 = arith.cmpi slt, %parallel_loop3A_256, %parallel_loop3A_272 : i32
        %parallel_loop3A_274 = arith.extui %parallel_loop3A_273 : i1 to i32
        %parallel_loop3A_275 = arith.subi %parallel_loop3A_271, %parallel_loop3A_274 : i32
        %parallel_loop3A_276 = arith.constant 0 : i32
        %parallel_loop3A_277 = arith.cmpi sgt, %parallel_loop3A_267, %parallel_loop3A_276 : i32
        %parallel_loop3A_278 = arith.extui %parallel_loop3A_277 : i1 to i32
        %parallel_loop3A_279 = arith.constant 0 : i32
        %parallel_loop3A_280 = arith.cmpi slt, %parallel_loop3A_267, %parallel_loop3A_279 : i32
        %parallel_loop3A_281 = arith.extui %parallel_loop3A_280 : i1 to i32
        %parallel_loop3A_282 = arith.subi %parallel_loop3A_278, %parallel_loop3A_281 : i32
        %parallel_loop3A_283 = arith.cmpi ne, %parallel_loop3A_275, %parallel_loop3A_282 : i32
        %parallel_loop3A_284 = arith.remsi %parallel_loop3A_256, %parallel_loop3A_267 : i32
        %parallel_loop3A_285 = arith.constant 0 : i32
        %parallel_loop3A_286 = arith.cmpi ne, %parallel_loop3A_284, %parallel_loop3A_285 : i32
        %parallel_loop3A_287 = arith.andi %parallel_loop3A_283, %parallel_loop3A_286 : i1
        %parallel_loop3A_288 = arith.constant 1 : i32
        %parallel_loop3A_289 = arith.subi %parallel_loop3A_268, %parallel_loop3A_288 : i32
        %parallel_loop3A_290 = arith.select %parallel_loop3A_287, %parallel_loop3A_289, %parallel_loop3A_268 : i32
        %parallel_loop3A_291 = arith.constant 8 : i32
        %parallel_loop3A_292 = arith.remsi %parallel_loop3A_256, %parallel_loop3A_291 : i32
        %parallel_loop3A_293 = arith.constant 0 : i32
        %parallel_loop3A_294 = arith.constant 0 : i32
        %parallel_loop3A_295 = arith.constant 0 : i32
        %parallel_loop3A_296 = tpu.memref_slice %arg7[%parallel_loop3A_194, %parallel_loop3A_293, %parallel_loop3A_294, %parallel_loop3A_295] : memref<2x8x8x128xf32, #tpu.memory_space<vmem>> -> memref<1x8x8x128xf32, #tpu.memory_space<vmem>>
        %parallel_loop3A_297 = tpu.memref_squeeze %parallel_loop3A_296 : memref<1x8x8x128xf32, #tpu.memory_space<vmem>> -> memref<8x8x128xf32, #tpu.memory_space<vmem>>
        %parallel_loop3A_298 = arith.index_cast %parallel_loop3A_290 : i32 to index
        %parallel_loop3A_299 = arith.index_cast %parallel_loop3A_292 : i32 to index
        %parallel_loop3A_300 = arith.constant 48 : index
        %parallel_loop3A_301 = tpu.vector_load %parallel_loop3A_297[%parallel_loop3A_298, %parallel_loop3A_299, %parallel_loop3A_300] {strides = array<i32>} : memref<8x8x128xf32, #tpu.memory_space<vmem>>, vector<16xf32>,
        tpu.vector_store %parallel_loop3A_297[%parallel_loop3A_298, %parallel_loop3A_299, %parallel_loop3A_300], %parallel_loop3A_266 {strides = array<i32>} : memref<8x8x128xf32, #tpu.memory_space<vmem>>, vector<16xf32>,
      } {sc.loop_unroll_factor = 16 : i64, sc.parallel_access}
      %add3A_195 = arith.constant 192 : i32
      %add3A_196 = vector.broadcast %add3A_195 : i32 to vector<16xi32>
      %add3A_197 = arith.addi %add3A_196, %iota3A : vector<16xi32>
      %parallel_loop3A_198 = arith.constant 0 : i32
      %parallel_loop3A_199 = arith.constant 64 : i32
      %parallel_loop3A_200 = arith.constant 1 : i32
      %parallel_loop3A_201 = arith.constant 1 : i32
      scf.for %parallel_loop3A_256 = %parallel_loop3A_198 to %parallel_loop3A_199 step %parallel_loop3A_200  : i32 {
        %parallel_loop3A_257 = arith.constant 0 : i32
        %parallel_loop3A_258 = vector.broadcast %parallel_loop3A_257 : i32 to vector<16xi32>
        %parallel_loop3A_259 = arith.muli %iota3A, %parallel_loop3A_258 : vector<16xi32>
        %parallel_loop3A_260 = vector.broadcast %parallel_loop3A_256 : i32 to vector<16xi32>
        %parallel_loop3A_261 = arith.addi %parallel_loop3A_259, %parallel_loop3A_260 : vector<16xi32>
        %parallel_loop3A_262 = arith.constant 0 : i32
        %parallel_loop3A_263 = arith.constant 0 : i32
        %parallel_loop3A_264 = tpu.memref_slice %arg6[%rem3A_64, %parallel_loop3A_262, %parallel_loop3A_263] : memref<3x256x128xf32, #tpu.memory_space<vmem>> -> memref<1x256x128xf32, #tpu.memory_space<vmem>>
        %parallel_loop3A_265 = tpu.memref_squeeze %parallel_loop3A_264 : memref<1x256x128xf32, #tpu.memory_space<vmem>> -> memref<256x128xf32, #tpu.memory_space<vmem>>
        %parallel_loop3A_266 = tpu.vector_load_idx %parallel_loop3A_265[%add3A_197, %parallel_loop3A_261] masked %lt3A_2 : memref<256x128xf32, #tpu.memory_space<vmem>>[vector<16xi32>, vector<16xi32>], vector<16xf32>, vector<16xi1>
        %parallel_loop3A_267 = arith.constant 8 : i32
        %parallel_loop3A_268 = arith.divsi %parallel_loop3A_256, %parallel_loop3A_267 : i32
        %parallel_loop3A_269 = arith.constant 0 : i32
        %parallel_loop3A_270 = arith.cmpi sgt, %parallel_loop3A_256, %parallel_loop3A_269 : i32
        %parallel_loop3A_271 = arith.extui %parallel_loop3A_270 : i1 to i32
        %parallel_loop3A_272 = arith.constant 0 : i32
        %parallel_loop3A_273 = arith.cmpi slt, %parallel_loop3A_256, %parallel_loop3A_272 : i32
        %parallel_loop3A_274 = arith.extui %parallel_loop3A_273 : i1 to i32
        %parallel_loop3A_275 = arith.subi %parallel_loop3A_271, %parallel_loop3A_274 : i32
        %parallel_loop3A_276 = arith.constant 0 : i32
        %parallel_loop3A_277 = arith.cmpi sgt, %parallel_loop3A_267, %parallel_loop3A_276 : i32
        %parallel_loop3A_278 = arith.extui %parallel_loop3A_277 : i1 to i32
        %parallel_loop3A_279 = arith.constant 0 : i32
        %parallel_loop3A_280 = arith.cmpi slt, %parallel_loop3A_267, %parallel_loop3A_279 : i32
        %parallel_loop3A_281 = arith.extui %parallel_loop3A_280 : i1 to i32
        %parallel_loop3A_282 = arith.subi %parallel_loop3A_278, %parallel_loop3A_281 : i32
        %parallel_loop3A_283 = arith.cmpi ne, %parallel_loop3A_275, %parallel_loop3A_282 : i32
        %parallel_loop3A_284 = arith.remsi %parallel_loop3A_256, %parallel_loop3A_267 : i32
        %parallel_loop3A_285 = arith.constant 0 : i32
        %parallel_loop3A_286 = arith.cmpi ne, %parallel_loop3A_284, %parallel_loop3A_285 : i32
        %parallel_loop3A_287 = arith.andi %parallel_loop3A_283, %parallel_loop3A_286 : i1
        %parallel_loop3A_288 = arith.constant 1 : i32
        %parallel_loop3A_289 = arith.subi %parallel_loop3A_268, %parallel_loop3A_288 : i32
        %parallel_loop3A_290 = arith.select %parallel_loop3A_287, %parallel_loop3A_289, %parallel_loop3A_268 : i32
        %parallel_loop3A_291 = arith.constant 8 : i32
        %parallel_loop3A_292 = arith.remsi %parallel_loop3A_256, %parallel_loop3A_291 : i32
        %parallel_loop3A_293 = arith.constant 0 : i32
        %parallel_loop3A_294 = arith.constant 0 : i32
        %parallel_loop3A_295 = arith.constant 0 : i32
        %parallel_loop3A_296 = tpu.memref_slice %arg7[%parallel_loop3A_201, %parallel_loop3A_293, %parallel_loop3A_294, %parallel_loop3A_295] : memref<2x8x8x128xf32, #tpu.memory_space<vmem>> -> memref<1x8x8x128xf32, #tpu.memory_space<vmem>>
        %parallel_loop3A_297 = tpu.memref_squeeze %parallel_loop3A_296 : memref<1x8x8x128xf32, #tpu.memory_space<vmem>> -> memref<8x8x128xf32, #tpu.memory_space<vmem>>
        %parallel_loop3A_298 = arith.index_cast %parallel_loop3A_290 : i32 to index
        %parallel_loop3A_299 = arith.index_cast %parallel_loop3A_292 : i32 to index
        %parallel_loop3A_300 = arith.constant 64 : index
        %parallel_loop3A_301 = tpu.vector_load %parallel_loop3A_297[%parallel_loop3A_298, %parallel_loop3A_299, %parallel_loop3A_300] {strides = array<i32>} : memref<8x8x128xf32, #tpu.memory_space<vmem>>, vector<16xf32>,
        tpu.vector_store %parallel_loop3A_297[%parallel_loop3A_298, %parallel_loop3A_299, %parallel_loop3A_300], %parallel_loop3A_266 {strides = array<i32>} : memref<8x8x128xf32, #tpu.memory_space<vmem>>, vector<16xf32>,
      } {sc.loop_unroll_factor = 16 : i64, sc.parallel_access}
      %add3A_202 = arith.constant 208 : i32
      %add3A_203 = vector.broadcast %add3A_202 : i32 to vector<16xi32>
      %add3A_204 = arith.addi %add3A_203, %iota3A : vector<16xi32>
      %parallel_loop3A_205 = arith.constant 0 : i32
      %parallel_loop3A_206 = arith.constant 64 : i32
      %parallel_loop3A_207 = arith.constant 1 : i32
      %parallel_loop3A_208 = arith.constant 1 : i32
      scf.for %parallel_loop3A_256 = %parallel_loop3A_205 to %parallel_loop3A_206 step %parallel_loop3A_207  : i32 {
        %parallel_loop3A_257 = arith.constant 0 : i32
        %parallel_loop3A_258 = vector.broadcast %parallel_loop3A_257 : i32 to vector<16xi32>
        %parallel_loop3A_259 = arith.muli %iota3A, %parallel_loop3A_258 : vector<16xi32>
        %parallel_loop3A_260 = vector.broadcast %parallel_loop3A_256 : i32 to vector<16xi32>
        %parallel_loop3A_261 = arith.addi %parallel_loop3A_259, %parallel_loop3A_260 : vector<16xi32>
        %parallel_loop3A_262 = arith.constant 0 : i32
        %parallel_loop3A_263 = arith.constant 0 : i32
        %parallel_loop3A_264 = tpu.memref_slice %arg6[%rem3A_64, %parallel_loop3A_262, %parallel_loop3A_263] : memref<3x256x128xf32, #tpu.memory_space<vmem>> -> memref<1x256x128xf32, #tpu.memory_space<vmem>>
        %parallel_loop3A_265 = tpu.memref_squeeze %parallel_loop3A_264 : memref<1x256x128xf32, #tpu.memory_space<vmem>> -> memref<256x128xf32, #tpu.memory_space<vmem>>
        %parallel_loop3A_266 = tpu.vector_load_idx %parallel_loop3A_265[%add3A_204, %parallel_loop3A_261] masked %lt3A_2 : memref<256x128xf32, #tpu.memory_space<vmem>>[vector<16xi32>, vector<16xi32>], vector<16xf32>, vector<16xi1>
        %parallel_loop3A_267 = arith.constant 8 : i32
        %parallel_loop3A_268 = arith.divsi %parallel_loop3A_256, %parallel_loop3A_267 : i32
        %parallel_loop3A_269 = arith.constant 0 : i32
        %parallel_loop3A_270 = arith.cmpi sgt, %parallel_loop3A_256, %parallel_loop3A_269 : i32
        %parallel_loop3A_271 = arith.extui %parallel_loop3A_270 : i1 to i32
        %parallel_loop3A_272 = arith.constant 0 : i32
        %parallel_loop3A_273 = arith.cmpi slt, %parallel_loop3A_256, %parallel_loop3A_272 : i32
        %parallel_loop3A_274 = arith.extui %parallel_loop3A_273 : i1 to i32
        %parallel_loop3A_275 = arith.subi %parallel_loop3A_271, %parallel_loop3A_274 : i32
        %parallel_loop3A_276 = arith.constant 0 : i32
        %parallel_loop3A_277 = arith.cmpi sgt, %parallel_loop3A_267, %parallel_loop3A_276 : i32
        %parallel_loop3A_278 = arith.extui %parallel_loop3A_277 : i1 to i32
        %parallel_loop3A_279 = arith.constant 0 : i32
        %parallel_loop3A_280 = arith.cmpi slt, %parallel_loop3A_267, %parallel_loop3A_279 : i32
        %parallel_loop3A_281 = arith.extui %parallel_loop3A_280 : i1 to i32
        %parallel_loop3A_282 = arith.subi %parallel_loop3A_278, %parallel_loop3A_281 : i32
        %parallel_loop3A_283 = arith.cmpi ne, %parallel_loop3A_275, %parallel_loop3A_282 : i32
        %parallel_loop3A_284 = arith.remsi %parallel_loop3A_256, %parallel_loop3A_267 : i32
        %parallel_loop3A_285 = arith.constant 0 : i32
        %parallel_loop3A_286 = arith.cmpi ne, %parallel_loop3A_284, %parallel_loop3A_285 : i32
        %parallel_loop3A_287 = arith.andi %parallel_loop3A_283, %parallel_loop3A_286 : i1
        %parallel_loop3A_288 = arith.constant 1 : i32
        %parallel_loop3A_289 = arith.subi %parallel_loop3A_268, %parallel_loop3A_288 : i32
        %parallel_loop3A_290 = arith.select %parallel_loop3A_287, %parallel_loop3A_289, %parallel_loop3A_268 : i32
        %parallel_loop3A_291 = arith.constant 8 : i32
        %parallel_loop3A_292 = arith.remsi %parallel_loop3A_256, %parallel_loop3A_291 : i32
        %parallel_loop3A_293 = arith.constant 0 : i32
        %parallel_loop3A_294 = arith.constant 0 : i32
        %parallel_loop3A_295 = arith.constant 0 : i32
        %parallel_loop3A_296 = tpu.memref_slice %arg7[%parallel_loop3A_208, %parallel_loop3A_293, %parallel_loop3A_294, %parallel_loop3A_295] : memref<2x8x8x128xf32, #tpu.memory_space<vmem>> -> memref<1x8x8x128xf32, #tpu.memory_space<vmem>>
        %parallel_loop3A_297 = tpu.memref_squeeze %parallel_loop3A_296 : memref<1x8x8x128xf32, #tpu.memory_space<vmem>> -> memref<8x8x128xf32, #tpu.memory_space<vmem>>
        %parallel_loop3A_298 = arith.index_cast %parallel_loop3A_290 : i32 to index
        %parallel_loop3A_299 = arith.index_cast %parallel_loop3A_292 : i32 to index
        %parallel_loop3A_300 = arith.constant 80 : index
        %parallel_loop3A_301 = tpu.vector_load %parallel_loop3A_297[%parallel_loop3A_298, %parallel_loop3A_299, %parallel_loop3A_300] {strides = array<i32>} : memref<8x8x128xf32, #tpu.memory_space<vmem>>, vector<16xf32>,
        tpu.vector_store %parallel_loop3A_297[%parallel_loop3A_298, %parallel_loop3A_299, %parallel_loop3A_300], %parallel_loop3A_266 {strides = array<i32>} : memref<8x8x128xf32, #tpu.memory_space<vmem>>, vector<16xf32>,
      } {sc.loop_unroll_factor = 16 : i64, sc.parallel_access}
      %add3A_209 = arith.constant 224 : i32
      %add3A_210 = vector.broadcast %add3A_209 : i32 to vector<16xi32>
      %add3A_211 = arith.addi %add3A_210, %iota3A : vector<16xi32>
      %parallel_loop3A_212 = arith.constant 0 : i32
      %parallel_loop3A_213 = arith.constant 64 : i32
      %parallel_loop3A_214 = arith.constant 1 : i32
      %parallel_loop3A_215 = arith.constant 1 : i32
      scf.for %parallel_loop3A_256 = %parallel_loop3A_212 to %parallel_loop3A_213 step %parallel_loop3A_214  : i32 {
        %parallel_loop3A_257 = arith.constant 0 : i32
        %parallel_loop3A_258 = vector.broadcast %parallel_loop3A_257 : i32 to vector<16xi32>
        %parallel_loop3A_259 = arith.muli %iota3A, %parallel_loop3A_258 : vector<16xi32>
        %parallel_loop3A_260 = vector.broadcast %parallel_loop3A_256 : i32 to vector<16xi32>
        %parallel_loop3A_261 = arith.addi %parallel_loop3A_259, %parallel_loop3A_260 : vector<16xi32>
        %parallel_loop3A_262 = arith.constant 0 : i32
        %parallel_loop3A_263 = arith.constant 0 : i32
        %parallel_loop3A_264 = tpu.memref_slice %arg6[%rem3A_64, %parallel_loop3A_262, %parallel_loop3A_263] : memref<3x256x128xf32, #tpu.memory_space<vmem>> -> memref<1x256x128xf32, #tpu.memory_space<vmem>>
        %parallel_loop3A_265 = tpu.memref_squeeze %parallel_loop3A_264 : memref<1x256x128xf32, #tpu.memory_space<vmem>> -> memref<256x128xf32, #tpu.memory_space<vmem>>
        %parallel_loop3A_266 = tpu.vector_load_idx %parallel_loop3A_265[%add3A_211, %parallel_loop3A_261] masked %lt3A_2 : memref<256x128xf32, #tpu.memory_space<vmem>>[vector<16xi32>, vector<16xi32>], vector<16xf32>, vector<16xi1>
        %parallel_loop3A_267 = arith.constant 8 : i32
        %parallel_loop3A_268 = arith.divsi %parallel_loop3A_256, %parallel_loop3A_267 : i32
        %parallel_loop3A_269 = arith.constant 0 : i32
        %parallel_loop3A_270 = arith.cmpi sgt, %parallel_loop3A_256, %parallel_loop3A_269 : i32
        %parallel_loop3A_271 = arith.extui %parallel_loop3A_270 : i1 to i32
        %parallel_loop3A_272 = arith.constant 0 : i32
        %parallel_loop3A_273 = arith.cmpi slt, %parallel_loop3A_256, %parallel_loop3A_272 : i32
        %parallel_loop3A_274 = arith.extui %parallel_loop3A_273 : i1 to i32
        %parallel_loop3A_275 = arith.subi %parallel_loop3A_271, %parallel_loop3A_274 : i32
        %parallel_loop3A_276 = arith.constant 0 : i32
        %parallel_loop3A_277 = arith.cmpi sgt, %parallel_loop3A_267, %parallel_loop3A_276 : i32
        %parallel_loop3A_278 = arith.extui %parallel_loop3A_277 : i1 to i32
        %parallel_loop3A_279 = arith.constant 0 : i32
        %parallel_loop3A_280 = arith.cmpi slt, %parallel_loop3A_267, %parallel_loop3A_279 : i32
        %parallel_loop3A_281 = arith.extui %parallel_loop3A_280 : i1 to i32
        %parallel_loop3A_282 = arith.subi %parallel_loop3A_278, %parallel_loop3A_281 : i32
        %parallel_loop3A_283 = arith.cmpi ne, %parallel_loop3A_275, %parallel_loop3A_282 : i32
        %parallel_loop3A_284 = arith.remsi %parallel_loop3A_256, %parallel_loop3A_267 : i32
        %parallel_loop3A_285 = arith.constant 0 : i32
        %parallel_loop3A_286 = arith.cmpi ne, %parallel_loop3A_284, %parallel_loop3A_285 : i32
        %parallel_loop3A_287 = arith.andi %parallel_loop3A_283, %parallel_loop3A_286 : i1
        %parallel_loop3A_288 = arith.constant 1 : i32
        %parallel_loop3A_289 = arith.subi %parallel_loop3A_268, %parallel_loop3A_288 : i32
        %parallel_loop3A_290 = arith.select %parallel_loop3A_287, %parallel_loop3A_289, %parallel_loop3A_268 : i32
        %parallel_loop3A_291 = arith.constant 8 : i32
        %parallel_loop3A_292 = arith.remsi %parallel_loop3A_256, %parallel_loop3A_291 : i32
        %parallel_loop3A_293 = arith.constant 0 : i32
        %parallel_loop3A_294 = arith.constant 0 : i32
        %parallel_loop3A_295 = arith.constant 0 : i32
        %parallel_loop3A_296 = tpu.memref_slice %arg7[%parallel_loop3A_215, %parallel_loop3A_293, %parallel_loop3A_294, %parallel_loop3A_295] : memref<2x8x8x128xf32, #tpu.memory_space<vmem>> -> memref<1x8x8x128xf32, #tpu.memory_space<vmem>>
        %parallel_loop3A_297 = tpu.memref_squeeze %parallel_loop3A_296 : memref<1x8x8x128xf32, #tpu.memory_space<vmem>> -> memref<8x8x128xf32, #tpu.memory_space<vmem>>
        %parallel_loop3A_298 = arith.index_cast %parallel_loop3A_290 : i32 to index
        %parallel_loop3A_299 = arith.index_cast %parallel_loop3A_292 : i32 to index
        %parallel_loop3A_300 = arith.constant 96 : index
        %parallel_loop3A_301 = tpu.vector_load %parallel_loop3A_297[%parallel_loop3A_298, %parallel_loop3A_299, %parallel_loop3A_300] {strides = array<i32>} : memref<8x8x128xf32, #tpu.memory_space<vmem>>, vector<16xf32>,
        tpu.vector_store %parallel_loop3A_297[%parallel_loop3A_298, %parallel_loop3A_299, %parallel_loop3A_300], %parallel_loop3A_266 {strides = array<i32>} : memref<8x8x128xf32, #tpu.memory_space<vmem>>, vector<16xf32>,
      } {sc.loop_unroll_factor = 16 : i64, sc.parallel_access}
      %add3A_216 = arith.constant 240 : i32
      %add3A_217 = vector.broadcast %add3A_216 : i32 to vector<16xi32>
      %add3A_218 = arith.addi %add3A_217, %iota3A : vector<16xi32>
      %parallel_loop3A_219 = arith.constant 0 : i32
      %parallel_loop3A_220 = arith.constant 64 : i32
      %parallel_loop3A_221 = arith.constant 1 : i32
      %parallel_loop3A_222 = arith.constant 1 : i32
      scf.for %parallel_loop3A_256 = %parallel_loop3A_219 to %parallel_loop3A_220 step %parallel_loop3A_221  : i32 {
        %parallel_loop3A_257 = arith.constant 0 : i32
        %parallel_loop3A_258 = vector.broadcast %parallel_loop3A_257 : i32 to vector<16xi32>
        %parallel_loop3A_259 = arith.muli %iota3A, %parallel_loop3A_258 : vector<16xi32>
        %parallel_loop3A_260 = vector.broadcast %parallel_loop3A_256 : i32 to vector<16xi32>
        %parallel_loop3A_261 = arith.addi %parallel_loop3A_259, %parallel_loop3A_260 : vector<16xi32>
        %parallel_loop3A_262 = arith.constant 0 : i32
        %parallel_loop3A_263 = arith.constant 0 : i32
        %parallel_loop3A_264 = tpu.memref_slice %arg6[%rem3A_64, %parallel_loop3A_262, %parallel_loop3A_263] : memref<3x256x128xf32, #tpu.memory_space<vmem>> -> memref<1x256x128xf32, #tpu.memory_space<vmem>>
        %parallel_loop3A_265 = tpu.memref_squeeze %parallel_loop3A_264 : memref<1x256x128xf32, #tpu.memory_space<vmem>> -> memref<256x128xf32, #tpu.memory_space<vmem>>
        %parallel_loop3A_266 = tpu.vector_load_idx %parallel_loop3A_265[%add3A_218, %parallel_loop3A_261] masked %lt3A_2 : memref<256x128xf32, #tpu.memory_space<vmem>>[vector<16xi32>, vector<16xi32>], vector<16xf32>, vector<16xi1>
        %parallel_loop3A_267 = arith.constant 8 : i32
        %parallel_loop3A_268 = arith.divsi %parallel_loop3A_256, %parallel_loop3A_267 : i32
        %parallel_loop3A_269 = arith.constant 0 : i32
        %parallel_loop3A_270 = arith.cmpi sgt, %parallel_loop3A_256, %parallel_loop3A_269 : i32
        %parallel_loop3A_271 = arith.extui %parallel_loop3A_270 : i1 to i32
        %parallel_loop3A_272 = arith.constant 0 : i32
        %parallel_loop3A_273 = arith.cmpi slt, %parallel_loop3A_256, %parallel_loop3A_272 : i32
        %parallel_loop3A_274 = arith.extui %parallel_loop3A_273 : i1 to i32
        %parallel_loop3A_275 = arith.subi %parallel_loop3A_271, %parallel_loop3A_274 : i32
        %parallel_loop3A_276 = arith.constant 0 : i32
        %parallel_loop3A_277 = arith.cmpi sgt, %parallel_loop3A_267, %parallel_loop3A_276 : i32
        %parallel_loop3A_278 = arith.extui %parallel_loop3A_277 : i1 to i32
        %parallel_loop3A_279 = arith.constant 0 : i32
        %parallel_loop3A_280 = arith.cmpi slt, %parallel_loop3A_267, %parallel_loop3A_279 : i32
        %parallel_loop3A_281 = arith.extui %parallel_loop3A_280 : i1 to i32
        %parallel_loop3A_282 = arith.subi %parallel_loop3A_278, %parallel_loop3A_281 : i32
        %parallel_loop3A_283 = arith.cmpi ne, %parallel_loop3A_275, %parallel_loop3A_282 : i32
        %parallel_loop3A_284 = arith.remsi %parallel_loop3A_256, %parallel_loop3A_267 : i32
        %parallel_loop3A_285 = arith.constant 0 : i32
        %parallel_loop3A_286 = arith.cmpi ne, %parallel_loop3A_284, %parallel_loop3A_285 : i32
        %parallel_loop3A_287 = arith.andi %parallel_loop3A_283, %parallel_loop3A_286 : i1
        %parallel_loop3A_288 = arith.constant 1 : i32
        %parallel_loop3A_289 = arith.subi %parallel_loop3A_268, %parallel_loop3A_288 : i32
        %parallel_loop3A_290 = arith.select %parallel_loop3A_287, %parallel_loop3A_289, %parallel_loop3A_268 : i32
        %parallel_loop3A_291 = arith.constant 8 : i32
        %parallel_loop3A_292 = arith.remsi %parallel_loop3A_256, %parallel_loop3A_291 : i32
        %parallel_loop3A_293 = arith.constant 0 : i32
        %parallel_loop3A_294 = arith.constant 0 : i32
        %parallel_loop3A_295 = arith.constant 0 : i32
        %parallel_loop3A_296 = tpu.memref_slice %arg7[%parallel_loop3A_222, %parallel_loop3A_293, %parallel_loop3A_294, %parallel_loop3A_295] : memref<2x8x8x128xf32, #tpu.memory_space<vmem>> -> memref<1x8x8x128xf32, #tpu.memory_space<vmem>>
        %parallel_loop3A_297 = tpu.memref_squeeze %parallel_loop3A_296 : memref<1x8x8x128xf32, #tpu.memory_space<vmem>> -> memref<8x8x128xf32, #tpu.memory_space<vmem>>
        %parallel_loop3A_298 = arith.index_cast %parallel_loop3A_290 : i32 to index
        %parallel_loop3A_299 = arith.index_cast %parallel_loop3A_292 : i32 to index
        %parallel_loop3A_300 = arith.constant 112 : index
        %parallel_loop3A_301 = tpu.vector_load %parallel_loop3A_297[%parallel_loop3A_298, %parallel_loop3A_299, %parallel_loop3A_300] {strides = array<i32>} : memref<8x8x128xf32, #tpu.memory_space<vmem>>, vector<16xf32>,
        tpu.vector_store %parallel_loop3A_297[%parallel_loop3A_298, %parallel_loop3A_299, %parallel_loop3A_300], %parallel_loop3A_266 {strides = array<i32>} : memref<8x8x128xf32, #tpu.memory_space<vmem>>, vector<16xf32>,
      } {sc.loop_unroll_factor = 16 : i64, sc.parallel_access}
      %mul3A_223 = arith.constant 2 : i32
      %mul3A_224 = arith.muli %mul3A_223, %scan3A_63 : i32
      %add3A_225 = arith.constant 1 : i32
      %add3A_226 = arith.addi %mul3A_224, %add3A_225 : i32
      %dma_start3A_227 = arith.constant 1 : i32
      %dma_start3A_228 = arith.constant 1 : i32
      %dma_start3A_229 = arith.constant 0 : i32
      %dma_start3A_230 = arith.constant 0 : i32
      %dma_start3A_231 = arith.constant 0 : i32
      %dma_start3A_232 = tpu.memref_slice %arg7[%dma_start3A_227, %dma_start3A_229, %dma_start3A_230, %dma_start3A_231] : memref<2x8x8x128xf32, #tpu.memory_space<vmem>> -> memref<1x8x8x128xf32, #tpu.memory_space<vmem>>
      %dma_start3A_233 = tpu.memref_squeeze %dma_start3A_232 : memref<1x8x8x128xf32, #tpu.memory_space<vmem>> -> memref<8x8x128xf32, #tpu.memory_space<vmem>>
      %dma_start3A_234 = arith.constant 0 : i32
      %dma_start3A_235 = arith.constant 0 : i32
      %dma_start3A_236 = arith.constant 0 : i32
      %dma_start3A_237 = tpu.memref_slice %arg4[%add3A_226, %dma_start3A_234, %add3A, %dma_start3A_235, %dma_start3A_236] : memref<50x8x32x8x128xf32, #tpu.memory_space<hbm>> -> memref<1x8x1x8x128xf32, #tpu.memory_space<hbm>>
      %dma_start3A_238 = tpu.memref_squeeze %dma_start3A_237 : memref<1x8x1x8x128xf32, #tpu.memory_space<hbm>> -> memref<8x8x128xf32, #tpu.memory_space<hbm>>
      %dma_start3A_239 = tpu.memref_slice %arg9[%dma_start3A_228] : memref<2x!tpu.dma_semaphore, #tpu.memory_space<semaphore_mem>> -> memref<1x!tpu.dma_semaphore, #tpu.memory_space<semaphore_mem>>
      %dma_start3A_240 = tpu.memref_squeeze %dma_start3A_239 : memref<1x!tpu.dma_semaphore, #tpu.memory_space<semaphore_mem>> -> memref<!tpu.dma_semaphore, #tpu.memory_space<semaphore_mem>>
      %dma_start3A_241 = arith.constant 0 : i32
      %dma_start3A_242 = arith.constant 0 : i32
      %dma_start3A_243 = arith.constant 0 : i32
      %dma_start3A_244 = tpu.memref_slice %arg4[%add3A_226, %dma_start3A_241, %add3A, %dma_start3A_242, %dma_start3A_243] : memref<50x8x32x8x128xf32, #tpu.memory_space<hbm>> -> memref<1x8x1x8x128xf32, #tpu.memory_space<hbm>>
      %dma_start3A_245 = tpu.memref_squeeze %dma_start3A_244 : memref<1x8x1x8x128xf32, #tpu.memory_space<hbm>> -> memref<8x8x128xf32, #tpu.memory_space<hbm>>
      %dma_start3A_246 = arith.constant 0 : i32
      %dma_start3A_247 = arith.constant 0 : i32
      %dma_start3A_248 = arith.constant 0 : i32
      %dma_start3A_249 = tpu.memref_slice %arg7[%dma_start3A_227, %dma_start3A_246, %dma_start3A_247, %dma_start3A_248] : memref<2x8x8x128xf32, #tpu.memory_space<vmem>> -> memref<1x8x8x128xf32, #tpu.memory_space<vmem>>
      %dma_start3A_250 = tpu.memref_squeeze %dma_start3A_249 : memref<1x8x8x128xf32, #tpu.memory_space<vmem>> -> memref<8x8x128xf32, #tpu.memory_space<vmem>>
      tpu.enqueue_dma source(%dma_start3A_250 : memref<8x8x128xf32, #tpu.memory_space<vmem>>) target(%dma_start3A_245 : memref<8x8x128xf32, #tpu.memory_space<hbm>>) target_semaphore(%dma_start3A_240 : memref<!tpu.dma_semaphore, #tpu.memory_space<semaphore_mem>>)
      %lt3A_251 = arith.constant 22 : i32
      %lt3A_252 = arith.cmpi slt, %scan3A_63, %lt3A_251 : i32
      %convert_element_type3A_253 = arith.extui %lt3A_252 : i1 to i32
      %cond3A_254 = arith.constant 0 : i32
      %cond3A_255 = arith.cmpi ne, %convert_element_type3A_253, %cond3A_254 : i32
      scf.if %cond3A_255 {
        %add3A_256 = arith.constant 3 : i32
        %add3A_257 = arith.addi %scan3A_63, %add3A_256 : i32
        %mul3A_258 = arith.constant 256 : i32
        %mul3A_259 = arith.muli %add3A_257, %mul3A_258 : i32
        %dma_start3A_260 = arith.constant 0 : i32
        %dma_start3A_261 = arith.constant 0 : i32
        %dma_start3A_262 = tpu.memref_slice %arg6[%rem3A_64, %dma_start3A_260, %dma_start3A_261] : memref<3x256x128xf32, #tpu.memory_space<vmem>> -> memref<1x256x128xf32, #tpu.memory_space<vmem>>
        %dma_start3A_263 = tpu.memref_squeeze %dma_start3A_262 : memref<1x256x128xf32, #tpu.memory_space<vmem>> -> memref<256x128xf32, #tpu.memory_space<vmem>>
        %dma_start3A_264 = tpu.memref_slice %arg5[%mul3A_259] : memref<6400xi32, #tpu.memory_space<vmem>> -> memref<256xi32, #tpu.memory_space<vmem>>
        %dma_start3A_265 = arith.constant 0 : i32
        %dma_start3A_266 = arith.constant 0 : i32
        %dma_start3A_267 = tpu.memref_slice %arg3[%dma_start3A_265, %dma_start3A_266] : memref<1000000x128xf32, #tpu.memory_space<hbm>> -> memref<1000000x128xf32, #tpu.memory_space<hbm>>
        %dma_start3A_268 = tpu.memref_slice %arg8[%rem3A_64] : memref<3x!tpu.dma_semaphore, #tpu.memory_space<semaphore_mem>> -> memref<1x!tpu.dma_semaphore, #tpu.memory_space<semaphore_mem>>
        %dma_start3A_269 = tpu.memref_squeeze %dma_start3A_268 : memref<1x!tpu.dma_semaphore, #tpu.memory_space<semaphore_mem>> -> memref<!tpu.dma_semaphore, #tpu.memory_space<semaphore_mem>>
        tpu.enqueue_indirect_dma source(%dma_start3A_267 : memref<1000000x128xf32, #tpu.memory_space<hbm>>) target(%dma_start3A_263 : memref<256x128xf32, #tpu.memory_space<vmem>>) offsets(%dma_start3A_264 : memref<256xi32, #tpu.memory_space<vmem>>) semaphore(%dma_start3A_269 : memref<!tpu.dma_semaphore, #tpu.memory_space<semaphore_mem>>)
      } else {
      }
    }
    %scan3A_13 = arith.constant 25 : i32
    %dma_wait3A = arith.constant 0 : i32
    %dma_wait3A_14 = arith.constant 0 : i32
    %dma_wait3A_15 = arith.constant 0 : i32
    %dma_wait3A_16 = arith.constant 0 : i32
    %dma_wait3A_17 = arith.constant 0 : i32
    %dma_wait3A_18 = arith.constant 0 : i32
    %dma_wait3A_19 = tpu.memref_slice %arg7[%dma_wait3A, %dma_wait3A_16, %dma_wait3A_17, %dma_wait3A_18] : memref<2x8x8x128xf32, #tpu.memory_space<vmem>> -> memref<1x8x8x128xf32, #tpu.memory_space<vmem>>
    %dma_wait3A_20 = tpu.memref_squeeze %dma_wait3A_19 : memref<1x8x8x128xf32, #tpu.memory_space<vmem>> -> memref<8x8x128xf32, #tpu.memory_space<vmem>>
    %dma_wait3A_21 = arith.constant 0 : i32
    %dma_wait3A_22 = arith.constant 0 : i32
    %dma_wait3A_23 = arith.constant 0 : i32
    %dma_wait3A_24 = tpu.memref_slice %arg4[%dma_wait3A_14, %dma_wait3A_21, %add3A, %dma_wait3A_22, %dma_wait3A_23] : memref<50x8x32x8x128xf32, #tpu.memory_space<hbm>> -> memref<1x8x1x8x128xf32, #tpu.memory_space<hbm>>
    %dma_wait3A_25 = tpu.memref_squeeze %dma_wait3A_24 : memref<1x8x1x8x128xf32, #tpu.memory_space<hbm>> -> memref<8x8x128xf32, #tpu.memory_space<hbm>>
    %dma_wait3A_26 = tpu.memref_slice %arg9[%dma_wait3A_15] : memref<2x!tpu.dma_semaphore, #tpu.memory_space<semaphore_mem>> -> memref<1x!tpu.dma_semaphore, #tpu.memory_space<semaphore_mem>>
    %dma_wait3A_27 = tpu.memref_squeeze %dma_wait3A_26 : memref<1x!tpu.dma_semaphore, #tpu.memory_space<semaphore_mem>> -> memref<!tpu.dma_semaphore, #tpu.memory_space<semaphore_mem>>
    %dma_wait3A_28 = arith.constant 0 : i32
    %dma_wait3A_29 = arith.constant 0 : i32
    %dma_wait3A_30 = arith.constant 0 : i32
    %dma_wait3A_31 = tpu.memref_slice %arg4[%dma_wait3A_14, %dma_wait3A_28, %add3A, %dma_wait3A_29, %dma_wait3A_30] : memref<50x8x32x8x128xf32, #tpu.memory_space<hbm>> -> memref<1x8x1x8x128xf32, #tpu.memory_space<hbm>>
    %dma_wait3A_32 = tpu.memref_squeeze %dma_wait3A_31 : memref<1x8x1x8x128xf32, #tpu.memory_space<hbm>> -> memref<8x8x128xf32, #tpu.memory_space<hbm>>
    %dma_wait3A_33 = arith.constant 0 : i32
    %dma_wait3A_34 = arith.constant 0 : i32
    %dma_wait3A_35 = arith.constant 0 : i32
    %dma_wait3A_36 = tpu.memref_slice %arg7[%dma_wait3A, %dma_wait3A_33, %dma_wait3A_34, %dma_wait3A_35] : memref<2x8x8x128xf32, #tpu.memory_space<vmem>> -> memref<1x8x8x128xf32, #tpu.memory_space<vmem>>
    %dma_wait3A_37 = tpu.memref_squeeze %dma_wait3A_36 : memref<1x8x8x128xf32, #tpu.memory_space<vmem>> -> memref<8x8x128xf32, #tpu.memory_space<vmem>>
    tpu.wait_dma2 semaphore(%dma_wait3A_27 : memref<!tpu.dma_semaphore, #tpu.memory_space<semaphore_mem>>) src(%dma_wait3A_37 : memref<8x8x128xf32, #tpu.memory_space<vmem>>) dst(%dma_wait3A_32 : memref<8x8x128xf32, #tpu.memory_space<hbm>>)
    %dma_wait3A_38 = arith.constant 1 : i32
    %dma_wait3A_39 = arith.constant 0 : i32
    %dma_wait3A_40 = arith.constant 1 : i32
    %dma_wait3A_41 = arith.constant 0 : i32
    %dma_wait3A_42 = arith.constant 0 : i32
    %dma_wait3A_43 = arith.constant 0 : i32
    %dma_wait3A_44 = tpu.memref_slice %arg7[%dma_wait3A_38, %dma_wait3A_41, %dma_wait3A_42, %dma_wait3A_43] : memref<2x8x8x128xf32, #tpu.memory_space<vmem>> -> memref<1x8x8x128xf32, #tpu.memory_space<vmem>>
    %dma_wait3A_45 = tpu.memref_squeeze %dma_wait3A_44 : memref<1x8x8x128xf32, #tpu.memory_space<vmem>> -> memref<8x8x128xf32, #tpu.memory_space<vmem>>
    %dma_wait3A_46 = arith.constant 0 : i32
    %dma_wait3A_47 = arith.constant 0 : i32
    %dma_wait3A_48 = arith.constant 0 : i32
    %dma_wait3A_49 = tpu.memref_slice %arg4[%dma_wait3A_39, %dma_wait3A_46, %add3A, %dma_wait3A_47, %dma_wait3A_48] : memref<50x8x32x8x128xf32, #tpu.memory_space<hbm>> -> memref<1x8x1x8x128xf32, #tpu.memory_space<hbm>>
    %dma_wait3A_50 = tpu.memref_squeeze %dma_wait3A_49 : memref<1x8x1x8x128xf32, #tpu.memory_space<hbm>> -> memref<8x8x128xf32, #tpu.memory_space<hbm>>
    %dma_wait3A_51 = tpu.memref_slice %arg9[%dma_wait3A_40] : memref<2x!tpu.dma_semaphore, #tpu.memory_space<semaphore_mem>> -> memref<1x!tpu.dma_semaphore, #tpu.memory_space<semaphore_mem>>
    %dma_wait3A_52 = tpu.memref_squeeze %dma_wait3A_51 : memref<1x!tpu.dma_semaphore, #tpu.memory_space<semaphore_mem>> -> memref<!tpu.dma_semaphore, #tpu.memory_space<semaphore_mem>>
    %dma_wait3A_53 = arith.constant 0 : i32
    %dma_wait3A_54 = arith.constant 0 : i32
    %dma_wait3A_55 = arith.constant 0 : i32
    %dma_wait3A_56 = tpu.memref_slice %arg4[%dma_wait3A_39, %dma_wait3A_53, %add3A, %dma_wait3A_54, %dma_wait3A_55] : memref<50x8x32x8x128xf32, #tpu.memory_space<hbm>> -> memref<1x8x1x8x128xf32, #tpu.memory_space<hbm>>
    %dma_wait3A_57 = tpu.memref_squeeze %dma_wait3A_56 : memref<1x8x1x8x128xf32, #tpu.memory_space<hbm>> -> memref<8x8x128xf32, #tpu.memory_space<hbm>>
    %dma_wait3A_58 = arith.constant 0 : i32
    %dma_wait3A_59 = arith.constant 0 : i32
    %dma_wait3A_60 = arith.constant 0 : i32
    %dma_wait3A_61 = tpu.memref_slice %arg7[%dma_wait3A_38, %dma_wait3A_58, %dma_wait3A_59, %dma_wait3A_60] : memref<2x8x8x128xf32, #tpu.memory_space<vmem>> -> memref<1x8x8x128xf32, #tpu.memory_space<vmem>>
    %dma_wait3A_62 = tpu.memref_squeeze %dma_wait3A_61 : memref<1x8x8x128xf32, #tpu.memory_space<vmem>> -> memref<8x8x128xf32, #tpu.memory_space<vmem>>
    tpu.wait_dma2 semaphore(%dma_wait3A_52 : memref<!tpu.dma_semaphore, #tpu.memory_space<semaphore_mem>>) src(%dma_wait3A_62 : memref<8x8x128xf32, #tpu.memory_space<vmem>>) dst(%dma_wait3A_57 : memref<8x8x128xf32, #tpu.memory_space<hbm>>)
    return
  }
}

</mosaic_0001>

<sc_bundles>
// kernel: kernel.3.cloned.1.call-start
scs
__scs_entry_jumppad:
0x0: {  	(pc) =	sbr.rel $0x88, $3  }
0x1: {  	(tag) =	ssettag $0x0;
	lr =	simm.s32 $0x1  }
0x2: {  	[smem:$0x3F9F] =	sst lr;
	_ =	strace $0xD0000000  }
0x3: {  	_ = 	snop  }
0x4: {  	_ = 	snop  }
0x5: {  	_ = 	snop  }
0x6: {  	_ = 	snop  }
0x7: {  	_ = 	snop  }
__scs_overlays_trampoline_lowered:
0x8: {  	[smem:$0x3FAE] =	sst s0  }
0x9: {  	[smem:$0x3FAF] =	sst s1  }
0xa: {  	[smem:$0x3FB0] =	sst s2  }
0xb: {  	[smem:$0x3FB1] =	sst s3  }
0xc: {  	[smem:$0x3FB2] =	sst s4  }
0xd: {  	[smem:$0x3FB3] =	sst s5  }
0xe: {  	[smem:$0x3FB4] =	sst s6  }
0xf: {  	[smem:$0x3FB5] =	sst s7  }
0x10: {  	[smem:$0x3FB6] =	sst s8  }
0x11: {  	[smem:$0x3FB7] =	sst s9;
	s0 =	simm.s32 @!p0 $0x0  }
0x12: {  	s1 =	sld [smem:$0x3F9D];
	s0 =	simm.s32 @p0 $0x1  }
0x13: {  	[smem:$0x3FB8] =	sst s0;
	s0 =	simm.s32 @!p1 $0x0  }
0x14: {  	s2 =	sld [smem:$0x3F9C];
	s0 =	simm.s32 @p1 $0x1  }
0x15: {  	[smem:$0x3FB9] =	sst s0;
	s0 =	simm.s32 @!p2 $0x0  }
0x16: {  	s3 =	sld [smem:$0x3FDB];
	s0 =	simm.s32 @p2 $0x1  }
0x17: {  	s4 =	simm.s32 $0x1BF5;
	[smem:$0x3FBB] =	sst s0  }
0x18: {  	s0 =	sld [smem:$0x3F9E];
	_ =	swait.ge [sflag:s4], $0x0  }
0x19: {  	s7 =	sld [smem:$0x3F9F]  }
0x1a: {  	s8 =	sadd.s32 $0xFFFFE003, lr  }
0x1b: {  	s9 =	sadd.s32 $0xFFFFFEF7, lr;
	s5 =	simm.s32 $0xFFFFFFFF;
	p2 =	slt.u32 s8, $0xFFFFF086  }
0x1c: {  	p1 =	slt.u32 s9, $0xF7A;
	s5 =	simm.s32 @!p2 $0x0  }
0x1d: {  	s5 =	simm.s32 @p1 $0x1;
	p0 =	seq.s32 s7, s2  }
0x1e: {  	s7 =	smul.u32 @!p0 $0xF7A, s2;
	p2 =	seq.s32 @!p0 s5, $0x0  }
0x1f: {  	s9 =	smul.u32 $0xF7A, s1;
	s8 =	simm.s32 @!p0 $0x1BF5;
	p2 =	por !p2, p0  }
0x20: {  	[sflag:s8] =	ssyncset.s32 @!p0 $0xFFFFF086;
	s6 =	sadd.s32 @!p0 s3, s7;
	s7 =	simm.s32 @!p0 $0x108  }
0x21: {  	s3 =	sadd.s32 s3, s9;
	s6 =	sadd.s32 @!p0 $0x88, s6;
	s7 =	simm.s32 @p2 $0x1082  }
0x22: {  	[simem:s7], [sflag:s8] =	dma.local @!p0 [hbm:s6], $0xF7A  }
0x23: {  	s9 =	sor.u32 $0xD0000000, s2;
	s6 =	simm.s32 $0x108;
	_ =	swait.ge @!p0 [sflag:s8], $0x0  }
0x24: {  	s3 =	sadd.s32 $0x88, s3;
	s6 =	simm.s32 @!p1 $0x1082;
	[sflag:s4] =	ssyncset.s32 $0xFFFFF086  }
0x25: {  	[simem:s6], [sflag:s4] =	dma.local [hbm:s3], $0xF7A  }
0x26: {  	[smem:$0x3F9F] =	sst s1;
	(tag) =	ssettag s2;
	_ =	strace s9  }
0x27: {  	s1 =	sld [smem:$0x3FAF]  }
0x28: {  	s2 =	sld [smem:$0x3FB0]  }
0x29: {  	s4 =	sld [smem:$0x3FB2]  }
0x2a: {  	p0 =	seq.s32 s5, $0x0;
	s5 =	sld [smem:$0x3FB3]  }
0x2b: {  	s6 =	sld [smem:$0x3FB4]  }
0x2c: {  	s7 =	sld [smem:$0x3FB5]  }
0x2d: {  	s3 =	simm.s32 $0x108;
	s8 =	sld [smem:$0x3FB6]  }
0x2e: {  	s3 =	simm.s32 @!p0 $0x1082;
	s9 =	sld [smem:$0x3FB7]  }
0x2f: {  	lr =	sadd.s32 s0, s3;
	s0 =	sld [smem:$0x3FAE]  }
0x30: {  	s3 =	sld [smem:$0x3FB1]  }
0x31: {  	[smem:$0x3FBA] =	sst s10  }
0x32: {  	s10 =	sld [smem:$0x3FB8];
	_ =	sdelay $0x3  }
0x33: {  	p0 =	seq.s32 s10, $0x1;
	s10 =	sld [smem:$0x3FBA];
	_ =	sdelay $0x3  }
0x34: {  	[smem:$0x3FBA] =	sst s10  }
0x35: {  	s10 =	sld [smem:$0x3FB9];
	_ =	sdelay $0x3  }
0x36: {  	p1 =	seq.s32 s10, $0x1;
	s10 =	sld [smem:$0x3FBA];
	_ =	sdelay $0x3  }
0x37: {  	[smem:$0x3FBA] =	sst s10  }
0x38: {  	s10 =	sld [smem:$0x3FBB]  }
0x39: {  	_ = 	snop;
	(pc) =	sbr.ind lr, $3  }
0x3a: {  	_ = 	snop  }
0x3b: {  	_ = 	snop  }
0x3c: {  	p2 =	seq.s32 s10, $0x1;
	s10 =	sld [smem:$0x3FBA]  }
0x3d: {  	_ =	shalt  }
0x3e: {  	_ =	shalt  }
0x3f: {  	_ =	shalt  }
0x40: {  	_ =	shalt  }
0x41: {  	_ =	shalt  }
0x42: {  	_ =	shalt  }
0x43: {  	_ =	shalt  }
0x44: {  	_ =	shalt  }
0x45: {  	_ =	shalt  }
0x46: {  	_ =	shalt  }
0x47: {  	_ =	shalt  }
0x48: {  	_ =	shalt  }
0x49: {  	_ =	shalt  }
0x4a: {  	_ =	shalt  }
0x4b: {  	_ =	shalt  }
0x4c: {  	_ =	shalt  }
0x4d: {  	_ =	shalt  }
0x4e: {  	_ =	shalt  }
0x4f: {  	_ =	shalt  }
0x50: {  	_ =	shalt  }
0x51: {  	_ =	shalt  }
0x52: {  	_ =	shalt  }
0x53: {  	_ =	shalt  }
0x54: {  	_ =	shalt  }
0x55: {  	_ =	shalt  }
0x56: {  	_ =	shalt  }
0x57: {  	_ =	shalt  }
0x58: {  	_ =	shalt  }
0x59: {  	_ =	shalt  }
0x5a: {  	_ =	shalt  }
0x5b: {  	_ =	shalt  }
0x5c: {  	_ =	shalt  }
0x5d: {  	_ =	shalt  }
0x5e: {  	_ =	shalt  }
0x5f: {  	_ =	shalt  }
0x60: {  	_ =	shalt  }
0x61: {  	_ =	shalt  }
0x62: {  	_ =	shalt  }
0x63: {  	_ =	shalt  }
0x64: {  	_ =	shalt  }
0x65: {  	_ =	shalt  }
0x66: {  	_ =	shalt  }
0x67: {  	_ =	shalt  }
0x68: {  	_ =	shalt  }
0x69: {  	_ =	shalt  }
0x6a: {  	_ =	shalt  }
0x6b: {  	_ =	shalt  }
0x6c: {  	_ =	shalt  }
0x6d: {  	_ =	shalt  }
0x6e: {  	_ =	shalt  }
0x6f: {  	_ =	shalt  }
0x70: {  	_ =	shalt  }
0x71: {  	_ =	shalt  }
0x72: {  	_ =	shalt  }
0x73: {  	_ =	shalt  }
0x74: {  	_ =	shalt  }
0x75: {  	_ =	shalt  }
0x76: {  	_ =	shalt  }
0x77: {  	_ =	shalt  }
0x78: {  	_ =	shalt  }
0x79: {  	_ =	shalt  }
0x7a: {  	_ =	shalt  }
0x7b: {  	_ =	shalt  }
0x7c: {  	_ =	shalt  }
0x7d: {  	_ =	shalt  }
0x7e: {  	_ =	shalt  }
0x7f: {  	_ =	shalt  }
0x80: {  	_ =	shalt  }
0x81: {  	_ =	shalt  }
0x82: {  	_ =	shalt  }
0x83: {  	_ =	shalt  }
0x84: {  	_ =	shalt  }
0x85: {  	_ =	shalt  }
0x86: {  	_ =	shalt  }
0x87: {  	_ =	shalt  }
.Lfunc_end0:
.L_simem_size_0:
called_computation_lowered:
.L_overlay_start_0:
0x88: {  	s2 =	sld [smem:$0x3FD9]  }
0x89: {  	s3 =	sld [smem:$0x3FFE];
	_ =	sdelay $0x1  }
0x8a: {  	s1 =	srdreg.scid  }
0x8b: {  	s0 =	sand.u32 $0x1, s1  }
0x8c: {  	s17 =	sshll.u32 s0, $0xA;
	s2 =	sadd.s32 s3, s2  }
0x8d: {  	s2 =	sadd.s32 s2, s17  }
0x8e: {  	[smem:$0x3FC6] =	sst s2  }
0x8f: {  	_ = 	snop  }
0x90: {  	s2 =	sld [smem:$0x3FD0];
	(tm) =	ssettm $0x1  }
0x91: {  	s18 =	sld [smem:$0x3FFB];
	_ =	sdelay $0x3  }
0x92: {  	_ =	strace s18  }
0x93: {  	s3 =	sld [smem:$0x3FFC];
	_ =	sdelay $0x3  }
0x94: {  	_ =	strace s3  }
0x95: {  	s3 =	sld [smem:$0x3FFD];
	_ =	sdelay $0x3  }
0x96: {  	_ =	strace s3  }
0x97: {  	_ =	strace $0x8FFFFFFF  }
0x98: {  	s19 =	sld [smem:$0x3FDB];
	_ =	sdelay $0x1  }
0x99: {  	s4 =	simm.s32 $_scs_section_size  }
0x9a: {  	s5 =	simm.s32 $_size__tile_overlayer_lowered;
	s6 =	simm.s32 $_tile_overlayer_lowered  }
0x9b: {  	s22 =	simm.s32 $0x1BFF;
	s21 =	sshll.u32 s6, $0x1;
	s3 =	sadd.s32 s4, s19  }
0x9c: {  	s7 =	simm.s32 $0x0;
	s20 =	sshll.u32 s5, $0x1;
	s5 =	sadd.s32 s21, s3  }
0x9d: {  	[timem:s7], [sflag:s22] =	dma.local [hbm:s5], s20  }
0x9e: {  	_ =	swait.ge [sflag:s22], s20  }
0x9f: {  	s4 =	ssub.s32 $0x0, s20;
	[sflag:s22] =	ssyncset.done $0x0  }
0xa0: {  	[sflag:s22] =	ssyncadd.s32 s4;
	_ =	sdelay $0x1  }
0xa1: {  	s23 =	simm.s32 $0x1B8B  }
0xa2: {  	_ =	swait.ge [sflag:s23], $0x1  }
0xa3: {  	[sflag:s23] =	ssyncset.done $0x0  }
0xa4: {  	s25 =	simm.s32 $0x1B8E;
	s24 =	sld [smem:$0x3FFE];
	[sflag:s23] =	ssyncadd.s32 $0xFFFFFFFF  }
0xa5: {  	s26 =	simm.s32 $execute0_lowered;
	[smem:$0x3FD2] =	sst s25  }
0xa6: {  	s5 =	sshll.u32 s26, $0x1;
	_ =	strace $0x80000046;
	[dreg:$0x1] =	wrdreg $0xFFFFFFFF  }
0xa7: {  	s28 =	simm.s32 $_size_execute0_lowered;
	s3 =	sadd.s32 s3, s5;
	[dreg:$0x0] =	wrdreg $0x0  }
0xa8: {  	s5 =	sshll.u32 s28, $0x1;
	[dreg:$0x2] =	wrdreg s3  }
0xa9: {  	[dreg:$0x3] =	wrdreg s5  }
0xaa: {  	[dreg:$0x4] =	wrdreg $0xC0  }
0xab: {  	_ =	task [dreg:s7], $0x5FFFF  }
0xac: {  	[dreg:$0x1] =	wrdreg $0xFFFFFFFF  }
0xad: {  	[dreg:$0x0] =	wrdreg $0x60  }
0xae: {  	[dreg:$0x2] =	wrdreg s24  }
0xaf: {  	[dreg:$0x3] =	wrdreg s2  }
0xb0: {  	[dreg:$0x4] =	wrdreg $0x9  }
0xb1: {  	_ =	task.clear_ibuf [dreg:s7], $0x5FFFF;
	_ =	strace $0x90000046  }
0xb2: {  	s29 =	simm.s32 $0x9;
	_ =	strace $0x80000048  }
0xb3: {  	_ =	swait.ge [sflag:s29], $0x1  }
0xb4: {  	[sflag:s29] =	ssyncadd.s32 $0xFFFFFFFF  }
0xb5: {  	_ =	strace $0x90000048  }
0xb6: {  	_ =	sfence  }
0xb7: {  	s30 =	sld [smem:$0x0];
	_ =	sdelay $0x2  }
0xb8: {  	s31 =	sshll.u32 s1, $0xD;
	s1 =	sshrl.u32 s1, $0x2  }
0xb9: {  	s3 =	sand.u32 $0x4000, s31;
	s1 =	sadd.s32 s1, s30  }
0xba: {  	s0 =	sor.u32 s3, s0;
	s1 =	sshll.u32 s1, $0x11  }
0xbb: {  	s0 =	sor.u32 s1, s0  }
0xbc: {  	s0 =	sadd.s32 $0x8F2B, s0  }
0xbd: {  	[sflag:s0] =	ssyncadd.remote.s32 $0x1  }
0xbe: {  	_ =	sfence.sel $0xFFFF  }
0xbf: {  	[dreg:$0x0] =	wrdreg $0xFFFFFFFF;
	(pc) =	sbr.abs _section_cstart, $3  }
0xc0: {  	[dreg:$0x1] =	wrdreg $0xFFFFFFFF  }
0xc1: {  	_ =	task.clear_ibuf [dreg:s7], $0x2FFFF;
	_ =	strace $0x9FFFFFFF  }
0xc2: {  	(tm) =	ssettm $0x7FFFFFFF  }
0xc3: {  	_ =	shalt  }
tec
execute0_lowered:
.L_overlay_start_1:
0x0: {  	(tag) =	ssettag $0x1  }
0x1: {  	s0 =	srdreg.scid  }
0x2: {  	s1 =	rddreg [dreg:$0x0];
	s2 =	stileid.u32  }
0x3: {  	s29 =	simm.s32 $0x0;
	s10 =	simm.s32 $0x400;
	s11 =	simm.s32 $0x6  }
0x4: {  	v0 =	vlaneseq.u32;
	s12 =	simm.s32 $0x100;
	s17 =	simm.s32 $0x8000;
	s18 =	simm.s32 $0x19900  }
0x5: {  	s19 =	simm.s32 $0x1B900;
	s20 =	simm.s32 $0x4;
	s0 =	sand.u32 $0x1, s0;
	v0 =	vmul.u32 $0x80, v0  }
0x6: {  	s3 =	sshrl.u32 s2, $0x2;
	s4 =	sshll.u32 s2, $0x8;
	s5 =	sshll.u32 s0, $0x7  }
0x7: {  	s21 =	simm.s32 $0x5;
	s6 =	smul.u32 $0xC800, s3;
	s3 =	sor.u32 s5, s4;
	v1 =	vor.u32 $0x800, v0  }
0x8: {  	s22 =	simm.s32 $0x0;
	s2 =	rddreg [dreg:$0x1];
	v2 =	vor.u32 $0x1000, v0;
	v3 =	vor.u32 $0x1800, v0;
	v4 =	vor.u32 $0x2000, v0;
	s5 =	sand.u32 $0x380, s3  }
0x9: {  	[smem:$0x7FF] =	sst s29;
	s0 =	ssub.s32 $0x2, s0;
	v5 =	vor.u32 $0x2800, v0;
	v6 =	vor.u32 $0x3000, v0;
	v7 =	vor.u32 $0x3800, v0;
	s5 =	sor.u32 s6, s5  }
0xa: {  	_ =	strace $0x80000047;
	s31 =	sshrl.u32 s0, $0x1;
	v8 =	vor.u32 $0x4000, v0;
	v9 =	vor.u32 $0x4800, v0;
	v10 =	vor.u32 $0x5000, v0;
	s5 =	sshrl.u32 s5, $0x3  }
0xb: {  	s7 =	sadd.s32 $0x8000, s2;
	v11 =	vor.u32 $0x5800, v0;
	v12 =	vor.u32 $0x6000, v0;
	v13 =	vor.u32 $0x6800, v0;
	s0 =	ssub.s32 s0, s31;
	s30 =	sadd.s32 s5, s1  }
0xc: {  	v14 =	vor.u32 $0x7000, v0;
	v15 =	vor.u32 $0x7800, v0;
	s8 =	smax.u32 s0, $0x1;
	s5 =	sadd.s32 $0xF48E00, s1;
	s6 =	sadd.s32 $0xF42A00, s30  }
.LBB2_1:
0xd: {  	s0 =	simm.s32 $0x0;
	s1 =	simm.s32 $0x80  }
0xe: {  	[tilespmem:s0], [sflag:$0x6] =	stream.strided.gather [hbm4b:s6+s1], $0x1900, s10, s1, $0x38;
	[tilespmem:$0x1D900] =	vst v63  }
0xf: {  	_ =	swait.ge [sflag:s11], $0x1900  }
0x10: {  	[sflag:s11] =	ssyncset.done $0x0  }
0x11: {  	s28 =	simm.s32 $0x1900;
	[sflag:s11] =	ssyncadd.s32 $0xFFFFE700  }
0x12: {  	[tilespmem:s28], [sflag:$0x1] =	stream.indirect.gather [hbm4b:s5+s12], $0x80, s0, s12, $0xb8;
	[tilespmem:$0x1D900] =	vst v63  }
0x13: {  	s29 =	simm.s32 $0x9900  }
0x14: {  	[tilespmem:s29], [sflag:$0x2] =	stream.indirect.gather [hbm4b:s5+s12], $0x80, s12, s12, $0xb8;
	[tilespmem:$0x1D900] =	vst v63  }
0x15: {  	s30 =	simm.s32 $0x200;
	s31 =	simm.s32 $0x11900;
	s23 =	simm.s32 $0x0  }
0x16: {  	[tilespmem:s31], [sflag:$0x3] =	stream.indirect.gather [hbm4b:s5+s12], $0x80, s30, s12, $0xb8;
	[tilespmem:$0x1D900] =	vst v63  }
.LBB2_2:
0x17: {  	s0 =	simm.s32 $0x0  }
0x18: {  	s1 =	simm.s32 $0x1;
	s24 =	simm.s32 $0x2;
	s25 =	smul.u32 $0xAB, s23  }
0x19: {  	s30 =	simm.s32 $0x5;
	s31 =	simm.s32 $0x9;
	s4 =	simm.s32 $0x8;
	v16 =	vmov s0;
	v17 =	vmov s1;
	v18 =	vmov s24  }
0x1a: {  	s13 =	simm.s32 $0xF;
	s14 =	simm.s32 $0xA;
	s15 =	simm.s32 $0xC;
	v20 =	vmov s30;
	v22 =	vmov s4;
	v23 =	vmov s31  }
0x1b: {  	s26 =	simm.s32 $0x4;
	s16 =	simm.s32 $0xD;
	v25 =	vmov s14;
	v26 =	vmov s13;
	v27 =	vmov s15;
	s25 =	sshrl.u32 s25, $0x9  }
0x1c: {  	s1 =	simm.s32 $0x7;
	v28 =	vmov s16;
	v19 =	vand.u32 $0x72, v18;
	v18 =	vmov s26;
	s9 =	sand.u32 $0x7F, s25  }
0x1d: {  	v21 =	vmov s1;
	v17 =	vand.u32 $0x71, v17;
	v26 =	vand.u32 $0x7F, v26;
	s0 =	smul.u32 $0x3, s9  }
0x1e: {  	v27 =	vand.u32 $0x7C, v27;
	v28 =	vand.u32 $0x7D, v28;
	v25 =	vand.u32 $0x7A, v25  }
0x1f: {  	s26 =	simm.s32 $0xE;
	v16 =	vand.u32 $0x70, v16;
	v33 =	vand.u32 $0x75, v20;
	v34 =	vand.u32 $0x79, v23;
	s0 =	ssub.s32 s23, s0  }
0x20: {  	s30 =	simm.s32 $0x6;
	v24 =	vand.u32 $0x74, v18;
	v18 =	vand.u32 $0x78, v22;
	v22 =	vmov s26;
	s0 =	sand.u32 $0xFF, s0  }
0x21: {  	v36 =	vbroadcast v26, $0x0;
	v26 =	vmov s30;
	v18 =	vbroadcast v18, $0x0;
	s24 =	sadd.s32 $0x1, s0  }
0x22: {  	v21 =	vand.u32 $0x77, v21;
	v19 =	vbroadcast v19, $0x0;
	v20 =	vbroadcast v16, $0x0;
	_ =	swait.ge [sflag:s24], $0x8000  }
0x23: {  	p0 =	seq.s32 s23, $0x0;
	s26 =	simm.s32 $0xB;
	v31 =	vand.u32 $0x7E, v22;
	v22 =	vbroadcast v27, $0x0;
	v29 =	vor.u32 v0, v18;
	[sflag:s24] =	ssyncset.done $0x0  }
0x24: {  	s31 =	simm.s32 $0x3;
	s1 =	simm.s32 @!p0 $0x4;
	v25 =	vbroadcast v25, $0x0;
	v45 =	vbroadcast v34, $0x0;
	v30 =	vmov s26;
	[sflag:s24] =	ssyncadd.s32 $0xFFFF8000  }
0x25: {  	v27 =	vmov s31;
	v35 =	vand.u32 $0x76, v26;
	v32 =	vor.u32 v0, v22;
	_ =	swait.ge @!p0 [sflag:s1], $0x2000  }
0x26: {  	v26 =	vbroadcast v28, $0x0;
	v28 =	vand.u32 $0x73, v27;
	v27 =	vbroadcast v21, $0x0;
	s0 =	sshll.u32 s0, $0xF;
	[sflag:s1] =	ssyncset.done @!p0 $0x0  }
0x27: {  	v23 =	vbroadcast v24, $0x0;
	v16 =	vbroadcast v31, $0x0;
	v31 =	vor.u32 v0, v19;
	s25 =	sor.u32 $0x1900, s0;
	[sflag:s1] =	ssyncadd.s32 @!p0 $0xFFFFE000  }
0x28: {  	v24 =	vbroadcast v33, $0x0;
	v30 =	vand.u32 $0x7B, v30;
	v43 =	vor.u32 v0, v27;
	v37 =	vld.idx.msk [tilespmem:v29+s25+$0x0], $0xffff  }
0x29: {  	v21 =	vbroadcast v35, $0x0;
	v40 =	vor.u32 v0, v36;
	v44 =	vbroadcast v30, $0x0  }
0x2a: {  	v28 =	vbroadcast v28, $0x0;
	v41 =	vor.u32 v0, v26;
	v38 =	vor.u32 v0, v23;
	v39 =	vld.idx.msk [tilespmem:v32+s25+$0x0], $0xffff  }
0x2b: {  	v30 =	vor.u32 v0, v24;
	v33 =	vor.u32 v0, v21;
	v35 =	vor.u32 v0, v16  }
0x2c: {  	s28 =	simm.s32 $0x19D00;
	v28 =	vor.u32 v0, v28;
	v29 =	vor.u32 v0, v25;
	v32 =	vor.u32 v0, v20;
	v34 =	vld.idx.msk [tilespmem:v31+s25+$0x0], $0xffff  }
0x2d: {  	s29 =	simm.s32 $0x1A500;
	v42 =	vbroadcast v17, $0x0;
	s26 =	simm.s32 $0x19D10;
	s1 =	simm.s32 $0x10;
	v36 =	vld.idx.msk [tilespmem:v43+s25+$0x0], $0xffff;
	v31 =	vor.u32 v0, v45;
	[tilespmem:s28+$0x0] =	vst v37;
	v37 =	vor.u32 v0, v44  }
.LBB2_3:
0x2e: {  	s0 =	sadd.s32 $0x1, s1  }
0x2f: {  	v43 =	vmov s1;
	s30 =	sadd.s32 $0x2, s1;
	s9 =	sadd.s32 $0xE, s1;
	[tilespmem:s28+$0x200] =	vst v39;
	v39 =	vld.idx.msk [tilespmem:v41+s25+$0x0], $0xffff;
	s13 =	smov.u32 s1  }
0x30: {  	s14 =	sadd.s32 $0x9, s1;
	v41 =	vmov s0;
	v44 =	vmov s30;
	s0 =	sadd.s32 $0x4, s1;
	s30 =	sadd.s32 $0x5, s1;
	v42 =	vor.u32 v0, v42;
	v38 =	vld.idx.msk [tilespmem:v38+s25+$0x0], $0xffff  }
0x31: {  	s31 =	sadd.s32 $0x3, s1;
	v44 =	vand.u32 $0x72, v44;
	v45 =	vmov s0;
	v46 =	vmov s30;
	s0 =	sadd.s32 $0x7, s1;
	s30 =	sadd.s32 $0x8, s1;
	v33 =	vld.idx.msk [tilespmem:v33+s25+$0x0], $0xffff  }
0x32: {  	s15 =	sadd.s32 $0x6, s13;
	v49 =	vmov s14;
	v47 =	vmov s0;
	v48 =	vmov s30;
	s0 =	sadd.s32 $0xF, s13;
	s30 =	sadd.s32 $0x10, s1;
	v40 =	vld.idx.msk [tilespmem:v40+s25+$0x0], $0xffff  }
0x33: {  	p1 =	slt.u32 s1, $0x30;
	s14 =	sadd.s32 $0xA, s13;
	v50 =	vmov s9;
	v45 =	vand.u32 $0x74, v45;
	v48 =	vand.u32 $0x78, v48;
	[tilespmem:s28+$0xFFFFFD00] =	vst v34;
	v34 =	vld.idx.msk [tilespmem:v35+s25+$0x0], $0xffff  }
0x34: {  	s9 =	sadd.s32 $0xD, s13;
	s1 =	sadd.s32 $0xC, s13;
	v51 =	vmov s0;
	v35 =	vbroadcast v48, $0x0;
	v48 =	vmov s14;
	[tilespmem:s28+$0xFFFFFF80] =	vst v36;
	v36 =	vld.idx.msk [tilespmem:v37+s25+$0x0], $0xffff  }
0x35: {  	v52 =	vmov s9;
	s0 =	sadd.s32 $0xB, s13;
	v37 =	vand.u32 $0x71, v41;
	v41 =	vmov s1;
	v42 =	vld.idx.msk [tilespmem:v42+s25+$0x0], $0xffff;
	[tilespmem:s28+$0x280] =	vst v39  }
0x36: {  	v51 =	vand.u32 $0x7F, v51;
	v39 =	vmov s0;
	v35 =	vor.u32 v0, v35;
	v32 =	vld.idx.msk [tilespmem:v32+s25+$0x0], $0xffff;
	[tilespmem:s28+$0xFFFFFE00] =	vst v38  }
0x37: {  	v50 =	vand.u32 $0x7E, v50;
	v38 =	vand.u32 $0x7C, v41;
	v41 =	vand.u32 $0x7D, v52;
	v30 =	vld.idx.msk [tilespmem:v30+s25+$0x0], $0xffff;
	[tilespmem:s28+$0xFFFFFF00] =	vst v33  }
0x38: {  	v51 =	vbroadcast v51, $0x0;
	v33 =	vand.u32 $0x7B, v39;
	v38 =	vbroadcast v38, $0x0;
	v29 =	vld.idx.msk [tilespmem:v29+s25+$0x0], $0xffff;
	[tilespmem:s28+$0x380] =	vst v40  }
0x39: {  	v39 =	vmov s15;
	v40 =	vand.u32 $0x77, v47;
	v47 =	vand.u32 $0x7A, v48;
	v31 =	vld.idx.msk [tilespmem:v31+s25+$0x0], $0xffff;
	[tilespmem:s28+$0x300] =	vst v34  }
0x3a: {  	v34 =	vbroadcast v44, $0x0;
	v44 =	vmov s31;
	v38 =	vor.u32 v0, v38;
	v28 =	vld.idx.msk [tilespmem:v28+s25+$0x0], $0xffff;
	[tilespmem:s28+$0x180] =	vst v36  }
0x3b: {  	v36 =	vand.u32 $0x70, v43;
	v43 =	vand.u32 $0x75, v46;
	v46 =	vand.u32 $0x79, v49;
	v35 =	vld.idx.msk [tilespmem:v35+s25+$0x0], $0xffff;
	[tilespmem:s28+$0xFFFFFC80] =	vst v42  }
0x3c: {  	v41 =	vbroadcast v41, $0x0;
	v39 =	vand.u32 $0x76, v39;
	v36 =	vbroadcast v36, $0x0;
	[tilespmem:s28+$0xFFFFFC00] =	vst v32  }
0x3d: {  	v40 =	vbroadcast v40, $0x0;
	v42 =	vbroadcast v50, $0x0;
	v32 =	vand.u32 $0x73, v44;
	[tilespmem:s28+$0xFFFFFE80] =	vst v30  }
0x3e: {  	v34 =	vor.u32 v0, v34;
	v44 =	vbroadcast v39, $0x0;
	v30 =	vbroadcast v45, $0x0;
	[tilespmem:s28+$0x100] =	vst v29  }
0x3f: {  	v45 =	vor.u32 v0, v40;
	v29 =	vbroadcast v47, $0x0;
	v47 =	vbroadcast v33, $0x0;
	v39 =	vld.idx.msk [tilespmem:v38+s25+$0x0], $0xffff;
	[tilespmem:s28+$0x80] =	vst v31  }
.Ltmp0:
0x40: {  	v41 =	vor.u32 v0, v41;
	v31 =	vbroadcast v32, $0x0;
	v32 =	vbroadcast v43, $0x0;
	[tilespmem:s28+$0xFFFFFD80] =	vst v28;
	s28 =	smov.u32 s29;
	(pc) =	sbr.rel @p1 .LBB2_3-.Ltmp0, $4  }
0x41: {  	v33 =	vor.u32 v0, v44;
	v38 =	vor.u32 v0, v30;
	v29 =	vor.u32 v0, v29;
	[tilespmem:s29+$0x0] =	vst v35  }
0x42: {  	v28 =	vor.u32 v0, v31;
	v30 =	vor.u32 v0, v32;
	v31 =	vbroadcast v46, $0x0  }
0x43: {  	v40 =	vor.u32 v0, v51;
	v32 =	vor.u32 v0, v36;
	v35 =	vor.u32 v0, v42;
	v34 =	vld.idx.msk [tilespmem:v34+s25+$0x0], $0xffff  }
0x44: {  	s1 =	smov.u32 s30;
	v42 =	vbroadcast v37, $0x0;
	v37 =	vor.u32 v0, v47;
	s29 =	sadd.s32 $0x800, s29;
	v31 =	vor.u32 v0, v31;
	v36 =	vld.idx.msk [tilespmem:v45+s25+$0x0], $0xffff  }
0x45: {  	_ =	sdelay $0x3  }
0x46: {  	v41 =	vld.idx.msk [tilespmem:v41+s25+$0x0], $0xffff  }
0x47: {  	v38 =	vld.idx.msk [tilespmem:v38+s25+$0x0], $0xffff  }
0x48: {  	[tilespmem:s28+$0x200] =	vst v39;
	v33 =	vld.idx.msk [tilespmem:v33+s25+$0x0], $0xffff  }
0x49: {  	v55 =	vld.idx.msk [tilespmem:v40+s25+$0x0], $0xffff;
	[tilespmem:s28+$0xFFFFFD00] =	vst v34  }
0x4a: {  	v56 =	vld.idx.msk [tilespmem:v35+s25+$0x0], $0xffff;
	[tilespmem:s28+$0xFFFFFF80] =	vst v36  }
0x4b: {  	v57 =	vld.idx.msk [tilespmem:v37+s25+$0x0], $0xffff;
	[tilespmem:s28+$0x280] =	vst v41  }
0x4c: {  	v32 =	vld.idx.msk [tilespmem:v32+s25+$0x0], $0xffff;
	v42 =	vor.u32 v0, v42;
	[tilespmem:s28+$0xFFFFFE00] =	vst v38  }
0x4d: {  	v30 =	vld.idx.msk [tilespmem:v30+s25+$0x0], $0xffff;
	[tilespmem:s28+$0xFFFFFF00] =	vst v33  }
0x4e: {  	v29 =	vld.idx.msk [tilespmem:v29+s25+$0x0], $0xffff;
	[tilespmem:s28+$0x380] =	vst v55  }
0x4f: {  	v31 =	vld.idx.msk [tilespmem:v31+s25+$0x0], $0xffff;
	[tilespmem:s28+$0x300] =	vst v56  }
0x50: {  	v28 =	vld.idx.msk [tilespmem:v28+s25+$0x0], $0xffff;
	[tilespmem:s28+$0x180] =	vst v57  }
0x51: {  	s0 =	simm.s32 $0xB;
	[tilespmem:s28+$0xFFFFFC00] =	vst v32;
	v58 =	vld.idx.msk [tilespmem:v42+s25+$0x0], $0xffff  }
0x52: {  	v18 =	vor.u32 v1, v18;
	v59 =	vmov s0;
	[tilespmem:s28+$0xFFFFFE80] =	vst v30  }
0x53: {  	v27 =	vor.u32 v1, v27;
	v30 =	vand.u32 $0x7B, v59;
	[tilespmem:s28+$0x100] =	vst v29  }
0x54: {  	s15 =	simm.s32 $0x9;
	v22 =	vor.u32 v1, v22;
	[tilespmem:s28+$0x80] =	vst v31;
	v29 =	vbroadcast v30, $0x0  }
0x55: {  	v17 =	vbroadcast v17, $0x0;
	v31 =	vor.u32 v1, v26;
	[tilespmem:s28+$0xFFFFFD80] =	vst v28;
	v30 =	vmov s15  }
0x56: {  	s16 =	simm.s32 $0xF;
	v26 =	vand.u32 $0x79, v30;
	v30 =	vor.u32 v1, v29;
	[tilespmem:s28+$0xFFFFFC80] =	vst v58  }
0x57: {  	v61 =	vor.u32 v1, v17;
	v28 =	vmov s16;
	v60 =	vld.idx.msk [tilespmem:v18+s25+$0x0], $0xffff  }
0x58: {  	s31 =	simm.s32 $0x3;
	v24 =	vor.u32 v1, v24;
	v17 =	vand.u32 $0x7F, v28;
	v28 =	vld.idx.msk [tilespmem:v27+s25+$0x0], $0xffff  }
0x59: {  	v62 =	vmov s31;
	v63 =	vbroadcast v17, $0x0;
	v17 =	vor.u32 v1, v23;
	v27 =	vld.idx.msk [tilespmem:v22+s25+$0x0], $0xffff  }
0x5a: {  	v29 =	vor.u32 v1, v19;
	v18 =	vbroadcast v26, $0x0;
	v22 =	vor.u32 v1, v25;
	v25 =	vld.idx.msk [tilespmem:v31+s25+$0x0], $0xffff  }
0x5b: {  	v19 =	vor.u32 v1, v21;
	v21 =	vor.u32 v1, v63;
	v31 =	vand.u32 $0x73, v62;
	v23 =	vld.idx.msk [tilespmem:v30+s25+$0x0], $0xffff  }
0x5c: {  	s29 =	simm.s32 $0x10;
	s30 =	simm.s32 $0x1A510;
	s28 =	simm.s32 $0x19D20;
	v30 =	vbroadcast v31, $0x0;
	v26 =	vor.u32 v1, v18;
	v18 =	vor.u32 v1, v20;
	v20 =	vld.idx.msk [tilespmem:v61+s25+$0x0], $0xffff;
	[tilespmem:s26+$0x0] =	vst v60  }
.LBB2_5:
0x5d: {  	s0 =	sadd.s32 $0x1, s29  }
0x5e: {  	v31 =	vmov s29;
	s1 =	sadd.s32 $0x2, s29;
	s9 =	sadd.s32 $0xF, s29;
	[tilespmem:s26+$0xFFFFFF80] =	vst v28;
	s13 =	smov.u32 s29  }
0x5f: {  	s14 =	sadd.s32 $0xB, s29;
	v28 =	vmov s0;
	v32 =	vmov s1;
	s0 =	sadd.s32 $0x4, s29;
	s1 =	sadd.s32 $0x5, s29;
	v29 =	vld.idx.msk [tilespmem:v29+s25+$0x0], $0xffff;
	v16 =	vor.u32 v1, v16  }
0x60: {  	s15 =	sadd.s32 $0xE, s29;
	v30 =	vor.u32 v1, v30;
	v33 =	vmov s0;
	v34 =	vmov s1;
	s0 =	sadd.s32 $0x7, s29;
	s1 =	sadd.s32 $0x8, s29;
	v24 =	vld.idx.msk [tilespmem:v24+s25+$0x0], $0xffff;
	[tilespmem:s26+$0x200] =	vst v27  }
0x61: {  	p1 =	slt.u32 s29, $0x30;
	s31 =	sadd.s32 $0x6, s13;
	v27 =	vand.u32 $0x71, v28;
	s29 =	sadd.s32 $0x10, s29;
	v28 =	vmov s0;
	v35 =	vmov s1;
	v26 =	vld.idx.msk [tilespmem:v26+s25+$0x0], $0xffff;
	[tilespmem:s26+$0x280] =	vst v25  }
0x62: {  	v25 =	vand.u32 $0x72, v32;
	s0 =	sadd.s32 $0x3, s13;
	v32 =	vand.u32 $0x74, v33;
	s1 =	sadd.s32 $0xA, s13;
	v33 =	vand.u32 $0x78, v35;
	[tilespmem:s26+$0x180] =	vst v23;
	v21 =	vld.idx.msk [tilespmem:v21+s25+$0x0], $0xffff  }
0x63: {  	s16 =	sadd.s32 $0xD, s13;
	v35 =	vmov s9;
	v23 =	vbroadcast v33, $0x0;
	v33 =	vmov s1;
	s1 =	sadd.s32 $0xC, s13;
	v18 =	vld.idx.msk [tilespmem:v18+s25+$0x0], $0xffff;
	[tilespmem:s26+$0xFFFFFC80] =	vst v20  }
0x64: {  	v36 =	vmov s16;
	s9 =	sadd.s32 $0x9, s13;
	v20 =	vand.u32 $0x70, v31;
	v31 =	vmov s1;
	v17 =	vld.idx.msk [tilespmem:v17+s25+$0x0], $0xffff  }
0x65: {  	v37 =	vmov s15;
	v34 =	vand.u32 $0x75, v34;
	v23 =	vor.u32 v1, v23;
	[tilespmem:s26+$0xFFFFFD00] =	vst v29;
	v16 =	vld.idx.msk [tilespmem:v16+s25+$0x0], $0xffff  }
0x66: {  	v28 =	vand.u32 $0x77, v28;
	v33 =	vand.u32 $0x7A, v33;
	v29 =	vmov s31;
	[tilespmem:s26+$0xFFFFFE80] =	vst v24;
	v22 =	vld.idx.msk [tilespmem:v22+s25+$0x0], $0xffff  }
0x67: {  	v24 =	vbroadcast v28, $0x0;
	v28 =	vand.u32 $0x7C, v31;
	v31 =	vand.u32 $0x7F, v35;
	v30 =	vld.idx.msk [tilespmem:v30+s25+$0x0], $0xffff;
	[tilespmem:s26+$0x80] =	vst v26  }
0x68: {  	v35 =	vand.u32 $0x7D, v36;
	v26 =	vmov s14;
	v28 =	vbroadcast v28, $0x0;
	v19 =	vld.idx.msk [tilespmem:v19+s25+$0x0], $0xffff;
	[tilespmem:s26+$0x380] =	vst v21  }
0x69: {  	v21 =	vbroadcast v25, $0x0;
	v24 =	vor.u32 v1, v24;
	v25 =	vbroadcast v35, $0x0;
	[tilespmem:s26+$0xFFFFFC00] =	vst v18  }
0x6a: {  	v26 =	vand.u32 $0x7B, v26;
	v35 =	vor.u32 v1, v28;
	v18 =	vld.idx.msk [tilespmem:v23+s25+$0x0], $0xffff;
	v23 =	vmov s9;
	[tilespmem:s26+$0xFFFFFE00] =	vst v17  }
0x6b: {  	v26 =	vbroadcast v26, $0x0;
	v17 =	vand.u32 $0x76, v29;
	v25 =	vor.u32 v1, v25;
	[tilespmem:s26+$0x300] =	vst v16  }
0x6c: {  	v36 =	vmov s0;
	v16 =	vbroadcast v27, $0x0;
	v23 =	vand.u32 $0x79, v23;
	[tilespmem:s26+$0x100] =	vst v22  }
0x6d: {  	v34 =	vbroadcast v34, $0x0;
	v22 =	vbroadcast v23, $0x0;
	v23 =	vor.u32 v1, v26;
	[tilespmem:s26+$0xFFFFFD80] =	vst v30  }
0x6e: {  	v16 =	vor.u32 v1, v16;
	v30 =	vbroadcast v32, $0x0;
	v28 =	vld.idx.msk [tilespmem:v24+s25+$0x0], $0xffff;
	v24 =	vbroadcast v33, $0x0;
	[tilespmem:s26+$0xFFFFFF00] =	vst v19;
	s26 =	smov.u32 s30  }
.Ltmp1:
0x6f: {  	v31 =	vbroadcast v31, $0x0;
	v19 =	vbroadcast v20, $0x0;
	v26 =	vor.u32 v1, v22;
	v27 =	vld.idx.msk [tilespmem:v35+s25+$0x0], $0xffff;
	(pc) =	sbr.rel @p1 .LBB2_5-.Ltmp1, $4  }
0x70: {  	v29 =	vor.u32 v1, v21;
	v20 =	vbroadcast v17, $0x0;
	[tilespmem:s30+$0x0] =	vst v18;
	v22 =	vor.u32 v1, v24;
	v25 =	vld.idx.msk [tilespmem:v25+s25+$0x0], $0xffff  }
0x71: {  	v21 =	vand.u32 $0x73, v36;
	v17 =	vor.u32 v1, v30;
	v24 =	vor.u32 v1, v34  }
0x72: {  	v32 =	vand.u32 $0x7E, v37;
	v18 =	vor.u32 v1, v19;
	v19 =	vor.u32 v1, v20;
	v23 =	vld.idx.msk [tilespmem:v23+s25+$0x0], $0xffff  }
0x73: {  	s0 =	simm.s32 $0x0;
	v30 =	vbroadcast v21, $0x0;
	v21 =	vor.u32 v1, v31;
	s30 =	sadd.s32 $0x800, s30;
	v20 =	vld.idx.msk [tilespmem:v16+s25+$0x0], $0xffff;
	v16 =	vbroadcast v32, $0x0  }
0x74: {  	_ =	sdelay $0x3  }
0x75: {  	[tilespmem:s26+$0xFFFFFF80] =	vst v28;
	v28 =	vld.idx.msk [tilespmem:v29+s25+$0x0], $0xffff  }
0x76: {  	s1 =	simm.s32 $0x1;
	s9 =	simm.s32 $0x2;
	v24 =	vld.idx.msk [tilespmem:v24+s25+$0x0], $0xffff;
	[tilespmem:s26+$0x200] =	vst v27;
	v16 =	vor.u32 v1, v16;
	v29 =	vor.u32 v1, v30  }
0x77: {  	s14 =	simm.s32 $0x4;
	s15 =	simm.s32 $0x5;
	v26 =	vld.idx.msk [tilespmem:v26+s25+$0x0], $0xffff;
	s30 =	simm.s32 $0x7;
	v30 =	vmov s0;
	v31 =	vmov s1;
	v32 =	vmov s9  }
0x78: {  	s16 =	simm.s32 $0x9;
	s31 =	simm.s32 $0x8;
	s13 =	simm.s32 $0xE;
	v55 =	vmov s14;
	v33 =	vmov s15;
	[tilespmem:s26+$0x280] =	vst v25;
	v25 =	vmov s30  }
0x79: {  	v21 =	vld.idx.msk [tilespmem:v21+s25+$0x0], $0xffff;
	s4 =	simm.s32 $0xF;
	v34 =	vmov s31;
	v35 =	vmov s16;
	v57 =	vmov s13  }
0x7a: {  	v36 =	vld.idx.msk [tilespmem:v18+s25+$0x0], $0xffff;
	s15 =	simm.s32 $0xD;
	v58 =	vmov s4;
	s16 =	simm.s32 $0xB;
	v27 =	vand.u32 $0x72, v32;
	v56 =	vand.u32 $0x78, v34;
	[tilespmem:s26+$0x180] =	vst v23  }
0x7b: {  	v37 =	vld.idx.msk [tilespmem:v17+s25+$0x0], $0xffff;
	s30 =	simm.s32 $0x6;
	v17 =	vand.u32 $0x71, v31;
	v31 =	vmov s15;
	v38 =	vmov s16;
	[tilespmem:s26+$0xFFFFFC80] =	vst v20  }
0x7c: {  	v32 =	vand.u32 $0x7F, v58;
	v59 =	vmov s30;
	v25 =	vand.u32 $0x77, v25;
	[tilespmem:s26+$0xFFFFFD00] =	vst v28  }
0x7d: {  	v39 =	vld.idx.msk [tilespmem:v22+s25+$0x0], $0xffff;
	s9 =	simm.s32 $0xA;
	v62 =	vand.u32 $0x79, v35;
	v23 =	vand.u32 $0x74, v55;
	v18 =	vbroadcast v56, $0x0;
	[tilespmem:s26+$0xFFFFFE80] =	vst v24  }
0x7e: {  	s14 =	simm.s32 $0xC;
	v40 =	vbroadcast v32, $0x0;
	v32 =	vand.u32 $0x76, v59;
	v20 =	vmov s9;
	[tilespmem:s26+$0x380] =	vst v21;
	v21 =	vld.idx.msk [tilespmem:v19+s25+$0x0], $0xffff  }
0x7f: {  	v23 =	vbroadcast v23, $0x0;
	v28 =	vmov s14;
	v24 =	vor.u32 v2, v18;
	[tilespmem:s26+$0x80] =	vst v26;
	v29 =	vld.idx.msk [tilespmem:v29+s25+$0x0], $0xffff  }
0x80: {  	v26 =	vand.u32 $0x7D, v31;
	v31 =	vand.u32 $0x7B, v38;
	[tilespmem:s26+$0xFFFFFC00] =	vst v36;
	v16 =	vld.idx.msk [tilespmem:v16+s25+$0x0], $0xffff;
	v22 =	vand.u32 $0x7C, v28  }
0x81: {  	s31 =	simm.s32 $0x3;
	v60 =	vand.u32 $0x7A, v20;
	[tilespmem:s26+$0xFFFFFE00] =	vst v37;
	v19 =	vbroadcast v27, $0x0;
	v22 =	vbroadcast v22, $0x0  }
0x82: {  	v27 =	vmov s31;
	[tilespmem:s26+$0x100] =	vst v39;
	v40 =	vor.u32 v2, v40;
	v28 =	vand.u32 $0x7E, v57  }
0x83: {  	v26 =	vbroadcast v26, $0x0;
	v44 =	vbroadcast v31, $0x0;
	v61 =	vor.u32 v2, v22;
	[tilespmem:s26+$0xFFFFFF00] =	vst v21  }
0x84: {  	v38 =	vor.u32 v2, v23;
	[tilespmem:s26+$0xFFFFFD80] =	vst v29;
	v29 =	vand.u32 $0x73, v27;
	v27 =	vbroadcast v25, $0x0  }
0x85: {  	v31 =	vbroadcast v62, $0x0;
	v63 =	vor.u32 v2, v19;
	v21 =	vbroadcast v32, $0x0;
	[tilespmem:s26+$0x300] =	vst v16  }
0x86: {  	v16 =	vand.u32 $0x70, v30;
	v25 =	vbroadcast v60, $0x0;
	v42 =	vld.idx.msk [tilespmem:v24+s25+$0x0], $0xffff;
	v43 =	vor.u32 v2, v27  }
0x87: {  	v30 =	vand.u32 $0x75, v33;
	v20 =	vbroadcast v16, $0x0;
	v16 =	vbroadcast v28, $0x0  }
0x88: {  	v41 =	vor.u32 v2, v26;
	v28 =	vbroadcast v29, $0x0;
	v24 =	vbroadcast v30, $0x0;
	v39 =	vld.idx.msk [tilespmem:v61+s25+$0x0], $0xffff  }
0x89: {  	v31 =	vor.u32 v2, v31;
	v37 =	vor.u32 v2, v44;
	v35 =	vor.u32 v2, v21  }
0x8a: {  	v33 =	vld.idx.msk [tilespmem:v63+s25+$0x0], $0xffff;
	v29 =	vor.u32 v2, v25;
	v28 =	vor.u32 v2, v28;
	v30 =	vor.u32 v2, v24  }
0x8b: {  	s29 =	simm.s32 $0x1A520;
	s1 =	simm.s32 $0x10;
	s26 =	simm.s32 $0x19D30;
	v32 =	vor.u32 v2, v20;
	v34 =	vor.u32 v2, v16;
	[tilespmem:s28+$0x0] =	vst v42;
	v42 =	vbroadcast v17, $0x0;
	v36 =	vld.idx.msk [tilespmem:v43+s25+$0x0], $0xffff  }
.LBB2_7:
0x8c: {  	s0 =	sadd.s32 $0x1, s1  }
0x8d: {  	v43 =	vmov s1;
	s9 =	sadd.s32 $0x2, s1;
	s13 =	sadd.s32 $0xE, s1;
	[tilespmem:s28+$0x200] =	vst v39;
	v39 =	vld.idx.msk [tilespmem:v41+s25+$0x0], $0xffff;
	s14 =	smov.u32 s1  }
0x8e: {  	s15 =	sadd.s32 $0x9, s1;
	v41 =	vmov s0;
	v44 =	vmov s9;
	s0 =	sadd.s32 $0x4, s1;
	s9 =	sadd.s32 $0x5, s1;
	v42 =	vor.u32 v2, v42;
	v38 =	vld.idx.msk [tilespmem:v38+s25+$0x0], $0xffff  }
0x8f: {  	s31 =	sadd.s32 $0x3, s1;
	v44 =	vand.u32 $0x72, v44;
	v45 =	vmov s0;
	v46 =	vmov s9;
	s0 =	sadd.s32 $0x7, s1;
	s9 =	sadd.s32 $0x8, s1;
	v35 =	vld.idx.msk [tilespmem:v35+s25+$0x0], $0xffff  }
0x90: {  	s30 =	sadd.s32 $0x10, s1;
	s16 =	sadd.s32 $0x6, s14;
	v49 =	vmov s15;
	v47 =	vmov s0;
	v48 =	vmov s9;
	s0 =	sadd.s32 $0xF, s14;
	v40 =	vld.idx.msk [tilespmem:v40+s25+$0x0], $0xffff  }
0x91: {  	p1 =	slt.u32 s1, $0x30;
	v50 =	vmov s13;
	v45 =	vand.u32 $0x74, v45;
	s9 =	sadd.s32 $0xA, s14;
	v48 =	vand.u32 $0x78, v48;
	[tilespmem:s28+$0xFFFFFD00] =	vst v33;
	v33 =	vld.idx.msk [tilespmem:v34+s25+$0x0], $0xffff  }
0x92: {  	s1 =	sadd.s32 $0xC, s14;
	v51 =	vmov s0;
	v34 =	vbroadcast v48, $0x0;
	v48 =	vmov s9;
	s9 =	sadd.s32 $0xD, s14;
	[tilespmem:s28+$0xFFFFFF80] =	vst v36;
	v36 =	vld.idx.msk [tilespmem:v37+s25+$0x0], $0xffff  }
0x93: {  	s0 =	sadd.s32 $0xB, s14;
	v37 =	vand.u32 $0x71, v41;
	v41 =	vmov s1;
	v52 =	vmov s9;
	v42 =	vld.idx.msk [tilespmem:v42+s25+$0x0], $0xffff;
	[tilespmem:s28+$0x280] =	vst v39  }
0x94: {  	v51 =	vand.u32 $0x7F, v51;
	v39 =	vmov s0;
	v34 =	vor.u32 v2, v34;
	v32 =	vld.idx.msk [tilespmem:v32+s25+$0x0], $0xffff;
	[tilespmem:s28+$0xFFFFFE00] =	vst v38  }
0x95: {  	v50 =	vand.u32 $0x7E, v50;
	v38 =	vand.u32 $0x7C, v41;
	v41 =	vand.u32 $0x7D, v52;
	v30 =	vld.idx.msk [tilespmem:v30+s25+$0x0], $0xffff;
	[tilespmem:s28+$0xFFFFFF00] =	vst v35  }
0x96: {  	v51 =	vbroadcast v51, $0x0;
	v35 =	vand.u32 $0x7B, v39;
	v38 =	vbroadcast v38, $0x0;
	v29 =	vld.idx.msk [tilespmem:v29+s25+$0x0], $0xffff;
	[tilespmem:s28+$0x380] =	vst v40  }
0x97: {  	v39 =	vmov s16;
	v40 =	vand.u32 $0x77, v47;
	v47 =	vand.u32 $0x7A, v48;
	v31 =	vld.idx.msk [tilespmem:v31+s25+$0x0], $0xffff;
	[tilespmem:s28+$0x300] =	vst v33  }
0x98: {  	v33 =	vbroadcast v44, $0x0;
	v44 =	vmov s31;
	v38 =	vor.u32 v2, v38;
	v28 =	vld.idx.msk [tilespmem:v28+s25+$0x0], $0xffff;
	[tilespmem:s28+$0x180] =	vst v36  }
0x99: {  	v36 =	vand.u32 $0x70, v43;
	v43 =	vand.u32 $0x75, v46;
	v46 =	vand.u32 $0x79, v49;
	v34 =	vld.idx.msk [tilespmem:v34+s25+$0x0], $0xffff;
	[tilespmem:s28+$0xFFFFFC80] =	vst v42  }
0x9a: {  	v41 =	vbroadcast v41, $0x0;
	v39 =	vand.u32 $0x76, v39;
	v36 =	vbroadcast v36, $0x0;
	[tilespmem:s28+$0xFFFFFC00] =	vst v32  }
0x9b: {  	v40 =	vbroadcast v40, $0x0;
	v42 =	vbroadcast v50, $0x0;
	v32 =	vand.u32 $0x73, v44;
	[tilespmem:s28+$0xFFFFFE80] =	vst v30  }
0x9c: {  	v33 =	vor.u32 v2, v33;
	v44 =	vbroadcast v39, $0x0;
	v30 =	vbroadcast v45, $0x0;
	[tilespmem:s28+$0x100] =	vst v29  }
0x9d: {  	v45 =	vor.u32 v2, v40;
	v29 =	vbroadcast v47, $0x0;
	v47 =	vbroadcast v35, $0x0;
	v39 =	vld.idx.msk [tilespmem:v38+s25+$0x0], $0xffff;
	[tilespmem:s28+$0x80] =	vst v31  }
.Ltmp2:
0x9e: {  	v41 =	vor.u32 v2, v41;
	v31 =	vbroadcast v32, $0x0;
	v32 =	vbroadcast v43, $0x0;
	[tilespmem:s28+$0xFFFFFD80] =	vst v28;
	s28 =	smov.u32 s29;
	(pc) =	sbr.rel @p1 .LBB2_7-.Ltmp2, $4  }
0x9f: {  	v35 =	vor.u32 v2, v44;
	v38 =	vor.u32 v2, v30;
	v29 =	vor.u32 v2, v29;
	[tilespmem:s29+$0x0] =	vst v34  }
0xa0: {  	v28 =	vor.u32 v2, v31;
	v30 =	vor.u32 v2, v32;
	v31 =	vbroadcast v46, $0x0  }
0xa1: {  	v40 =	vor.u32 v2, v51;
	v32 =	vor.u32 v2, v36;
	v34 =	vor.u32 v2, v42;
	v33 =	vld.idx.msk [tilespmem:v33+s25+$0x0], $0xffff  }
0xa2: {  	s1 =	smov.u32 s30;
	v42 =	vbroadcast v37, $0x0;
	v37 =	vor.u32 v2, v47;
	s29 =	sadd.s32 $0x800, s29;
	v31 =	vor.u32 v2, v31;
	v36 =	vld.idx.msk [tilespmem:v45+s25+$0x0], $0xffff  }
0xa3: {  	_ =	sdelay $0x3  }
0xa4: {  	v41 =	vld.idx.msk [tilespmem:v41+s25+$0x0], $0xffff  }
0xa5: {  	v38 =	vld.idx.msk [tilespmem:v38+s25+$0x0], $0xffff  }
0xa6: {  	[tilespmem:s28+$0x200] =	vst v39;
	v35 =	vld.idx.msk [tilespmem:v35+s25+$0x0], $0xffff  }
0xa7: {  	v55 =	vld.idx.msk [tilespmem:v40+s25+$0x0], $0xffff;
	[tilespmem:s28+$0xFFFFFD00] =	vst v33  }
0xa8: {  	v56 =	vld.idx.msk [tilespmem:v34+s25+$0x0], $0xffff;
	[tilespmem:s28+$0xFFFFFF80] =	vst v36  }
0xa9: {  	v57 =	vld.idx.msk [tilespmem:v37+s25+$0x0], $0xffff;
	[tilespmem:s28+$0x280] =	vst v41  }
0xaa: {  	v32 =	vld.idx.msk [tilespmem:v32+s25+$0x0], $0xffff;
	v42 =	vor.u32 v2, v42;
	[tilespmem:s28+$0xFFFFFE00] =	vst v38  }
0xab: {  	v30 =	vld.idx.msk [tilespmem:v30+s25+$0x0], $0xffff;
	[tilespmem:s28+$0xFFFFFF00] =	vst v35  }
0xac: {  	v29 =	vld.idx.msk [tilespmem:v29+s25+$0x0], $0xffff;
	[tilespmem:s28+$0x380] =	vst v55  }
0xad: {  	v31 =	vld.idx.msk [tilespmem:v31+s25+$0x0], $0xffff;
	[tilespmem:s28+$0x300] =	vst v56  }
0xae: {  	v28 =	vld.idx.msk [tilespmem:v28+s25+$0x0], $0xffff;
	[tilespmem:s28+$0x180] =	vst v57  }
0xaf: {  	s0 =	simm.s32 $0xB;
	[tilespmem:s28+$0xFFFFFC00] =	vst v32;
	v58 =	vld.idx.msk [tilespmem:v42+s25+$0x0], $0xffff  }
0xb0: {  	v18 =	vor.u32 v3, v18;
	v59 =	vmov s0;
	[tilespmem:s28+$0xFFFFFE80] =	vst v30  }
0xb1: {  	v27 =	vor.u32 v3, v27;
	v30 =	vand.u32 $0x7B, v59;
	[tilespmem:s28+$0x100] =	vst v29  }
0xb2: {  	s15 =	simm.s32 $0x9;
	v22 =	vor.u32 v3, v22;
	[tilespmem:s28+$0x80] =	vst v31;
	v29 =	vbroadcast v30, $0x0  }
0xb3: {  	v17 =	vbroadcast v17, $0x0;
	v31 =	vor.u32 v3, v26;
	[tilespmem:s28+$0xFFFFFD80] =	vst v28;
	v30 =	vmov s15  }
0xb4: {  	s16 =	simm.s32 $0xF;
	v26 =	vand.u32 $0x79, v30;
	v30 =	vor.u32 v3, v29;
	[tilespmem:s28+$0xFFFFFC80] =	vst v58  }
0xb5: {  	v61 =	vor.u32 v3, v17;
	v28 =	vmov s16;
	v60 =	vld.idx.msk [tilespmem:v18+s25+$0x0], $0xffff  }
0xb6: {  	s31 =	simm.s32 $0x3;
	v24 =	vor.u32 v3, v24;
	v17 =	vand.u32 $0x7F, v28;
	v28 =	vld.idx.msk [tilespmem:v27+s25+$0x0], $0xffff  }
0xb7: {  	v62 =	vmov s31;
	v63 =	vbroadcast v17, $0x0;
	v17 =	vor.u32 v3, v23;
	v27 =	vld.idx.msk [tilespmem:v22+s25+$0x0], $0xffff  }
0xb8: {  	v29 =	vor.u32 v3, v19;
	v18 =	vbroadcast v26, $0x0;
	v22 =	vor.u32 v3, v25;
	v25 =	vld.idx.msk [tilespmem:v31+s25+$0x0], $0xffff  }
0xb9: {  	v19 =	vor.u32 v3, v21;
	v21 =	vor.u32 v3, v63;
	v31 =	vand.u32 $0x73, v62;
	v23 =	vld.idx.msk [tilespmem:v30+s25+$0x0], $0xffff  }
0xba: {  	s29 =	simm.s32 $0x10;
	s30 =	simm.s32 $0x1A530;
	s28 =	simm.s32 $0x19D40;
	v30 =	vbroadcast v31, $0x0;
	v26 =	vor.u32 v3, v18;
	v18 =	vor.u32 v3, v20;
	v20 =	vld.idx.msk [tilespmem:v61+s25+$0x0], $0xffff;
	[tilespmem:s26+$0x0] =	vst v60  }
.LBB2_9:
0xbb: {  	s0 =	sadd.s32 $0x1, s29  }
0xbc: {  	v31 =	vmov s29;
	s1 =	sadd.s32 $0x2, s29;
	s9 =	sadd.s32 $0xF, s29;
	[tilespmem:s26+$0xFFFFFF80] =	vst v28;
	s13 =	smov.u32 s29  }
0xbd: {  	s14 =	sadd.s32 $0xB, s29;
	v28 =	vmov s0;
	v32 =	vmov s1;
	s0 =	sadd.s32 $0x4, s29;
	s1 =	sadd.s32 $0x5, s29;
	v29 =	vld.idx.msk [tilespmem:v29+s25+$0x0], $0xffff;
	v16 =	vor.u32 v3, v16  }
0xbe: {  	s15 =	sadd.s32 $0xE, s29;
	v30 =	vor.u32 v3, v30;
	v33 =	vmov s0;
	v34 =	vmov s1;
	s0 =	sadd.s32 $0x7, s29;
	s1 =	sadd.s32 $0x8, s29;
	v24 =	vld.idx.msk [tilespmem:v24+s25+$0x0], $0xffff;
	[tilespmem:s26+$0x200] =	vst v27  }
0xbf: {  	p1 =	slt.u32 s29, $0x30;
	s16 =	sadd.s32 $0x6, s13;
	v27 =	vand.u32 $0x71, v28;
	s29 =	sadd.s32 $0x10, s29;
	v28 =	vmov s0;
	v35 =	vmov s1;
	v26 =	vld.idx.msk [tilespmem:v26+s25+$0x0], $0xffff;
	[tilespmem:s26+$0x280] =	vst v25  }
0xc0: {  	v25 =	vand.u32 $0x72, v32;
	s0 =	sadd.s32 $0x3, s13;
	v32 =	vand.u32 $0x74, v33;
	s1 =	sadd.s32 $0xA, s13;
	v33 =	vand.u32 $0x78, v35;
	[tilespmem:s26+$0x180] =	vst v23;
	v21 =	vld.idx.msk [tilespmem:v21+s25+$0x0], $0xffff  }
0xc1: {  	s31 =	sadd.s32 $0xD, s13;
	v35 =	vmov s9;
	v23 =	vbroadcast v33, $0x0;
	v33 =	vmov s1;
	s1 =	sadd.s32 $0xC, s13;
	v18 =	vld.idx.msk [tilespmem:v18+s25+$0x0], $0xffff;
	[tilespmem:s26+$0xFFFFFC80] =	vst v20  }
0xc2: {  	v36 =	vmov s31;
	s9 =	sadd.s32 $0x9, s13;
	v20 =	vand.u32 $0x70, v31;
	v31 =	vmov s1;
	v17 =	vld.idx.msk [tilespmem:v17+s25+$0x0], $0xffff  }
0xc3: {  	v37 =	vmov s15;
	v34 =	vand.u32 $0x75, v34;
	v23 =	vor.u32 v3, v23;
	[tilespmem:s26+$0xFFFFFD00] =	vst v29;
	v16 =	vld.idx.msk [tilespmem:v16+s25+$0x0], $0xffff  }
0xc4: {  	v28 =	vand.u32 $0x77, v28;
	v33 =	vand.u32 $0x7A, v33;
	v29 =	vmov s16;
	[tilespmem:s26+$0xFFFFFE80] =	vst v24;
	v22 =	vld.idx.msk [tilespmem:v22+s25+$0x0], $0xffff  }
0xc5: {  	v24 =	vbroadcast v28, $0x0;
	v28 =	vand.u32 $0x7C, v31;
	v31 =	vand.u32 $0x7F, v35;
	v30 =	vld.idx.msk [tilespmem:v30+s25+$0x0], $0xffff;
	[tilespmem:s26+$0x80] =	vst v26  }
0xc6: {  	v35 =	vand.u32 $0x7D, v36;
	v26 =	vmov s14;
	v28 =	vbroadcast v28, $0x0;
	v19 =	vld.idx.msk [tilespmem:v19+s25+$0x0], $0xffff;
	[tilespmem:s26+$0x380] =	vst v21  }
0xc7: {  	v21 =	vbroadcast v25, $0x0;
	v24 =	vor.u32 v3, v24;
	v25 =	vbroadcast v35, $0x0;
	[tilespmem:s26+$0xFFFFFC00] =	vst v18  }
0xc8: {  	v26 =	vand.u32 $0x7B, v26;
	v35 =	vor.u32 v3, v28;
	v18 =	vld.idx.msk [tilespmem:v23+s25+$0x0], $0xffff;
	v23 =	vmov s9;
	[tilespmem:s26+$0xFFFFFE00] =	vst v17  }
0xc9: {  	v26 =	vbroadcast v26, $0x0;
	v17 =	vand.u32 $0x76, v29;
	v25 =	vor.u32 v3, v25;
	[tilespmem:s26+$0x300] =	vst v16  }
0xca: {  	v36 =	vmov s0;
	v16 =	vbroadcast v27, $0x0;
	v23 =	vand.u32 $0x79, v23;
	[tilespmem:s26+$0x100] =	vst v22  }
0xcb: {  	v34 =	vbroadcast v34, $0x0;
	v22 =	vbroadcast v23, $0x0;
	v23 =	vor.u32 v3, v26;
	[tilespmem:s26+$0xFFFFFD80] =	vst v30  }
0xcc: {  	v16 =	vor.u32 v3, v16;
	v30 =	vbroadcast v32, $0x0;
	v28 =	vld.idx.msk [tilespmem:v24+s25+$0x0], $0xffff;
	v24 =	vbroadcast v33, $0x0;
	[tilespmem:s26+$0xFFFFFF00] =	vst v19;
	s26 =	smov.u32 s30  }
.Ltmp3:
0xcd: {  	v31 =	vbroadcast v31, $0x0;
	v19 =	vbroadcast v20, $0x0;
	v26 =	vor.u32 v3, v22;
	v27 =	vld.idx.msk [tilespmem:v35+s25+$0x0], $0xffff;
	(pc) =	sbr.rel @p1 .LBB2_9-.Ltmp3, $4  }
0xce: {  	v29 =	vor.u32 v3, v21;
	v20 =	vbroadcast v17, $0x0;
	[tilespmem:s30+$0x0] =	vst v18;
	v22 =	vor.u32 v3, v24;
	v25 =	vld.idx.msk [tilespmem:v25+s25+$0x0], $0xffff  }
0xcf: {  	v21 =	vand.u32 $0x73, v36;
	v17 =	vor.u32 v3, v30;
	v24 =	vor.u32 v3, v34  }
0xd0: {  	v32 =	vand.u32 $0x7E, v37;
	v18 =	vor.u32 v3, v19;
	v19 =	vor.u32 v3, v20;
	v23 =	vld.idx.msk [tilespmem:v23+s25+$0x0], $0xffff  }
0xd1: {  	s0 =	simm.s32 $0x0;
	v30 =	vbroadcast v21, $0x0;
	v21 =	vor.u32 v3, v31;
	s30 =	sadd.s32 $0x800, s30;
	v20 =	vld.idx.msk [tilespmem:v16+s25+$0x0], $0xffff;
	v16 =	vbroadcast v32, $0x0  }
0xd2: {  	_ =	sdelay $0x3  }
0xd3: {  	[tilespmem:s26+$0xFFFFFF80] =	vst v28;
	v28 =	vld.idx.msk [tilespmem:v29+s25+$0x0], $0xffff  }
0xd4: {  	s1 =	simm.s32 $0x1;
	s9 =	simm.s32 $0x2;
	v24 =	vld.idx.msk [tilespmem:v24+s25+$0x0], $0xffff;
	[tilespmem:s26+$0x200] =	vst v27;
	v16 =	vor.u32 v3, v16;
	v29 =	vor.u32 v3, v30  }
0xd5: {  	s14 =	simm.s32 $0x4;
	s15 =	simm.s32 $0x5;
	v26 =	vld.idx.msk [tilespmem:v26+s25+$0x0], $0xffff;
	s30 =	simm.s32 $0x7;
	v30 =	vmov s0;
	v31 =	vmov s1;
	v32 =	vmov s9  }
0xd6: {  	s16 =	simm.s32 $0x9;
	s31 =	simm.s32 $0x8;
	s13 =	simm.s32 $0xE;
	v55 =	vmov s14;
	v33 =	vmov s15;
	[tilespmem:s26+$0x280] =	vst v25;
	v25 =	vmov s30  }
0xd7: {  	v21 =	vld.idx.msk [tilespmem:v21+s25+$0x0], $0xffff;
	s4 =	simm.s32 $0xF;
	v34 =	vmov s31;
	v35 =	vmov s16;
	v57 =	vmov s13  }
0xd8: {  	v36 =	vld.idx.msk [tilespmem:v18+s25+$0x0], $0xffff;
	s15 =	simm.s32 $0xD;
	v58 =	vmov s4;
	s16 =	simm.s32 $0xB;
	v27 =	vand.u32 $0x72, v32;
	v56 =	vand.u32 $0x78, v34;
	[tilespmem:s26+$0x180] =	vst v23  }
0xd9: {  	v37 =	vld.idx.msk [tilespmem:v17+s25+$0x0], $0xffff;
	s30 =	simm.s32 $0x6;
	v17 =	vand.u32 $0x71, v31;
	v31 =	vmov s15;
	v38 =	vmov s16;
	[tilespmem:s26+$0xFFFFFC80] =	vst v20  }
0xda: {  	v32 =	vand.u32 $0x7F, v58;
	v59 =	vmov s30;
	v25 =	vand.u32 $0x77, v25;
	[tilespmem:s26+$0xFFFFFD00] =	vst v28  }
0xdb: {  	v39 =	vld.idx.msk [tilespmem:v22+s25+$0x0], $0xffff;
	s9 =	simm.s32 $0xA;
	v62 =	vand.u32 $0x79, v35;
	v23 =	vand.u32 $0x74, v55;
	v18 =	vbroadcast v56, $0x0;
	[tilespmem:s26+$0xFFFFFE80] =	vst v24  }
0xdc: {  	s14 =	simm.s32 $0xC;
	v40 =	vbroadcast v32, $0x0;
	v32 =	vand.u32 $0x76, v59;
	v20 =	vmov s9;
	[tilespmem:s26+$0x380] =	vst v21;
	v21 =	vld.idx.msk [tilespmem:v19+s25+$0x0], $0xffff  }
0xdd: {  	v23 =	vbroadcast v23, $0x0;
	v28 =	vmov s14;
	v24 =	vor.u32 v4, v18;
	[tilespmem:s26+$0x80] =	vst v26;
	v29 =	vld.idx.msk [tilespmem:v29+s25+$0x0], $0xffff  }
0xde: {  	v26 =	vand.u32 $0x7D, v31;
	v31 =	vand.u32 $0x7B, v38;
	[tilespmem:s26+$0xFFFFFC00] =	vst v36;
	v16 =	vld.idx.msk [tilespmem:v16+s25+$0x0], $0xffff;
	v22 =	vand.u32 $0x7C, v28  }
0xdf: {  	s31 =	simm.s32 $0x3;
	v60 =	vand.u32 $0x7A, v20;
	[tilespmem:s26+$0xFFFFFE00] =	vst v37;
	v19 =	vbroadcast v27, $0x0;
	v22 =	vbroadcast v22, $0x0  }
0xe0: {  	v27 =	vmov s31;
	[tilespmem:s26+$0x100] =	vst v39;
	v40 =	vor.u32 v4, v40;
	v28 =	vand.u32 $0x7E, v57  }
0xe1: {  	v26 =	vbroadcast v26, $0x0;
	v44 =	vbroadcast v31, $0x0;
	v61 =	vor.u32 v4, v22;
	[tilespmem:s26+$0xFFFFFF00] =	vst v21  }
0xe2: {  	v38 =	vor.u32 v4, v23;
	[tilespmem:s26+$0xFFFFFD80] =	vst v29;
	v29 =	vand.u32 $0x73, v27;
	v27 =	vbroadcast v25, $0x0  }
0xe3: {  	v31 =	vbroadcast v62, $0x0;
	v63 =	vor.u32 v4, v19;
	v21 =	vbroadcast v32, $0x0;
	[tilespmem:s26+$0x300] =	vst v16  }
0xe4: {  	v16 =	vand.u32 $0x70, v30;
	v25 =	vbroadcast v60, $0x0;
	v42 =	vld.idx.msk [tilespmem:v24+s25+$0x0], $0xffff;
	v43 =	vor.u32 v4, v27  }
0xe5: {  	v30 =	vand.u32 $0x75, v33;
	v20 =	vbroadcast v16, $0x0;
	v16 =	vbroadcast v28, $0x0  }
0xe6: {  	v41 =	vor.u32 v4, v26;
	v28 =	vbroadcast v29, $0x0;
	v24 =	vbroadcast v30, $0x0;
	v39 =	vld.idx.msk [tilespmem:v61+s25+$0x0], $0xffff  }
0xe7: {  	v31 =	vor.u32 v4, v31;
	v37 =	vor.u32 v4, v44;
	v35 =	vor.u32 v4, v21  }
0xe8: {  	v33 =	vld.idx.msk [tilespmem:v63+s25+$0x0], $0xffff;
	v29 =	vor.u32 v4, v25;
	v28 =	vor.u32 v4, v28;
	v30 =	vor.u32 v4, v24  }
0xe9: {  	s29 =	simm.s32 $0x1A540;
	s1 =	simm.s32 $0x10;
	s26 =	simm.s32 $0x19D50;
	v32 =	vor.u32 v4, v20;
	v34 =	vor.u32 v4, v16;
	[tilespmem:s28+$0x0] =	vst v42;
	v42 =	vbroadcast v17, $0x0;
	v36 =	vld.idx.msk [tilespmem:v43+s25+$0x0], $0xffff  }
.LBB2_11:
0xea: {  	s0 =	sadd.s32 $0x1, s1  }
0xeb: {  	v43 =	vmov s1;
	s9 =	sadd.s32 $0x2, s1;
	s13 =	sadd.s32 $0xE, s1;
	[tilespmem:s28+$0x200] =	vst v39;
	v39 =	vld.idx.msk [tilespmem:v41+s25+$0x0], $0xffff;
	s14 =	smov.u32 s1  }
0xec: {  	s15 =	sadd.s32 $0x9, s1;
	v41 =	vmov s0;
	v44 =	vmov s9;
	s0 =	sadd.s32 $0x4, s1;
	s9 =	sadd.s32 $0x5, s1;
	v42 =	vor.u32 v4, v42;
	v38 =	vld.idx.msk [tilespmem:v38+s25+$0x0], $0xffff  }
0xed: {  	s31 =	sadd.s32 $0x3, s1;
	v44 =	vand.u32 $0x72, v44;
	v45 =	vmov s0;
	v46 =	vmov s9;
	s0 =	sadd.s32 $0x7, s1;
	s9 =	sadd.s32 $0x8, s1;
	v35 =	vld.idx.msk [tilespmem:v35+s25+$0x0], $0xffff  }
0xee: {  	s30 =	sadd.s32 $0x10, s1;
	s16 =	sadd.s32 $0x6, s14;
	v49 =	vmov s15;
	v47 =	vmov s0;
	v48 =	vmov s9;
	s0 =	sadd.s32 $0xF, s14;
	v40 =	vld.idx.msk [tilespmem:v40+s25+$0x0], $0xffff  }
0xef: {  	p1 =	slt.u32 s1, $0x30;
	v50 =	vmov s13;
	v45 =	vand.u32 $0x74, v45;
	s9 =	sadd.s32 $0xA, s14;
	v48 =	vand.u32 $0x78, v48;
	[tilespmem:s28+$0xFFFFFD00] =	vst v33;
	v33 =	vld.idx.msk [tilespmem:v34+s25+$0x0], $0xffff  }
0xf0: {  	s1 =	sadd.s32 $0xC, s14;
	v51 =	vmov s0;
	v34 =	vbroadcast v48, $0x0;
	v48 =	vmov s9;
	s9 =	sadd.s32 $0xD, s14;
	[tilespmem:s28+$0xFFFFFF80] =	vst v36;
	v36 =	vld.idx.msk [tilespmem:v37+s25+$0x0], $0xffff  }
0xf1: {  	s0 =	sadd.s32 $0xB, s14;
	v37 =	vand.u32 $0x71, v41;
	v41 =	vmov s1;
	v52 =	vmov s9;
	v42 =	vld.idx.msk [tilespmem:v42+s25+$0x0], $0xffff;
	[tilespmem:s28+$0x280] =	vst v39  }
0xf2: {  	v51 =	vand.u32 $0x7F, v51;
	v39 =	vmov s0;
	v34 =	vor.u32 v4, v34;
	v32 =	vld.idx.msk [tilespmem:v32+s25+$0x0], $0xffff;
	[tilespmem:s28+$0xFFFFFE00] =	vst v38  }
0xf3: {  	v50 =	vand.u32 $0x7E, v50;
	v38 =	vand.u32 $0x7C, v41;
	v41 =	vand.u32 $0x7D, v52;
	v30 =	vld.idx.msk [tilespmem:v30+s25+$0x0], $0xffff;
	[tilespmem:s28+$0xFFFFFF00] =	vst v35  }
0xf4: {  	v51 =	vbroadcast v51, $0x0;
	v35 =	vand.u32 $0x7B, v39;
	v38 =	vbroadcast v38, $0x0;
	v29 =	vld.idx.msk [tilespmem:v29+s25+$0x0], $0xffff;
	[tilespmem:s28+$0x380] =	vst v40  }
0xf5: {  	v39 =	vmov s16;
	v40 =	vand.u32 $0x77, v47;
	v47 =	vand.u32 $0x7A, v48;
	v31 =	vld.idx.msk [tilespmem:v31+s25+$0x0], $0xffff;
	[tilespmem:s28+$0x300] =	vst v33  }
0xf6: {  	v33 =	vbroadcast v44, $0x0;
	v44 =	vmov s31;
	v38 =	vor.u32 v4, v38;
	v28 =	vld.idx.msk [tilespmem:v28+s25+$0x0], $0xffff;
	[tilespmem:s28+$0x180] =	vst v36  }
0xf7: {  	v36 =	vand.u32 $0x70, v43;
	v43 =	vand.u32 $0x75, v46;
	v46 =	vand.u32 $0x79, v49;
	v34 =	vld.idx.msk [tilespmem:v34+s25+$0x0], $0xffff;
	[tilespmem:s28+$0xFFFFFC80] =	vst v42  }
0xf8: {  	v41 =	vbroadcast v41, $0x0;
	v39 =	vand.u32 $0x76, v39;
	v36 =	vbroadcast v36, $0x0;
	[tilespmem:s28+$0xFFFFFC00] =	vst v32  }
0xf9: {  	v40 =	vbroadcast v40, $0x0;
	v42 =	vbroadcast v50, $0x0;
	v32 =	vand.u32 $0x73, v44;
	[tilespmem:s28+$0xFFFFFE80] =	vst v30  }
0xfa: {  	v33 =	vor.u32 v4, v33;
	v44 =	vbroadcast v39, $0x0;
	v30 =	vbroadcast v45, $0x0;
	[tilespmem:s28+$0x100] =	vst v29  }
0xfb: {  	v45 =	vor.u32 v4, v40;
	v29 =	vbroadcast v47, $0x0;
	v47 =	vbroadcast v35, $0x0;
	v39 =	vld.idx.msk [tilespmem:v38+s25+$0x0], $0xffff;
	[tilespmem:s28+$0x80] =	vst v31  }
.Ltmp4:
0xfc: {  	v41 =	vor.u32 v4, v41;
	v31 =	vbroadcast v32, $0x0;
	v32 =	vbroadcast v43, $0x0;
	[tilespmem:s28+$0xFFFFFD80] =	vst v28;
	s28 =	smov.u32 s29;
	(pc) =	sbr.rel @p1 .LBB2_11-.Ltmp4, $4  }
0xfd: {  	v35 =	vor.u32 v4, v44;
	v38 =	vor.u32 v4, v30;
	v29 =	vor.u32 v4, v29;
	[tilespmem:s29+$0x0] =	vst v34  }
0xfe: {  	v28 =	vor.u32 v4, v31;
	v30 =	vor.u32 v4, v32;
	v31 =	vbroadcast v46, $0x0  }
0xff: {  	v40 =	vor.u32 v4, v51;
	v32 =	vor.u32 v4, v36;
	v34 =	vor.u32 v4, v42;
	v33 =	vld.idx.msk [tilespmem:v33+s25+$0x0], $0xffff  }
0x100: {  	s1 =	smov.u32 s30;
	v42 =	vbroadcast v37, $0x0;
	v37 =	vor.u32 v4, v47;
	s29 =	sadd.s32 $0x800, s29;
	v31 =	vor.u32 v4, v31;
	v36 =	vld.idx.msk [tilespmem:v45+s25+$0x0], $0xffff  }
0x101: {  	_ =	sdelay $0x3  }
0x102: {  	v41 =	vld.idx.msk [tilespmem:v41+s25+$0x0], $0xffff  }
0x103: {  	v38 =	vld.idx.msk [tilespmem:v38+s25+$0x0], $0xffff  }
0x104: {  	[tilespmem:s28+$0x200] =	vst v39;
	v35 =	vld.idx.msk [tilespmem:v35+s25+$0x0], $0xffff  }
0x105: {  	v56 =	vld.idx.msk [tilespmem:v40+s25+$0x0], $0xffff;
	[tilespmem:s28+$0xFFFFFD00] =	vst v33  }
0x106: {  	v57 =	vld.idx.msk [tilespmem:v34+s25+$0x0], $0xffff;
	[tilespmem:s28+$0xFFFFFF80] =	vst v36  }
0x107: {  	v58 =	vld.idx.msk [tilespmem:v37+s25+$0x0], $0xffff;
	[tilespmem:s28+$0x280] =	vst v41  }
0x108: {  	v32 =	vld.idx.msk [tilespmem:v32+s25+$0x0], $0xffff;
	v42 =	vor.u32 v4, v42;
	[tilespmem:s28+$0xFFFFFE00] =	vst v38  }
0x109: {  	v30 =	vld.idx.msk [tilespmem:v30+s25+$0x0], $0xffff;
	[tilespmem:s28+$0xFFFFFF00] =	vst v35  }
0x10a: {  	v29 =	vld.idx.msk [tilespmem:v29+s25+$0x0], $0xffff;
	[tilespmem:s28+$0x380] =	vst v56  }
0x10b: {  	v31 =	vld.idx.msk [tilespmem:v31+s25+$0x0], $0xffff;
	[tilespmem:s28+$0x300] =	vst v57  }
0x10c: {  	v28 =	vld.idx.msk [tilespmem:v28+s25+$0x0], $0xffff;
	[tilespmem:s28+$0x180] =	vst v58  }
0x10d: {  	[tilespmem:s28+$0xFFFFFC00] =	vst v32;
	v59 =	vld.idx.msk [tilespmem:v42+s25+$0x0], $0xffff  }
0x10e: {  	s0 =	simm.s32 $0xB;
	v18 =	vor.u32 v5, v18;
	[tilespmem:s28+$0xFFFFFE80] =	vst v30  }
0x10f: {  	v27 =	vor.u32 v5, v27;
	v17 =	vbroadcast v17, $0x0;
	v60 =	vmov s0;
	[tilespmem:s28+$0x100] =	vst v29  }
0x110: {  	v30 =	vand.u32 $0x7B, v60;
	v29 =	vor.u32 v5, v22;
	[tilespmem:s28+$0x80] =	vst v31  }
0x111: {  	s15 =	simm.s32 $0x9;
	v62 =	vor.u32 v5, v17;
	[tilespmem:s28+$0xFFFFFD80] =	vst v28;
	v22 =	vbroadcast v30, $0x0  }
0x112: {  	s16 =	simm.s32 $0xF;
	v31 =	vor.u32 v5, v26;
	v30 =	vmov s15;
	[tilespmem:s28+$0xFFFFFC80] =	vst v59  }
0x113: {  	v26 =	vand.u32 $0x79, v30;
	v30 =	vor.u32 v5, v22;
	v22 =	vmov s16;
	v61 =	vld.idx.msk [tilespmem:v18+s25+$0x0], $0xffff  }
0x114: {  	s31 =	simm.s32 $0x3;
	v17 =	vand.u32 $0x7F, v22;
	v18 =	vbroadcast v26, $0x0;
	v27 =	vld.idx.msk [tilespmem:v27+s25+$0x0], $0xffff  }
0x115: {  	v28 =	vmov s31;
	v63 =	vbroadcast v17, $0x0;
	v17 =	vor.u32 v5, v20;
	v26 =	vld.idx.msk [tilespmem:v29+s25+$0x0], $0xffff  }
0x116: {  	v20 =	vor.u32 v5, v21;
	v29 =	vor.u32 v5, v19;
	v21 =	vld.idx.msk [tilespmem:v62+s25+$0x0], $0xffff;
	v22 =	vor.u32 v5, v18  }
0x117: {  	v18 =	vor.u32 v5, v25;
	v25 =	vld.idx.msk [tilespmem:v31+s25+$0x0], $0xffff;
	v31 =	vand.u32 $0x73, v28;
	v28 =	vor.u32 v5, v24  }
0x118: {  	s29 =	simm.s32 $0x10;
	s30 =	simm.s32 $0x1A550;
	s28 =	simm.s32 $0x19D60;
	v19 =	vor.u32 v5, v23;
	v23 =	vld.idx.msk [tilespmem:v30+s25+$0x0], $0xffff;
	v24 =	vor.u32 v5, v63;
	v30 =	vbroadcast v31, $0x0;
	[tilespmem:s26+$0x0] =	vst v61  }
.LBB2_13:
0x119: {  	s0 =	sadd.s32 $0x1, s29  }
0x11a: {  	v31 =	vmov s29;
	s1 =	sadd.s32 $0x2, s29;
	s9 =	sadd.s32 $0xF, s29;
	[tilespmem:s26+$0xFFFFFF80] =	vst v27;
	s13 =	smov.u32 s29  }
0x11b: {  	s14 =	sadd.s32 $0xB, s29;
	v27 =	vmov s0;
	v32 =	vmov s1;
	s0 =	sadd.s32 $0x4, s29;
	s1 =	sadd.s32 $0x5, s29;
	v29 =	vld.idx.msk [tilespmem:v29+s25+$0x0], $0xffff;
	v16 =	vor.u32 v5, v16  }
0x11c: {  	s15 =	sadd.s32 $0xE, s29;
	v30 =	vor.u32 v5, v30;
	v33 =	vmov s0;
	v34 =	vmov s1;
	s0 =	sadd.s32 $0x7, s29;
	s1 =	sadd.s32 $0x8, s29;
	v28 =	vld.idx.msk [tilespmem:v28+s25+$0x0], $0xffff;
	[tilespmem:s26+$0x200] =	vst v26  }
0x11d: {  	p1 =	slt.u32 s29, $0x30;
	s16 =	sadd.s32 $0x6, s13;
	v26 =	vand.u32 $0x71, v27;
	s29 =	sadd.s32 $0x10, s29;
	v27 =	vmov s0;
	v35 =	vmov s1;
	v22 =	vld.idx.msk [tilespmem:v22+s25+$0x0], $0xffff;
	[tilespmem:s26+$0x280] =	vst v25  }
0x11e: {  	v25 =	vand.u32 $0x72, v32;
	s0 =	sadd.s32 $0x3, s13;
	v32 =	vand.u32 $0x74, v33;
	s1 =	sadd.s32 $0xA, s13;
	v33 =	vand.u32 $0x78, v35;
	[tilespmem:s26+$0x180] =	vst v23;
	v23 =	vld.idx.msk [tilespmem:v24+s25+$0x0], $0xffff  }
0x11f: {  	s31 =	sadd.s32 $0xD, s13;
	v35 =	vmov s9;
	v24 =	vbroadcast v33, $0x0;
	v33 =	vmov s1;
	s1 =	sadd.s32 $0xC, s13;
	v17 =	vld.idx.msk [tilespmem:v17+s25+$0x0], $0xffff;
	[tilespmem:s26+$0xFFFFFC80] =	vst v21  }
0x120: {  	v36 =	vmov s31;
	s9 =	sadd.s32 $0x9, s13;
	v21 =	vand.u32 $0x70, v31;
	v31 =	vmov s1;
	v19 =	vld.idx.msk [tilespmem:v19+s25+$0x0], $0xffff  }
0x121: {  	v37 =	vmov s15;
	v34 =	vand.u32 $0x75, v34;
	v24 =	vor.u32 v5, v24;
	[tilespmem:s26+$0xFFFFFD00] =	vst v29;
	v16 =	vld.idx.msk [tilespmem:v16+s25+$0x0], $0xffff  }
0x122: {  	v27 =	vand.u32 $0x77, v27;
	v33 =	vand.u32 $0x7A, v33;
	v29 =	vmov s16;
	[tilespmem:s26+$0xFFFFFE80] =	vst v28;
	v18 =	vld.idx.msk [tilespmem:v18+s25+$0x0], $0xffff  }
0x123: {  	v27 =	vbroadcast v27, $0x0;
	v28 =	vand.u32 $0x7C, v31;
	v31 =	vand.u32 $0x7F, v35;
	v30 =	vld.idx.msk [tilespmem:v30+s25+$0x0], $0xffff;
	[tilespmem:s26+$0x80] =	vst v22  }
0x124: {  	v35 =	vand.u32 $0x7D, v36;
	v22 =	vmov s14;
	v28 =	vbroadcast v28, $0x0;
	v20 =	vld.idx.msk [tilespmem:v20+s25+$0x0], $0xffff;
	[tilespmem:s26+$0x380] =	vst v23  }
0x125: {  	v23 =	vbroadcast v25, $0x0;
	v25 =	vor.u32 v5, v27;
	v27 =	vbroadcast v35, $0x0;
	[tilespmem:s26+$0xFFFFFC00] =	vst v17  }
0x126: {  	v22 =	vand.u32 $0x7B, v22;
	v28 =	vor.u32 v5, v28;
	v17 =	vld.idx.msk [tilespmem:v24+s25+$0x0], $0xffff;
	v24 =	vmov s9;
	[tilespmem:s26+$0xFFFFFE00] =	vst v19  }
0x127: {  	v22 =	vbroadcast v22, $0x0;
	v19 =	vand.u32 $0x76, v29;
	v35 =	vor.u32 v5, v27;
	[tilespmem:s26+$0x300] =	vst v16  }
0x128: {  	v36 =	vmov s0;
	v16 =	vbroadcast v26, $0x0;
	v24 =	vand.u32 $0x79, v24;
	[tilespmem:s26+$0x100] =	vst v18  }
0x129: {  	v34 =	vbroadcast v34, $0x0;
	v18 =	vbroadcast v24, $0x0;
	v24 =	vor.u32 v5, v22;
	[tilespmem:s26+$0xFFFFFD80] =	vst v30  }
0x12a: {  	v16 =	vor.u32 v5, v16;
	v30 =	vbroadcast v32, $0x0;
	v27 =	vld.idx.msk [tilespmem:v25+s25+$0x0], $0xffff;
	v25 =	vbroadcast v33, $0x0;
	[tilespmem:s26+$0xFFFFFF00] =	vst v20;
	s26 =	smov.u32 s30  }
.Ltmp5:
0x12b: {  	v31 =	vbroadcast v31, $0x0;
	v20 =	vbroadcast v21, $0x0;
	v22 =	vor.u32 v5, v18;
	v26 =	vld.idx.msk [tilespmem:v28+s25+$0x0], $0xffff;
	(pc) =	sbr.rel @p1 .LBB2_13-.Ltmp5, $4  }
0x12c: {  	v29 =	vor.u32 v5, v23;
	v21 =	vbroadcast v19, $0x0;
	[tilespmem:s30+$0x0] =	vst v17;
	v18 =	vor.u32 v5, v25;
	v25 =	vld.idx.msk [tilespmem:v35+s25+$0x0], $0xffff  }
0x12d: {  	v32 =	vand.u32 $0x73, v36;
	v19 =	vor.u32 v5, v30;
	v28 =	vor.u32 v5, v34  }
0x12e: {  	v17 =	vor.u32 v5, v20;
	v20 =	vor.u32 v5, v21;
	v23 =	vld.idx.msk [tilespmem:v24+s25+$0x0], $0xffff;
	v24 =	vand.u32 $0x7E, v37  }
0x12f: {  	s0 =	simm.s32 $0x0;
	v30 =	vbroadcast v32, $0x0;
	s30 =	sadd.s32 $0x800, s30;
	v21 =	vld.idx.msk [tilespmem:v16+s25+$0x0], $0xffff;
	v16 =	vbroadcast v24, $0x0;
	v24 =	vor.u32 v5, v31  }
0x130: {  	_ =	sdelay $0x3  }
0x131: {  	[tilespmem:s26+$0xFFFFFF80] =	vst v27;
	v27 =	vld.idx.msk [tilespmem:v29+s25+$0x0], $0xffff  }
0x132: {  	s1 =	simm.s32 $0x1;
	s9 =	simm.s32 $0x2;
	v28 =	vld.idx.msk [tilespmem:v28+s25+$0x0], $0xffff;
	v31 =	vmov s0;
	v29 =	vor.u32 v5, v16  }
0x133: {  	s14 =	simm.s32 $0x4;
	s15 =	simm.s32 $0x5;
	[tilespmem:s26+$0x200] =	vst v26;
	v22 =	vld.idx.msk [tilespmem:v22+s25+$0x0], $0xffff;
	s30 =	simm.s32 $0x7;
	v30 =	vor.u32 v5, v30;
	v16 =	vmov s1;
	v32 =	vmov s9  }
0x134: {  	s16 =	simm.s32 $0x9;
	s31 =	simm.s32 $0x8;
	s13 =	simm.s32 $0xE;
	v58 =	vmov s14;
	v33 =	vmov s15;
	[tilespmem:s26+$0x280] =	vst v25;
	v25 =	vmov s30  }
0x135: {  	v36 =	vld.idx.msk [tilespmem:v17+s25+$0x0], $0xffff;
	v34 =	vmov s31;
	v35 =	vmov s16;
	v59 =	vmov s13  }
0x136: {  	v60 =	vld.idx.msk [tilespmem:v20+s25+$0x0], $0xffff;
	s14 =	simm.s32 $0xC;
	s16 =	simm.s32 $0xB;
	v20 =	vand.u32 $0x70, v31;
	v26 =	vand.u32 $0x72, v32;
	v32 =	vand.u32 $0x74, v58;
	[tilespmem:s26+$0x180] =	vst v23  }
0x137: {  	v37 =	vld.idx.msk [tilespmem:v19+s25+$0x0], $0xffff;
	v16 =	vand.u32 $0x71, v16;
	v19 =	vmov s14;
	v38 =	vmov s16;
	[tilespmem:s26+$0xFFFFFC80] =	vst v21  }
0x138: {  	v39 =	vld.idx.msk [tilespmem:v18+s25+$0x0], $0xffff;
	v25 =	vand.u32 $0x77, v25;
	v35 =	vand.u32 $0x79, v35;
	v20 =	vbroadcast v20, $0x0;
	[tilespmem:s26+$0xFFFFFD00] =	vst v27  }
0x139: {  	s4 =	simm.s32 $0xF;
	s9 =	simm.s32 $0xA;
	v23 =	vld.idx.msk [tilespmem:v24+s25+$0x0], $0xffff;
	v24 =	vand.u32 $0x78, v34;
	v18 =	vand.u32 $0x7C, v19;
	v25 =	vbroadcast v25, $0x0;
	[tilespmem:s26+$0xFFFFFE80] =	vst v28  }
0x13a: {  	s15 =	simm.s32 $0xD;
	v17 =	vbroadcast v24, $0x0;
	v21 =	vmov s9;
	v24 =	vmov s4;
	[tilespmem:s26+$0x80] =	vst v22  }
0x13b: {  	s31 =	simm.s32 $0x3;
	v19 =	vbroadcast v18, $0x0;
	v27 =	vmov s15;
	v24 =	vand.u32 $0x7F, v24;
	[tilespmem:s26+$0xFFFFFC00] =	vst v36;
	v29 =	vld.idx.msk [tilespmem:v29+s25+$0x0], $0xffff  }
0x13c: {  	v61 =	vand.u32 $0x7A, v21;
	[tilespmem:s26+$0xFFFFFE00] =	vst v37;
	v21 =	vbroadcast v26, $0x0;
	v26 =	vmov s31;
	v30 =	vld.idx.msk [tilespmem:v30+s25+$0x0], $0xffff  }
0x13d: {  	s30 =	simm.s32 $0x6;
	[tilespmem:s26+$0x100] =	vst v39;
	v41 =	vor.u32 v6, v25;
	v36 =	vor.u32 v6, v20;
	v28 =	vor.u32 v6, v17  }
0x13e: {  	[tilespmem:s26+$0xFFFFFF00] =	vst v60;
	v22 =	vand.u32 $0x7D, v27;
	v18 =	vbroadcast v24, $0x0;
	v24 =	vmov s30  }
0x13f: {  	v27 =	vand.u32 $0x7E, v59;
	v62 =	vor.u32 v6, v19;
	v31 =	vand.u32 $0x76, v24;
	[tilespmem:s26+$0x380] =	vst v23  }
0x140: {  	v24 =	vbroadcast v22, $0x0;
	v22 =	vbroadcast v27, $0x0;
	v63 =	vor.u32 v6, v21;
	[tilespmem:s26+$0x300] =	vst v29  }
0x141: {  	v23 =	vand.u32 $0x7B, v38;
	v27 =	vbroadcast v31, $0x0;
	v44 =	vor.u32 v6, v18;
	[tilespmem:s26+$0xFFFFFD80] =	vst v30  }
0x142: {  	v23 =	vbroadcast v23, $0x0;
	v45 =	vor.u32 v6, v24;
	v29 =	vand.u32 $0x75, v33;
	v40 =	vld.idx.msk [tilespmem:v28+s25+$0x0], $0xffff  }
0x143: {  	v30 =	vand.u32 $0x73, v26;
	v26 =	vbroadcast v32, $0x0;
	v28 =	vbroadcast v61, $0x0  }
0x144: {  	v38 =	vor.u32 v6, v22;
	v30 =	vbroadcast v30, $0x0;
	v31 =	vbroadcast v29, $0x0;
	v43 =	vld.idx.msk [tilespmem:v62+s25+$0x0], $0xffff  }
0x145: {  	v39 =	vor.u32 v6, v27;
	v29 =	vbroadcast v35, $0x0;
	v42 =	vor.u32 v6, v26  }
0x146: {  	v37 =	vld.idx.msk [tilespmem:v63+s25+$0x0], $0xffff;
	v33 =	vor.u32 v6, v28;
	v32 =	vor.u32 v6, v30;
	v34 =	vor.u32 v6, v31  }
0x147: {  	s29 =	simm.s32 $0x19D70;
	s1 =	simm.s32 $0x10;
	v46 =	vbroadcast v16, $0x0;
	s26 =	simm.s32 $0x1A560;
	v35 =	vor.u32 v6, v29;
	[tilespmem:s28+$0x0] =	vst v40;
	v40 =	vld.idx.msk [tilespmem:v41+s25+$0x0], $0xffff;
	v41 =	vor.u32 v6, v23  }
.LBB2_15:
0x148: {  	s0 =	sadd.s32 $0x1, s1  }
0x149: {  	v47 =	vmov s1;
	s9 =	sadd.s32 $0x2, s1;
	s13 =	sadd.s32 $0xE, s1;
	[tilespmem:s28+$0x200] =	vst v43;
	v43 =	vld.idx.msk [tilespmem:v45+s25+$0x0], $0xffff;
	s14 =	smov.u32 s1  }
0x14a: {  	s15 =	sadd.s32 $0x9, s1;
	v45 =	vmov s0;
	v48 =	vmov s9;
	s0 =	sadd.s32 $0x4, s1;
	s9 =	sadd.s32 $0x5, s1;
	v46 =	vor.u32 v6, v46;
	v42 =	vld.idx.msk [tilespmem:v42+s25+$0x0], $0xffff  }
0x14b: {  	s31 =	sadd.s32 $0x3, s1;
	v48 =	vand.u32 $0x72, v48;
	v49 =	vmov s0;
	v50 =	vmov s9;
	s0 =	sadd.s32 $0x7, s1;
	s9 =	sadd.s32 $0x8, s1;
	v39 =	vld.idx.msk [tilespmem:v39+s25+$0x0], $0xffff  }
0x14c: {  	s30 =	sadd.s32 $0x10, s1;
	s16 =	sadd.s32 $0x6, s14;
	v53 =	vmov s15;
	v51 =	vmov s0;
	v52 =	vmov s9;
	s0 =	sadd.s32 $0xF, s14;
	v44 =	vld.idx.msk [tilespmem:v44+s25+$0x0], $0xffff  }
0x14d: {  	p1 =	slt.u32 s1, $0x30;
	v54 =	vmov s13;
	v49 =	vand.u32 $0x74, v49;
	s9 =	sadd.s32 $0xA, s14;
	v52 =	vand.u32 $0x78, v52;
	[tilespmem:s28+$0xFFFFFD00] =	vst v37;
	v37 =	vld.idx.msk [tilespmem:v38+s25+$0x0], $0xffff  }
0x14e: {  	s1 =	sadd.s32 $0xC, s14;
	v55 =	vmov s0;
	v38 =	vbroadcast v52, $0x0;
	v52 =	vmov s9;
	s9 =	sadd.s32 $0xD, s14;
	[tilespmem:s28+$0xFFFFFF80] =	vst v40;
	v40 =	vld.idx.msk [tilespmem:v41+s25+$0x0], $0xffff  }
0x14f: {  	s0 =	sadd.s32 $0xB, s14;
	v41 =	vand.u32 $0x71, v45;
	v45 =	vmov s1;
	v56 =	vmov s9;
	v46 =	vld.idx.msk [tilespmem:v46+s25+$0x0], $0xffff;
	[tilespmem:s28+$0x280] =	vst v43  }
0x150: {  	v55 =	vand.u32 $0x7F, v55;
	v43 =	vmov s0;
	v38 =	vor.u32 v6, v38;
	v36 =	vld.idx.msk [tilespmem:v36+s25+$0x0], $0xffff;
	[tilespmem:s28+$0xFFFFFE00] =	vst v42  }
0x151: {  	v54 =	vand.u32 $0x7E, v54;
	v42 =	vand.u32 $0x7C, v45;
	v45 =	vand.u32 $0x7D, v56;
	v34 =	vld.idx.msk [tilespmem:v34+s25+$0x0], $0xffff;
	[tilespmem:s28+$0xFFFFFF00] =	vst v39  }
0x152: {  	v55 =	vbroadcast v55, $0x0;
	v39 =	vand.u32 $0x7B, v43;
	v42 =	vbroadcast v42, $0x0;
	v33 =	vld.idx.msk [tilespmem:v33+s25+$0x0], $0xffff;
	[tilespmem:s28+$0x380] =	vst v44  }
0x153: {  	v43 =	vmov s16;
	v44 =	vand.u32 $0x77, v51;
	v51 =	vand.u32 $0x7A, v52;
	v35 =	vld.idx.msk [tilespmem:v35+s25+$0x0], $0xffff;
	[tilespmem:s28+$0x300] =	vst v37  }
0x154: {  	v37 =	vbroadcast v48, $0x0;
	v48 =	vmov s31;
	v42 =	vor.u32 v6, v42;
	v32 =	vld.idx.msk [tilespmem:v32+s25+$0x0], $0xffff;
	[tilespmem:s28+$0x180] =	vst v40  }
0x155: {  	v40 =	vand.u32 $0x70, v47;
	v47 =	vand.u32 $0x75, v50;
	v50 =	vand.u32 $0x79, v53;
	v38 =	vld.idx.msk [tilespmem:v38+s25+$0x0], $0xffff;
	[tilespmem:s28+$0xFFFFFC80] =	vst v46  }
0x156: {  	v45 =	vbroadcast v45, $0x0;
	v43 =	vand.u32 $0x76, v43;
	v40 =	vbroadcast v40, $0x0;
	[tilespmem:s28+$0xFFFFFC00] =	vst v36  }
0x157: {  	v44 =	vbroadcast v44, $0x0;
	v46 =	vbroadcast v54, $0x0;
	v36 =	vand.u32 $0x73, v48;
	[tilespmem:s28+$0xFFFFFE80] =	vst v34  }
0x158: {  	v37 =	vor.u32 v6, v37;
	v48 =	vbroadcast v43, $0x0;
	v34 =	vbroadcast v49, $0x0;
	[tilespmem:s28+$0x100] =	vst v33  }
0x159: {  	v49 =	vor.u32 v6, v44;
	v33 =	vbroadcast v51, $0x0;
	v51 =	vbroadcast v39, $0x0;
	v43 =	vld.idx.msk [tilespmem:v42+s25+$0x0], $0xffff;
	[tilespmem:s28+$0x80] =	vst v35  }
.Ltmp6:
0x15a: {  	v45 =	vor.u32 v6, v45;
	v35 =	vbroadcast v36, $0x0;
	v36 =	vbroadcast v47, $0x0;
	[tilespmem:s28+$0xFFFFFD80] =	vst v32;
	s28 =	smov.u32 s26;
	(pc) =	sbr.rel @p1 .LBB2_15-.Ltmp6, $4  }
0x15b: {  	v39 =	vor.u32 v6, v48;
	v42 =	vor.u32 v6, v34;
	v33 =	vor.u32 v6, v33;
	[tilespmem:s26+$0x0] =	vst v38  }
0x15c: {  	v32 =	vor.u32 v6, v35;
	v34 =	vor.u32 v6, v36;
	v35 =	vbroadcast v50, $0x0  }
0x15d: {  	v44 =	vor.u32 v6, v55;
	v36 =	vor.u32 v6, v40;
	v38 =	vor.u32 v6, v46;
	v37 =	vld.idx.msk [tilespmem:v37+s25+$0x0], $0xffff  }
0x15e: {  	s1 =	smov.u32 s30;
	v46 =	vbroadcast v41, $0x0;
	v41 =	vor.u32 v6, v51;
	s26 =	sadd.s32 $0x800, s26;
	v35 =	vor.u32 v6, v35;
	v40 =	vld.idx.msk [tilespmem:v49+s25+$0x0], $0xffff  }
0x15f: {  	_ =	sdelay $0x3  }
0x160: {  	v45 =	vld.idx.msk [tilespmem:v45+s25+$0x0], $0xffff  }
0x161: {  	v42 =	vld.idx.msk [tilespmem:v42+s25+$0x0], $0xffff  }
0x162: {  	[tilespmem:s28+$0x200] =	vst v43;
	v39 =	vld.idx.msk [tilespmem:v39+s25+$0x0], $0xffff  }
0x163: {  	v58 =	vld.idx.msk [tilespmem:v44+s25+$0x0], $0xffff;
	[tilespmem:s28+$0xFFFFFD00] =	vst v37  }
0x164: {  	v59 =	vld.idx.msk [tilespmem:v38+s25+$0x0], $0xffff;
	[tilespmem:s28+$0xFFFFFF80] =	vst v40  }
0x165: {  	v60 =	vld.idx.msk [tilespmem:v41+s25+$0x0], $0xffff;
	[tilespmem:s28+$0x280] =	vst v45  }
0x166: {  	v36 =	vld.idx.msk [tilespmem:v36+s25+$0x0], $0xffff;
	v46 =	vor.u32 v6, v46;
	[tilespmem:s28+$0xFFFFFE00] =	vst v42  }
0x167: {  	v34 =	vld.idx.msk [tilespmem:v34+s25+$0x0], $0xffff;
	[tilespmem:s28+$0xFFFFFF00] =	vst v39  }
0x168: {  	v33 =	vld.idx.msk [tilespmem:v33+s25+$0x0], $0xffff;
	[tilespmem:s28+$0x380] =	vst v58  }
0x169: {  	v35 =	vld.idx.msk [tilespmem:v35+s25+$0x0], $0xffff;
	[tilespmem:s28+$0x300] =	vst v59  }
0x16a: {  	v32 =	vld.idx.msk [tilespmem:v32+s25+$0x0], $0xffff;
	[tilespmem:s28+$0x180] =	vst v60  }
0x16b: {  	[tilespmem:s28+$0xFFFFFC00] =	vst v36;
	v61 =	vld.idx.msk [tilespmem:v46+s25+$0x0], $0xffff  }
0x16c: {  	v17 =	vor.u32 v7, v17;
	[tilespmem:s28+$0xFFFFFE80] =	vst v34  }
0x16d: {  	[tilespmem:s28+$0x100] =	vst v33  }
0x16e: {  	v19 =	vor.u32 v7, v19;
	[tilespmem:s28+$0x80] =	vst v35  }
0x16f: {  	[tilespmem:s28+$0xFFFFFD80] =	vst v32  }
0x170: {  	v62 =	vor.u32 v7, v21;
	[tilespmem:s28+$0xFFFFFC80] =	vst v61  }
0x171: {  	v63 =	vor.u32 v7, v25;
	v35 =	vld.idx.msk [tilespmem:v17+s25+$0x0], $0xffff;
	_ =	sdelay $0x1  }
0x172: {  	v25 =	vor.u32 v7, v27;
	v33 =	vor.u32 v7, v24;
	v32 =	vor.u32 v7, v26;
	v26 =	vld.idx.msk [tilespmem:v19+s25+$0x0], $0xffff  }
0x173: {  	v21 =	vor.u32 v7, v31;
	v20 =	vor.u32 v7, v20;
	v22 =	vor.u32 v7, v22  }
0x174: {  	v27 =	vor.u32 v7, v18;
	v23 =	vor.u32 v7, v23;
	v19 =	vor.u32 v7, v28;
	v24 =	vld.idx.msk [tilespmem:v62+s25+$0x0], $0xffff  }
0x175: {  	s0 =	simm.s32 $0x10;
	s26 =	simm.s32 $0x1A570;
	v17 =	vor.u32 v7, v30;
	v28 =	vbroadcast v16, $0x0;
	v18 =	vld.idx.msk [tilespmem:v63+s25+$0x0], $0xffff;
	v16 =	vor.u32 v7, v29;
	[tilespmem:s29+$0x0] =	vst v35  }
.LBB2_17:
0x176: {  	s1 =	sadd.s32 $0x1, s0  }
0x177: {  	v29 =	vmov s0;
	s9 =	sadd.s32 $0x2, s0;
	s13 =	sadd.s32 $0xE, s0;
	[tilespmem:s29+$0x200] =	vst v26;
	v26 =	vld.idx.msk [tilespmem:v33+s25+$0x0], $0xffff;
	s14 =	smov.u32 s0  }
0x178: {  	s15 =	sadd.s32 $0x9, s0;
	v30 =	vmov s1;
	v31 =	vmov s9;
	s1 =	sadd.s32 $0x4, s0;
	s9 =	sadd.s32 $0x5, s0;
	v28 =	vor.u32 v7, v28;
	v32 =	vld.idx.msk [tilespmem:v32+s25+$0x0], $0xffff  }
0x179: {  	s30 =	sadd.s32 $0x3, s0;
	v31 =	vand.u32 $0x72, v31;
	v33 =	vmov s1;
	v34 =	vmov s9;
	s1 =	sadd.s32 $0x7, s0;
	s9 =	sadd.s32 $0x8, s0;
	v25 =	vld.idx.msk [tilespmem:v25+s25+$0x0], $0xffff  }
0x17a: {  	s28 =	sadd.s32 $0x10, s0;
	s16 =	sadd.s32 $0x6, s14;
	v37 =	vmov s15;
	v35 =	vmov s1;
	v36 =	vmov s9;
	s1 =	sadd.s32 $0xF, s14;
	v27 =	vld.idx.msk [tilespmem:v27+s25+$0x0], $0xffff  }
0x17b: {  	p1 =	slt.u32 s0, $0x30;
	v38 =	vmov s13;
	v33 =	vand.u32 $0x74, v33;
	s9 =	sadd.s32 $0xA, s14;
	v36 =	vand.u32 $0x78, v36;
	[tilespmem:s29+$0xFFFFFD00] =	vst v24;
	v22 =	vld.idx.msk [tilespmem:v22+s25+$0x0], $0xffff  }
0x17c: {  	s0 =	sadd.s32 $0xC, s14;
	v39 =	vmov s1;
	v24 =	vbroadcast v36, $0x0;
	v36 =	vmov s9;
	s9 =	sadd.s32 $0xD, s14;
	[tilespmem:s29+$0xFFFFFF80] =	vst v18;
	v18 =	vld.idx.msk [tilespmem:v23+s25+$0x0], $0xffff  }
0x17d: {  	s1 =	sadd.s32 $0xB, s14;
	v23 =	vand.u32 $0x71, v30;
	v30 =	vmov s0;
	v40 =	vmov s9;
	v28 =	vld.idx.msk [tilespmem:v28+s25+$0x0], $0xffff;
	[tilespmem:s29+$0x280] =	vst v26  }
0x17e: {  	v39 =	vand.u32 $0x7F, v39;
	v26 =	vmov s1;
	v24 =	vor.u32 v7, v24;
	v20 =	vld.idx.msk [tilespmem:v20+s25+$0x0], $0xffff;
	[tilespmem:s29+$0xFFFFFE00] =	vst v32  }
0x17f: {  	v38 =	vand.u32 $0x7E, v38;
	v30 =	vand.u32 $0x7C, v30;
	v32 =	vand.u32 $0x7D, v40;
	v21 =	vld.idx.msk [tilespmem:v21+s25+$0x0], $0xffff;
	[tilespmem:s29+$0xFFFFFF00] =	vst v25  }
0x180: {  	v25 =	vand.u32 $0x7B, v26;
	v26 =	vbroadcast v30, $0x0;
	v30 =	vbroadcast v39, $0x0;
	v19 =	vld.idx.msk [tilespmem:v19+s25+$0x0], $0xffff;
	[tilespmem:s29+$0x380] =	vst v27  }
0x181: {  	v35 =	vand.u32 $0x77, v35;
	v36 =	vand.u32 $0x7A, v36;
	v27 =	vmov s16;
	v16 =	vld.idx.msk [tilespmem:v16+s25+$0x0], $0xffff;
	[tilespmem:s29+$0x300] =	vst v22  }
0x182: {  	v22 =	vbroadcast v31, $0x0;
	v31 =	vmov s30;
	v26 =	vor.u32 v7, v26;
	v17 =	vld.idx.msk [tilespmem:v17+s25+$0x0], $0xffff;
	[tilespmem:s29+$0x180] =	vst v18  }
0x183: {  	v18 =	vand.u32 $0x70, v29;
	v29 =	vand.u32 $0x75, v34;
	v34 =	vand.u32 $0x79, v37;
	v24 =	vld.idx.msk [tilespmem:v24+s25+$0x0], $0xffff;
	[tilespmem:s29+$0xFFFFFC80] =	vst v28  }
0x184: {  	v27 =	vand.u32 $0x76, v27;
	v18 =	vbroadcast v18, $0x0;
	v28 =	vbroadcast v32, $0x0;
	[tilespmem:s29+$0xFFFFFC00] =	vst v20  }
0x185: {  	v20 =	vand.u32 $0x73, v31;
	v31 =	vbroadcast v35, $0x0;
	v35 =	vbroadcast v38, $0x0;
	[tilespmem:s29+$0xFFFFFE80] =	vst v21  }
0x186: {  	v27 =	vbroadcast v27, $0x0;
	v22 =	vor.u32 v7, v22;
	v21 =	vbroadcast v33, $0x0;
	[tilespmem:s29+$0x100] =	vst v19  }
0x187: {  	v31 =	vor.u32 v7, v31;
	v19 =	vbroadcast v36, $0x0;
	v36 =	vbroadcast v25, $0x0;
	v26 =	vld.idx.msk [tilespmem:v26+s25+$0x0], $0xffff;
	[tilespmem:s29+$0x80] =	vst v16  }
.Ltmp7:
0x188: {  	v33 =	vor.u32 v7, v28;
	v16 =	vbroadcast v20, $0x0;
	v20 =	vbroadcast v29, $0x0;
	[tilespmem:s29+$0xFFFFFD80] =	vst v17;
	s29 =	smov.u32 s26;
	(pc) =	sbr.rel @p1 .LBB2_17-.Ltmp7, $4  }
0x189: {  	v25 =	vor.u32 v7, v27;
	v32 =	vor.u32 v7, v21;
	v19 =	vor.u32 v7, v19;
	[tilespmem:s26+$0x0] =	vst v24  }
0x18a: {  	v17 =	vor.u32 v7, v16;
	v21 =	vor.u32 v7, v20;
	v16 =	vbroadcast v34, $0x0  }
0x18b: {  	v27 =	vor.u32 v7, v30;
	v20 =	vor.u32 v7, v18;
	v24 =	vld.idx.msk [tilespmem:v22+s25+$0x0], $0xffff;
	v22 =	vor.u32 v7, v35  }
0x18c: {  	s0 =	smov.u32 s28;
	v28 =	vbroadcast v23, $0x0;
	v23 =	vor.u32 v7, v36;
	s26 =	sadd.s32 $0x800, s26;
	v16 =	vor.u32 v7, v16;
	v18 =	vld.idx.msk [tilespmem:v31+s25+$0x0], $0xffff  }
0x18d: {  	_ =	sdelay $0x3  }
0x18e: {  	v29 =	vld.idx.msk [tilespmem:v33+s25+$0x0], $0xffff  }
0x18f: {  	v30 =	vld.idx.msk [tilespmem:v32+s25+$0x0], $0xffff  }
0x190: {  	v25 =	vld.idx.msk [tilespmem:v25+s25+$0x0], $0xffff;
	[tilespmem:s29+$0x200] =	vst v26  }
0x191: {  	v27 =	vld.idx.msk [tilespmem:v27+s25+$0x0], $0xffff;
	[tilespmem:s29+$0xFFFFFD00] =	vst v24  }
0x192: {  	v22 =	vld.idx.msk [tilespmem:v22+s25+$0x0], $0xffff;
	[tilespmem:s29+$0xFFFFFF80] =	vst v18  }
0x193: {  	v23 =	vld.idx.msk [tilespmem:v23+s25+$0x0], $0xffff;
	v28 =	vor.u32 v7, v28;
	[tilespmem:s29+$0x280] =	vst v29  }
0x194: {  	v20 =	vld.idx.msk [tilespmem:v20+s25+$0x0], $0xffff;
	s9 =	simm.s32 $0x2;
	[tilespmem:s29+$0xFFFFFE00] =	vst v30  }
0x195: {  	v21 =	vld.idx.msk [tilespmem:v21+s25+$0x0], $0xffff;
	s0 =	simm.s32 $0x0;
	v26 =	vmov s9;
	[tilespmem:s29+$0xFFFFFF00] =	vst v25  }
0x196: {  	s1 =	simm.s32 $0x1;
	s15 =	simm.s32 $0x4;
	v19 =	vld.idx.msk [tilespmem:v19+s25+$0x0], $0xffff;
	s4 =	simm.s32 $0x8;
	v26 =	vand.u32 $0x72, v26;
	v24 =	vmov s0;
	[tilespmem:s29+$0x380] =	vst v27  }
0x197: {  	s16 =	simm.s32 $0x5;
	s26 =	simm.s32 $0x9;
	v25 =	vmov s1;
	v27 =	vmov s15;
	s1 =	simm.s32 $0x7;
	[tilespmem:s29+$0x300] =	vst v22;
	v22 =	vmov s4  }
0x198: {  	s13 =	simm.s32 $0xE;
	v30 =	vmov s26;
	v18 =	vld.idx.msk [tilespmem:v28+s25+$0x0], $0xffff;
	v28 =	vmov s16;
	v29 =	vmov s1  }
0x199: {  	v16 =	vld.idx.msk [tilespmem:v16+s25+$0x0], $0xffff;
	[tilespmem:s29+$0x180] =	vst v23;
	s15 =	simm.s32 $0xA;
	s26 =	simm.s32 $0xD;
	v23 =	vand.u32 $0x74, v27;
	v22 =	vand.u32 $0x78, v22;
	v27 =	vmov s13  }
0x19a: {  	v31 =	vld.idx.msk [tilespmem:v17+s25+$0x0], $0xffff;
	[tilespmem:s29+$0xFFFFFC00] =	vst v20;
	s4 =	simm.s32 $0xB;
	v60 =	vmov s15;
	s16 =	simm.s32 $0xC;
	v17 =	vand.u32 $0x71, v25;
	v25 =	vmov s26  }
0x19b: {  	[tilespmem:s29+$0xFFFFFE80] =	vst v21;
	v21 =	vmov s4;
	v62 =	vand.u32 $0x79, v30;
	v20 =	vmov s16  }
0x19c: {  	v25 =	vand.u32 $0x7D, v25;
	v35 =	vand.u32 $0x7E, v27;
	v36 =	vand.u32 $0x7B, v21  }
0x19d: {  	[tilespmem:s29+$0x100] =	vst v19;
	s16 =	simm.s32 $0x3;
	v21 =	vand.u32 $0x77, v29;
	v29 =	vand.u32 $0x7A, v60;
	v23 =	vbroadcast v23, $0x0  }
0x19e: {  	s14 =	simm.s32 $0xF;
	s13 =	sshll.u32 s23, $0x10;
	v19 =	vand.u32 $0x7C, v20;
	v27 =	vmov s16;
	[tilespmem:s29+$0xFFFFFC80] =	vst v18;
	v18 =	vbroadcast v22, $0x0  }
0x19f: {  	[tilespmem:s29+$0x80] =	vst v16;
	s26 =	sor.u32 s3, s13;
	v20 =	vand.u32 $0x70, v24;
	v24 =	vand.u32 $0x75, v28;
	v22 =	vmov s14  }
0x1a0: {  	s0 =	simm.s32 @!p0 $0x5;
	[tilespmem:s29+$0xFFFFFD80] =	vst v31;
	s15 =	sadd.s32 s2, s26;
	v34 =	vand.u32 $0x7F, v22;
	v22 =	vbroadcast v19, $0x0;
	v61 =	vor.u32 v8, v18  }
0x1a1: {  	v44 =	vbroadcast v36, $0x0;
	v30 =	vand.u32 $0x73, v27;
	v27 =	vbroadcast v21, $0x0;
	[hbm4b:s15+s10] =	stream.strided.scatter [tilespmem:s18], [sflag:$0x4], $0x2000, s17, s10, $0x38;
	[tilespmem:$0x1D900] =	vst v63  }
0x1a2: {  	v20 =	vbroadcast v20, $0x0;
	v24 =	vbroadcast v24, $0x0;
	_ =	swait.ge @!p0 [sflag:s0], $0x2000;
	v31 =	vor.u32 v8, v22  }
0x1a3: {  	v38 =	vor.u32 v8, v23;
	s14 =	simm.s32 $0x6;
	v43 =	vor.u32 v8, v27;
	v19 =	vbroadcast v26, $0x0;
	[sflag:s0] =	ssyncset.done @!p0 $0x0  }
0x1a4: {  	v16 =	vmov s14;
	v26 =	vbroadcast v25, $0x0;
	v25 =	vbroadcast v29, $0x0;
	[sflag:s0] =	ssyncadd.s32 @!p0 $0xFFFFE000  }
0x1a5: {  	v37 =	vbroadcast v34, $0x0;
	v28 =	vand.u32 $0x76, v16;
	v63 =	vor.u32 v8, v19;
	v42 =	vld.idx.msk [tilespmem:v61+s25+$0x0], $0xffff  }
0x1a6: {  	v32 =	vor.u32 v8, v20;
	v16 =	vbroadcast v35, $0x0;
	v21 =	vbroadcast v28, $0x0  }
0x1a7: {  	v28 =	vbroadcast v30, $0x0;
	v41 =	vor.u32 v8, v26;
	v29 =	vor.u32 v8, v25;
	v39 =	vld.idx.msk [tilespmem:v31+s25+$0x0], $0xffff  }
0x1a8: {  	v30 =	vor.u32 v8, v24;
	v35 =	vor.u32 v8, v16;
	v31 =	vbroadcast v62, $0x0  }
0x1a9: {  	s29 =	simm.s32 $0x1C080;
	v40 =	vor.u32 v8, v37;
	v37 =	vor.u32 v8, v44;
	v33 =	vor.u32 v8, v21;
	v36 =	vld.idx.msk [tilespmem:v43+s25+$0x0], $0xffff  }
0x1aa: {  	s31 =	simm.s32 $0x10;
	s30 =	simm.s32 $0x1C880;
	s28 =	simm.s32 $0x1C090;
	v28 =	vor.u32 v8, v28;
	v34 =	vld.idx.msk [tilespmem:v63+s25+$0x0], $0xffff;
	v31 =	vor.u32 v8, v31;
	[tilespmem:s29+$0xFFFFFC80] =	vst v42;
	v42 =	vbroadcast v17, $0x0  }
.LBB2_19:
0x1ab: {  	s0 =	sadd.s32 $0x1, s31  }
0x1ac: {  	v43 =	vmov s31;
	s1 =	sadd.s32 $0x2, s31;
	s9 =	sadd.s32 $0xE, s31;
	[tilespmem:s29+$0xFFFFFE80] =	vst v39;
	v39 =	vld.idx.msk [tilespmem:v41+s25+$0x0], $0xffff;
	s13 =	smov.u32 s31  }
0x1ad: {  	s14 =	sadd.s32 $0x5, s31;
	s15 =	sadd.s32 $0x9, s31;
	v41 =	vmov s0;
	v44 =	vmov s1;
	s0 =	sadd.s32 $0x4, s31;
	v42 =	vor.u32 v8, v42;
	v38 =	vld.idx.msk [tilespmem:v38+s25+$0x0], $0xffff  }
0x1ae: {  	s1 =	sadd.s32 $0x3, s31;
	v46 =	vmov s14;
	s14 =	sadd.s32 $0x8, s31;
	v44 =	vand.u32 $0x72, v44;
	v45 =	vmov s0;
	s0 =	sadd.s32 $0x7, s31;
	v33 =	vld.idx.msk [tilespmem:v33+s25+$0x0], $0xffff  }
0x1af: {  	s16 =	sadd.s32 $0x6, s13;
	v49 =	vmov s15;
	v48 =	vmov s14;
	s14 =	sadd.s32 $0xF, s13;
	v47 =	vmov s0;
	s0 =	sadd.s32 $0x10, s31;
	v40 =	vld.idx.msk [tilespmem:v40+s25+$0x0], $0xffff  }
0x1b0: {  	p0 =	slt.u32 s31, $0x30;
	s15 =	sadd.s32 $0xA, s13;
	v50 =	vmov s9;
	v45 =	vand.u32 $0x74, v45;
	v48 =	vand.u32 $0x78, v48;
	[tilespmem:s29+$0xFFFFF980] =	vst v34;
	v34 =	vld.idx.msk [tilespmem:v35+s25+$0x0], $0xffff  }
0x1b1: {  	s9 =	sadd.s32 $0xC, s13;
	v51 =	vmov s14;
	v35 =	vbroadcast v48, $0x0;
	v48 =	vmov s15;
	s15 =	sadd.s32 $0xD, s13;
	[tilespmem:s29+$0xFFFFFC00] =	vst v36;
	v36 =	vld.idx.msk [tilespmem:v37+s25+$0x0], $0xffff  }
0x1b2: {  	s13 =	sadd.s32 $0xB, s13;
	v37 =	vand.u32 $0x71, v41;
	v41 =	vmov s9;
	v52 =	vmov s15;
	v42 =	vld.idx.msk [tilespmem:v42+s25+$0x0], $0xffff;
	[tilespmem:s29+$0xFFFFFF00] =	vst v39  }
0x1b3: {  	v51 =	vand.u32 $0x7F, v51;
	v35 =	vor.u32 v8, v35;
	v39 =	vmov s13;
	v32 =	vld.idx.msk [tilespmem:v32+s25+$0x0], $0xffff;
	[tilespmem:s29+$0xFFFFFA80] =	vst v38  }
0x1b4: {  	v50 =	vand.u32 $0x7E, v50;
	v38 =	vand.u32 $0x7C, v41;
	v41 =	vand.u32 $0x7D, v52;
	v30 =	vld.idx.msk [tilespmem:v30+s25+$0x0], $0xffff;
	[tilespmem:s29+$0xFFFFFB80] =	vst v33  }
0x1b5: {  	v51 =	vbroadcast v51, $0x0;
	v33 =	vand.u32 $0x7B, v39;
	v38 =	vbroadcast v38, $0x0;
	v29 =	vld.idx.msk [tilespmem:v29+s25+$0x0], $0xffff;
	[tilespmem:s29+$0x0] =	vst v40  }
0x1b6: {  	v39 =	vmov s16;
	v40 =	vand.u32 $0x77, v47;
	v47 =	vand.u32 $0x7A, v48;
	v31 =	vld.idx.msk [tilespmem:v31+s25+$0x0], $0xffff;
	[tilespmem:s29+$0xFFFFFF80] =	vst v34  }
0x1b7: {  	v34 =	vbroadcast v44, $0x0;
	v44 =	vmov s1;
	v38 =	vor.u32 v8, v38;
	v28 =	vld.idx.msk [tilespmem:v28+s25+$0x0], $0xffff;
	[tilespmem:s29+$0xFFFFFE00] =	vst v36  }
0x1b8: {  	v36 =	vand.u32 $0x70, v43;
	v43 =	vand.u32 $0x75, v46;
	v46 =	vand.u32 $0x79, v49;
	v35 =	vld.idx.msk [tilespmem:v35+s25+$0x0], $0xffff;
	[tilespmem:s29+$0xFFFFF900] =	vst v42  }
0x1b9: {  	v41 =	vbroadcast v41, $0x0;
	v39 =	vand.u32 $0x76, v39;
	v36 =	vbroadcast v36, $0x0;
	[tilespmem:s29+$0xFFFFF880] =	vst v32  }
0x1ba: {  	v40 =	vbroadcast v40, $0x0;
	v42 =	vbroadcast v50, $0x0;
	v32 =	vand.u32 $0x73, v44;
	[tilespmem:s29+$0xFFFFFB00] =	vst v30  }
0x1bb: {  	v34 =	vor.u32 v8, v34;
	v44 =	vbroadcast v39, $0x0;
	v30 =	vbroadcast v45, $0x0;
	[tilespmem:s29+$0xFFFFFD80] =	vst v29  }
0x1bc: {  	v45 =	vor.u32 v8, v40;
	v29 =	vbroadcast v47, $0x0;
	v47 =	vbroadcast v33, $0x0;
	v39 =	vld.idx.msk [tilespmem:v38+s25+$0x0], $0xffff;
	[tilespmem:s29+$0xFFFFFD00] =	vst v31  }
.Ltmp8:
0x1bd: {  	v41 =	vor.u32 v8, v41;
	v31 =	vbroadcast v32, $0x0;
	v32 =	vbroadcast v43, $0x0;
	[tilespmem:s29+$0xFFFFFA00] =	vst v28;
	s29 =	smov.u32 s30;
	(pc) =	sbr.rel @p0 .LBB2_19-.Ltmp8, $4  }
0x1be: {  	v33 =	vor.u32 v8, v44;
	v38 =	vor.u32 v8, v30;
	v29 =	vor.u32 v8, v29;
	[tilespmem:s30+$0xFFFFFC80] =	vst v35  }
0x1bf: {  	v28 =	vor.u32 v8, v31;
	v30 =	vor.u32 v8, v32;
	v31 =	vbroadcast v46, $0x0  }
0x1c0: {  	v40 =	vor.u32 v8, v51;
	v32 =	vor.u32 v8, v36;
	v35 =	vor.u32 v8, v42;
	v34 =	vld.idx.msk [tilespmem:v34+s25+$0x0], $0xffff  }
0x1c1: {  	s31 =	smov.u32 s0;
	v42 =	vbroadcast v37, $0x0;
	v37 =	vor.u32 v8, v47;
	s30 =	sadd.s32 $0x800, s30;
	v31 =	vor.u32 v8, v31;
	v36 =	vld.idx.msk [tilespmem:v45+s25+$0x0], $0xffff  }
0x1c2: {  	_ =	sdelay $0x3  }
0x1c3: {  	v41 =	vld.idx.msk [tilespmem:v41+s25+$0x0], $0xffff  }
0x1c4: {  	v38 =	vld.idx.msk [tilespmem:v38+s25+$0x0], $0xffff  }
0x1c5: {  	[tilespmem:s29+$0xFFFFFE80] =	vst v39;
	v33 =	vld.idx.msk [tilespmem:v33+s25+$0x0], $0xffff  }
0x1c6: {  	v55 =	vld.idx.msk [tilespmem:v40+s25+$0x0], $0xffff;
	[tilespmem:s29+$0xFFFFF980] =	vst v34  }
0x1c7: {  	v56 =	vld.idx.msk [tilespmem:v35+s25+$0x0], $0xffff;
	[tilespmem:s29+$0xFFFFFC00] =	vst v36  }
0x1c8: {  	v57 =	vld.idx.msk [tilespmem:v37+s25+$0x0], $0xffff;
	[tilespmem:s29+$0xFFFFFF00] =	vst v41  }
0x1c9: {  	v32 =	vld.idx.msk [tilespmem:v32+s25+$0x0], $0xffff;
	v42 =	vor.u32 v8, v42;
	[tilespmem:s29+$0xFFFFFA80] =	vst v38  }
0x1ca: {  	v30 =	vld.idx.msk [tilespmem:v30+s25+$0x0], $0xffff;
	[tilespmem:s29+$0xFFFFFB80] =	vst v33  }
0x1cb: {  	v29 =	vld.idx.msk [tilespmem:v29+s25+$0x0], $0xffff;
	[tilespmem:s29+$0x0] =	vst v55  }
0x1cc: {  	v31 =	vld.idx.msk [tilespmem:v31+s25+$0x0], $0xffff;
	[tilespmem:s29+$0xFFFFFF80] =	vst v56  }
0x1cd: {  	v28 =	vld.idx.msk [tilespmem:v28+s25+$0x0], $0xffff;
	[tilespmem:s29+$0xFFFFFE00] =	vst v57  }
0x1ce: {  	s0 =	simm.s32 $0xB;
	[tilespmem:s29+$0xFFFFF880] =	vst v32;
	v58 =	vld.idx.msk [tilespmem:v42+s25+$0x0], $0xffff  }
0x1cf: {  	v18 =	vor.u32 v9, v18;
	v59 =	vmov s0;
	[tilespmem:s29+$0xFFFFFB00] =	vst v30  }
0x1d0: {  	v27 =	vor.u32 v9, v27;
	v30 =	vand.u32 $0x7B, v59;
	[tilespmem:s29+$0xFFFFFD80] =	vst v29  }
0x1d1: {  	s14 =	simm.s32 $0x9;
	v22 =	vor.u32 v9, v22;
	[tilespmem:s29+$0xFFFFFD00] =	vst v31;
	v29 =	vbroadcast v30, $0x0  }
0x1d2: {  	v17 =	vbroadcast v17, $0x0;
	v31 =	vor.u32 v9, v26;
	[tilespmem:s29+$0xFFFFFA00] =	vst v28;
	v30 =	vmov s14  }
0x1d3: {  	s15 =	simm.s32 $0xF;
	v26 =	vand.u32 $0x79, v30;
	v30 =	vor.u32 v9, v29;
	[tilespmem:s29+$0xFFFFF900] =	vst v58  }
0x1d4: {  	v61 =	vor.u32 v9, v17;
	v28 =	vmov s15;
	v60 =	vld.idx.msk [tilespmem:v18+s25+$0x0], $0xffff  }
0x1d5: {  	s16 =	simm.s32 $0x3;
	v24 =	vor.u32 v9, v24;
	v17 =	vand.u32 $0x7F, v28;
	v28 =	vld.idx.msk [tilespmem:v27+s25+$0x0], $0xffff  }
0x1d6: {  	v62 =	vmov s16;
	v63 =	vbroadcast v17, $0x0;
	v17 =	vor.u32 v9, v23;
	v27 =	vld.idx.msk [tilespmem:v22+s25+$0x0], $0xffff  }
0x1d7: {  	v29 =	vor.u32 v9, v19;
	v18 =	vbroadcast v26, $0x0;
	v22 =	vor.u32 v9, v25;
	v25 =	vld.idx.msk [tilespmem:v31+s25+$0x0], $0xffff  }
0x1d8: {  	v19 =	vor.u32 v9, v21;
	v21 =	vor.u32 v9, v63;
	v31 =	vand.u32 $0x73, v62;
	v23 =	vld.idx.msk [tilespmem:v30+s25+$0x0], $0xffff  }
0x1d9: {  	s30 =	simm.s32 $0x10;
	s31 =	simm.s32 $0x1C890;
	s29 =	simm.s32 $0x1C0A0;
	v30 =	vbroadcast v31, $0x0;
	v26 =	vor.u32 v9, v18;
	v18 =	vor.u32 v9, v20;
	v20 =	vld.idx.msk [tilespmem:v61+s25+$0x0], $0xffff;
	[tilespmem:s28+$0xFFFFFC80] =	vst v60  }
.LBB2_21:
0x1da: {  	s0 =	sadd.s32 $0x1, s30  }
0x1db: {  	v31 =	vmov s30;
	s1 =	sadd.s32 $0x2, s30;
	s9 =	sadd.s32 $0xF, s30;
	[tilespmem:s28+$0xFFFFFC00] =	vst v28;
	s13 =	smov.u32 s30  }
0x1dc: {  	s14 =	sadd.s32 $0xB, s30;
	v28 =	vmov s0;
	v32 =	vmov s1;
	s0 =	sadd.s32 $0x4, s30;
	s1 =	sadd.s32 $0x5, s30;
	v29 =	vld.idx.msk [tilespmem:v29+s25+$0x0], $0xffff;
	v16 =	vor.u32 v9, v16  }
0x1dd: {  	s15 =	sadd.s32 $0xE, s30;
	v30 =	vor.u32 v9, v30;
	v33 =	vmov s0;
	v34 =	vmov s1;
	s0 =	sadd.s32 $0x7, s30;
	s1 =	sadd.s32 $0x8, s30;
	v24 =	vld.idx.msk [tilespmem:v24+s25+$0x0], $0xffff;
	[tilespmem:s28+$0xFFFFFE80] =	vst v27  }
0x1de: {  	p0 =	slt.u32 s30, $0x30;
	s16 =	sadd.s32 $0x6, s13;
	v27 =	vand.u32 $0x71, v28;
	s30 =	sadd.s32 $0x10, s30;
	v28 =	vmov s0;
	v35 =	vmov s1;
	v26 =	vld.idx.msk [tilespmem:v26+s25+$0x0], $0xffff;
	[tilespmem:s28+$0xFFFFFF00] =	vst v25  }
0x1df: {  	v25 =	vand.u32 $0x72, v32;
	s0 =	sadd.s32 $0x3, s13;
	v32 =	vand.u32 $0x74, v33;
	s1 =	sadd.s32 $0xA, s13;
	v33 =	vand.u32 $0x78, v35;
	[tilespmem:s28+$0xFFFFFE00] =	vst v23;
	v21 =	vld.idx.msk [tilespmem:v21+s25+$0x0], $0xffff  }
0x1e0: {  	s4 =	sadd.s32 $0xD, s13;
	v35 =	vmov s9;
	v23 =	vbroadcast v33, $0x0;
	v33 =	vmov s1;
	s1 =	sadd.s32 $0xC, s13;
	v18 =	vld.idx.msk [tilespmem:v18+s25+$0x0], $0xffff;
	[tilespmem:s28+$0xFFFFF900] =	vst v20  }
0x1e1: {  	v36 =	vmov s4;
	s9 =	sadd.s32 $0x9, s13;
	v20 =	vand.u32 $0x70, v31;
	v31 =	vmov s1;
	v17 =	vld.idx.msk [tilespmem:v17+s25+$0x0], $0xffff  }
0x1e2: {  	v37 =	vmov s15;
	v34 =	vand.u32 $0x75, v34;
	v23 =	vor.u32 v9, v23;
	[tilespmem:s28+$0xFFFFF980] =	vst v29;
	v16 =	vld.idx.msk [tilespmem:v16+s25+$0x0], $0xffff  }
0x1e3: {  	v28 =	vand.u32 $0x77, v28;
	v33 =	vand.u32 $0x7A, v33;
	v29 =	vmov s16;
	[tilespmem:s28+$0xFFFFFB00] =	vst v24;
	v22 =	vld.idx.msk [tilespmem:v22+s25+$0x0], $0xffff  }
0x1e4: {  	v24 =	vbroadcast v28, $0x0;
	v28 =	vand.u32 $0x7C, v31;
	v31 =	vand.u32 $0x7F, v35;
	v30 =	vld.idx.msk [tilespmem:v30+s25+$0x0], $0xffff;
	[tilespmem:s28+$0xFFFFFD00] =	vst v26  }
0x1e5: {  	v35 =	vand.u32 $0x7D, v36;
	v26 =	vmov s14;
	v28 =	vbroadcast v28, $0x0;
	v19 =	vld.idx.msk [tilespmem:v19+s25+$0x0], $0xffff;
	[tilespmem:s28+$0x0] =	vst v21  }
0x1e6: {  	v21 =	vbroadcast v25, $0x0;
	v24 =	vor.u32 v9, v24;
	v25 =	vbroadcast v35, $0x0;
	[tilespmem:s28+$0xFFFFF880] =	vst v18  }
0x1e7: {  	v26 =	vand.u32 $0x7B, v26;
	v35 =	vor.u32 v9, v28;
	v18 =	vld.idx.msk [tilespmem:v23+s25+$0x0], $0xffff;
	v23 =	vmov s9;
	[tilespmem:s28+$0xFFFFFA80] =	vst v17  }
0x1e8: {  	v26 =	vbroadcast v26, $0x0;
	v17 =	vand.u32 $0x76, v29;
	v25 =	vor.u32 v9, v25;
	[tilespmem:s28+$0xFFFFFF80] =	vst v16  }
0x1e9: {  	v36 =	vmov s0;
	v16 =	vbroadcast v27, $0x0;
	v23 =	vand.u32 $0x79, v23;
	[tilespmem:s28+$0xFFFFFD80] =	vst v22  }
0x1ea: {  	v34 =	vbroadcast v34, $0x0;
	v22 =	vbroadcast v23, $0x0;
	v23 =	vor.u32 v9, v26;
	[tilespmem:s28+$0xFFFFFA00] =	vst v30  }
0x1eb: {  	v16 =	vor.u32 v9, v16;
	v30 =	vbroadcast v32, $0x0;
	v28 =	vld.idx.msk [tilespmem:v24+s25+$0x0], $0xffff;
	v24 =	vbroadcast v33, $0x0;
	[tilespmem:s28+$0xFFFFFB80] =	vst v19;
	s28 =	smov.u32 s31  }
.Ltmp9:
0x1ec: {  	v31 =	vbroadcast v31, $0x0;
	v19 =	vbroadcast v20, $0x0;
	v26 =	vor.u32 v9, v22;
	v27 =	vld.idx.msk [tilespmem:v35+s25+$0x0], $0xffff;
	(pc) =	sbr.rel @p0 .LBB2_21-.Ltmp9, $4  }
0x1ed: {  	v29 =	vor.u32 v9, v21;
	v20 =	vbroadcast v17, $0x0;
	[tilespmem:s31+$0xFFFFFC80] =	vst v18;
	v22 =	vor.u32 v9, v24;
	v25 =	vld.idx.msk [tilespmem:v25+s25+$0x0], $0xffff  }
0x1ee: {  	v21 =	vand.u32 $0x73, v36;
	v17 =	vor.u32 v9, v30;
	v24 =	vor.u32 v9, v34  }
0x1ef: {  	v32 =	vand.u32 $0x7E, v37;
	v18 =	vor.u32 v9, v19;
	v19 =	vor.u32 v9, v20;
	v23 =	vld.idx.msk [tilespmem:v23+s25+$0x0], $0xffff  }
0x1f0: {  	s0 =	simm.s32 $0x0;
	v30 =	vbroadcast v21, $0x0;
	v21 =	vor.u32 v9, v31;
	s31 =	sadd.s32 $0x800, s31;
	v20 =	vld.idx.msk [tilespmem:v16+s25+$0x0], $0xffff;
	v16 =	vbroadcast v32, $0x0  }
0x1f1: {  	_ =	sdelay $0x3  }
0x1f2: {  	[tilespmem:s28+$0xFFFFFC00] =	vst v28;
	v28 =	vld.idx.msk [tilespmem:v29+s25+$0x0], $0xffff  }
0x1f3: {  	s1 =	simm.s32 $0x1;
	s4 =	simm.s32 $0x2;
	v24 =	vld.idx.msk [tilespmem:v24+s25+$0x0], $0xffff;
	[tilespmem:s28+$0xFFFFFE80] =	vst v27;
	v16 =	vor.u32 v9, v16;
	v29 =	vor.u32 v9, v30  }
0x1f4: {  	s9 =	simm.s32 $0x4;
	s13 =	simm.s32 $0x5;
	v26 =	vld.idx.msk [tilespmem:v26+s25+$0x0], $0xffff;
	s15 =	simm.s32 $0x7;
	v30 =	vmov s0;
	v31 =	vmov s1;
	v32 =	vmov s4  }
0x1f5: {  	s14 =	simm.s32 $0x9;
	s16 =	simm.s32 $0x8;
	s31 =	simm.s32 $0xF;
	v55 =	vmov s9;
	v33 =	vmov s13;
	[tilespmem:s28+$0xFFFFFF00] =	vst v25;
	v25 =	vmov s15  }
0x1f6: {  	v21 =	vld.idx.msk [tilespmem:v21+s25+$0x0], $0xffff;
	s9 =	simm.s32 $0xE;
	v34 =	vmov s16;
	v35 =	vmov s14;
	v58 =	vmov s31  }
0x1f7: {  	v36 =	vld.idx.msk [tilespmem:v18+s25+$0x0], $0xffff;
	s14 =	simm.s32 $0xD;
	s15 =	simm.s32 $0xB;
	v27 =	vand.u32 $0x72, v32;
	v56 =	vand.u32 $0x78, v34;
	v57 =	vmov s9;
	[tilespmem:s28+$0xFFFFFE00] =	vst v23  }
0x1f8: {  	v37 =	vld.idx.msk [tilespmem:v17+s25+$0x0], $0xffff;
	s16 =	simm.s32 $0x6;
	v17 =	vand.u32 $0x71, v31;
	v31 =	vmov s14;
	v38 =	vmov s15;
	[tilespmem:s28+$0xFFFFF900] =	vst v20  }
0x1f9: {  	v32 =	vand.u32 $0x7F, v58;
	v59 =	vmov s16;
	v25 =	vand.u32 $0x77, v25;
	[tilespmem:s28+$0xFFFFF980] =	vst v28  }
0x1fa: {  	v39 =	vld.idx.msk [tilespmem:v22+s25+$0x0], $0xffff;
	s4 =	simm.s32 $0xA;
	v62 =	vand.u32 $0x79, v35;
	v23 =	vand.u32 $0x74, v55;
	v18 =	vbroadcast v56, $0x0;
	[tilespmem:s28+$0xFFFFFB00] =	vst v24  }
0x1fb: {  	s13 =	simm.s32 $0xC;
	v40 =	vbroadcast v32, $0x0;
	v32 =	vand.u32 $0x76, v59;
	v20 =	vmov s4;
	[tilespmem:s28+$0x0] =	vst v21;
	v21 =	vld.idx.msk [tilespmem:v19+s25+$0x0], $0xffff  }
0x1fc: {  	v23 =	vbroadcast v23, $0x0;
	v28 =	vmov s13;
	v24 =	vor.u32 v10, v18;
	[tilespmem:s28+$0xFFFFFD00] =	vst v26;
	v29 =	vld.idx.msk [tilespmem:v29+s25+$0x0], $0xffff  }
0x1fd: {  	v26 =	vand.u32 $0x7D, v31;
	v31 =	vand.u32 $0x7B, v38;
	[tilespmem:s28+$0xFFFFF880] =	vst v36;
	v16 =	vld.idx.msk [tilespmem:v16+s25+$0x0], $0xffff;
	v22 =	vand.u32 $0x7C, v28  }
0x1fe: {  	s31 =	simm.s32 $0x3;
	v60 =	vand.u32 $0x7A, v20;
	[tilespmem:s28+$0xFFFFFA80] =	vst v37;
	v19 =	vbroadcast v27, $0x0;
	v22 =	vbroadcast v22, $0x0  }
0x1ff: {  	v27 =	vmov s31;
	[tilespmem:s28+$0xFFFFFD80] =	vst v39;
	v40 =	vor.u32 v10, v40;
	v28 =	vand.u32 $0x7E, v57  }
0x200: {  	v26 =	vbroadcast v26, $0x0;
	v44 =	vbroadcast v31, $0x0;
	v61 =	vor.u32 v10, v22;
	[tilespmem:s28+$0xFFFFFB80] =	vst v21  }
0x201: {  	v38 =	vor.u32 v10, v23;
	[tilespmem:s28+$0xFFFFFA00] =	vst v29;
	v29 =	vand.u32 $0x73, v27;
	v27 =	vbroadcast v25, $0x0  }
0x202: {  	v31 =	vbroadcast v62, $0x0;
	v63 =	vor.u32 v10, v19;
	v21 =	vbroadcast v32, $0x0;
	[tilespmem:s28+$0xFFFFFF80] =	vst v16  }
0x203: {  	v16 =	vand.u32 $0x70, v30;
	v25 =	vbroadcast v60, $0x0;
	v42 =	vld.idx.msk [tilespmem:v24+s25+$0x0], $0xffff;
	v43 =	vor.u32 v10, v27  }
0x204: {  	v30 =	vand.u32 $0x75, v33;
	v20 =	vbroadcast v16, $0x0;
	v16 =	vbroadcast v28, $0x0  }
0x205: {  	v41 =	vor.u32 v10, v26;
	v28 =	vbroadcast v29, $0x0;
	v24 =	vbroadcast v30, $0x0;
	v39 =	vld.idx.msk [tilespmem:v61+s25+$0x0], $0xffff  }
0x206: {  	v31 =	vor.u32 v10, v31;
	v37 =	vor.u32 v10, v44;
	v35 =	vor.u32 v10, v21  }
0x207: {  	v33 =	vld.idx.msk [tilespmem:v63+s25+$0x0], $0xffff;
	v29 =	vor.u32 v10, v25;
	v28 =	vor.u32 v10, v28;
	v30 =	vor.u32 v10, v24  }
0x208: {  	s30 =	simm.s32 $0x1C8A0;
	s0 =	simm.s32 $0x10;
	s28 =	simm.s32 $0x1C0B0;
	v32 =	vor.u32 v10, v20;
	v34 =	vor.u32 v10, v16;
	[tilespmem:s29+$0xFFFFFC80] =	vst v42;
	v42 =	vbroadcast v17, $0x0;
	v36 =	vld.idx.msk [tilespmem:v43+s25+$0x0], $0xffff  }
.LBB2_23:
0x209: {  	s1 =	sadd.s32 $0x1, s0  }
0x20a: {  	v43 =	vmov s0;
	s4 =	sadd.s32 $0x2, s0;
	s9 =	sadd.s32 $0xE, s0;
	[tilespmem:s29+$0xFFFFFE80] =	vst v39;
	v39 =	vld.idx.msk [tilespmem:v41+s25+$0x0], $0xffff;
	s13 =	smov.u32 s0  }
0x20b: {  	s14 =	sadd.s32 $0x5, s0;
	s15 =	sadd.s32 $0x9, s0;
	v41 =	vmov s1;
	v44 =	vmov s4;
	s4 =	sadd.s32 $0x4, s0;
	v42 =	vor.u32 v10, v42;
	v38 =	vld.idx.msk [tilespmem:v38+s25+$0x0], $0xffff  }
0x20c: {  	s1 =	sadd.s32 $0x3, s0;
	v46 =	vmov s14;
	s14 =	sadd.s32 $0x8, s0;
	v44 =	vand.u32 $0x72, v44;
	v45 =	vmov s4;
	s4 =	sadd.s32 $0x7, s0;
	v35 =	vld.idx.msk [tilespmem:v35+s25+$0x0], $0xffff  }
0x20d: {  	s31 =	sadd.s32 $0x10, s0;
	s16 =	sadd.s32 $0x6, s13;
	v49 =	vmov s15;
	v48 =	vmov s14;
	v47 =	vmov s4;
	s4 =	sadd.s32 $0xF, s13;
	v40 =	vld.idx.msk [tilespmem:v40+s25+$0x0], $0xffff  }
0x20e: {  	p0 =	slt.u32 s0, $0x30;
	v50 =	vmov s9;
	s14 =	sadd.s32 $0xA, s13;
	v45 =	vand.u32 $0x74, v45;
	v48 =	vand.u32 $0x78, v48;
	[tilespmem:s29+$0xFFFFF980] =	vst v33;
	v33 =	vld.idx.msk [tilespmem:v34+s25+$0x0], $0xffff  }
0x20f: {  	s9 =	sadd.s32 $0xD, s13;
	s0 =	sadd.s32 $0xC, s13;
	v34 =	vbroadcast v48, $0x0;
	v48 =	vmov s14;
	v51 =	vmov s4;
	[tilespmem:s29+$0xFFFFFC00] =	vst v36;
	v36 =	vld.idx.msk [tilespmem:v37+s25+$0x0], $0xffff  }
0x210: {  	v52 =	vmov s9;
	s4 =	sadd.s32 $0xB, s13;
	v37 =	vand.u32 $0x71, v41;
	v41 =	vmov s0;
	v42 =	vld.idx.msk [tilespmem:v42+s25+$0x0], $0xffff;
	[tilespmem:s29+$0xFFFFFF00] =	vst v39  }
0x211: {  	v51 =	vand.u32 $0x7F, v51;
	v34 =	vor.u32 v10, v34;
	v39 =	vmov s4;
	v32 =	vld.idx.msk [tilespmem:v32+s25+$0x0], $0xffff;
	[tilespmem:s29+$0xFFFFFA80] =	vst v38  }
0x212: {  	v50 =	vand.u32 $0x7E, v50;
	v38 =	vand.u32 $0x7C, v41;
	v41 =	vand.u32 $0x7D, v52;
	v30 =	vld.idx.msk [tilespmem:v30+s25+$0x0], $0xffff;
	[tilespmem:s29+$0xFFFFFB80] =	vst v35  }
0x213: {  	v51 =	vbroadcast v51, $0x0;
	v35 =	vand.u32 $0x7B, v39;
	v38 =	vbroadcast v38, $0x0;
	v29 =	vld.idx.msk [tilespmem:v29+s25+$0x0], $0xffff;
	[tilespmem:s29+$0x0] =	vst v40  }
0x214: {  	v39 =	vmov s16;
	v40 =	vand.u32 $0x77, v47;
	v47 =	vand.u32 $0x7A, v48;
	v31 =	vld.idx.msk [tilespmem:v31+s25+$0x0], $0xffff;
	[tilespmem:s29+$0xFFFFFF80] =	vst v33  }
0x215: {  	v33 =	vbroadcast v44, $0x0;
	v44 =	vmov s1;
	v38 =	vor.u32 v10, v38;
	v28 =	vld.idx.msk [tilespmem:v28+s25+$0x0], $0xffff;
	[tilespmem:s29+$0xFFFFFE00] =	vst v36  }
0x216: {  	v36 =	vand.u32 $0x70, v43;
	v43 =	vand.u32 $0x75, v46;
	v46 =	vand.u32 $0x79, v49;
	v34 =	vld.idx.msk [tilespmem:v34+s25+$0x0], $0xffff;
	[tilespmem:s29+$0xFFFFF900] =	vst v42  }
0x217: {  	v41 =	vbroadcast v41, $0x0;
	v39 =	vand.u32 $0x76, v39;
	v36 =	vbroadcast v36, $0x0;
	[tilespmem:s29+$0xFFFFF880] =	vst v32  }
0x218: {  	v40 =	vbroadcast v40, $0x0;
	v42 =	vbroadcast v50, $0x0;
	v32 =	vand.u32 $0x73, v44;
	[tilespmem:s29+$0xFFFFFB00] =	vst v30  }
0x219: {  	v33 =	vor.u32 v10, v33;
	v44 =	vbroadcast v39, $0x0;
	v30 =	vbroadcast v45, $0x0;
	[tilespmem:s29+$0xFFFFFD80] =	vst v29  }
0x21a: {  	v45 =	vor.u32 v10, v40;
	v29 =	vbroadcast v47, $0x0;
	v47 =	vbroadcast v35, $0x0;
	v39 =	vld.idx.msk [tilespmem:v38+s25+$0x0], $0xffff;
	[tilespmem:s29+$0xFFFFFD00] =	vst v31  }
.Ltmp10:
0x21b: {  	v41 =	vor.u32 v10, v41;
	v31 =	vbroadcast v32, $0x0;
	v32 =	vbroadcast v43, $0x0;
	[tilespmem:s29+$0xFFFFFA00] =	vst v28;
	s29 =	smov.u32 s30;
	(pc) =	sbr.rel @p0 .LBB2_23-.Ltmp10, $4  }
0x21c: {  	v35 =	vor.u32 v10, v44;
	v38 =	vor.u32 v10, v30;
	v29 =	vor.u32 v10, v29;
	[tilespmem:s30+$0xFFFFFC80] =	vst v34  }
0x21d: {  	v28 =	vor.u32 v10, v31;
	v30 =	vor.u32 v10, v32;
	v31 =	vbroadcast v46, $0x0  }
0x21e: {  	v40 =	vor.u32 v10, v51;
	v32 =	vor.u32 v10, v36;
	v34 =	vor.u32 v10, v42;
	v33 =	vld.idx.msk [tilespmem:v33+s25+$0x0], $0xffff  }
0x21f: {  	s0 =	smov.u32 s31;
	v42 =	vbroadcast v37, $0x0;
	v37 =	vor.u32 v10, v47;
	s30 =	sadd.s32 $0x800, s30;
	v31 =	vor.u32 v10, v31;
	v36 =	vld.idx.msk [tilespmem:v45+s25+$0x0], $0xffff  }
0x220: {  	_ =	sdelay $0x3  }
0x221: {  	v41 =	vld.idx.msk [tilespmem:v41+s25+$0x0], $0xffff  }
0x222: {  	v38 =	vld.idx.msk [tilespmem:v38+s25+$0x0], $0xffff  }
0x223: {  	[tilespmem:s29+$0xFFFFFE80] =	vst v39;
	v35 =	vld.idx.msk [tilespmem:v35+s25+$0x0], $0xffff  }
0x224: {  	v55 =	vld.idx.msk [tilespmem:v40+s25+$0x0], $0xffff;
	[tilespmem:s29+$0xFFFFF980] =	vst v33  }
0x225: {  	v56 =	vld.idx.msk [tilespmem:v34+s25+$0x0], $0xffff;
	[tilespmem:s29+$0xFFFFFC00] =	vst v36  }
0x226: {  	v57 =	vld.idx.msk [tilespmem:v37+s25+$0x0], $0xffff;
	[tilespmem:s29+$0xFFFFFF00] =	vst v41  }
0x227: {  	v32 =	vld.idx.msk [tilespmem:v32+s25+$0x0], $0xffff;
	v42 =	vor.u32 v10, v42;
	[tilespmem:s29+$0xFFFFFA80] =	vst v38  }
0x228: {  	v30 =	vld.idx.msk [tilespmem:v30+s25+$0x0], $0xffff;
	[tilespmem:s29+$0xFFFFFB80] =	vst v35  }
0x229: {  	v29 =	vld.idx.msk [tilespmem:v29+s25+$0x0], $0xffff;
	[tilespmem:s29+$0x0] =	vst v55  }
0x22a: {  	v31 =	vld.idx.msk [tilespmem:v31+s25+$0x0], $0xffff;
	[tilespmem:s29+$0xFFFFFF80] =	vst v56  }
0x22b: {  	v28 =	vld.idx.msk [tilespmem:v28+s25+$0x0], $0xffff;
	[tilespmem:s29+$0xFFFFFE00] =	vst v57  }
0x22c: {  	s0 =	simm.s32 $0xB;
	[tilespmem:s29+$0xFFFFF880] =	vst v32;
	v58 =	vld.idx.msk [tilespmem:v42+s25+$0x0], $0xffff  }
0x22d: {  	v18 =	vor.u32 v11, v18;
	v59 =	vmov s0;
	[tilespmem:s29+$0xFFFFFB00] =	vst v30  }
0x22e: {  	v27 =	vor.u32 v11, v27;
	v30 =	vand.u32 $0x7B, v59;
	[tilespmem:s29+$0xFFFFFD80] =	vst v29  }
0x22f: {  	s14 =	simm.s32 $0x9;
	v22 =	vor.u32 v11, v22;
	[tilespmem:s29+$0xFFFFFD00] =	vst v31;
	v29 =	vbroadcast v30, $0x0  }
0x230: {  	v17 =	vbroadcast v17, $0x0;
	v31 =	vor.u32 v11, v26;
	[tilespmem:s29+$0xFFFFFA00] =	vst v28;
	v30 =	vmov s14  }
0x231: {  	s15 =	simm.s32 $0xF;
	v26 =	vand.u32 $0x79, v30;
	v30 =	vor.u32 v11, v29;
	[tilespmem:s29+$0xFFFFF900] =	vst v58  }
0x232: {  	v61 =	vor.u32 v11, v17;
	v28 =	vmov s15;
	v60 =	vld.idx.msk [tilespmem:v18+s25+$0x0], $0xffff  }
0x233: {  	s16 =	simm.s32 $0x3;
	v24 =	vor.u32 v11, v24;
	v17 =	vand.u32 $0x7F, v28;
	v28 =	vld.idx.msk [tilespmem:v27+s25+$0x0], $0xffff  }
0x234: {  	v62 =	vmov s16;
	v63 =	vbroadcast v17, $0x0;
	v17 =	vor.u32 v11, v23;
	v27 =	vld.idx.msk [tilespmem:v22+s25+$0x0], $0xffff  }
0x235: {  	v29 =	vor.u32 v11, v19;
	v18 =	vbroadcast v26, $0x0;
	v22 =	vor.u32 v11, v25;
	v25 =	vld.idx.msk [tilespmem:v31+s25+$0x0], $0xffff  }
0x236: {  	v19 =	vor.u32 v11, v21;
	v21 =	vor.u32 v11, v63;
	v31 =	vand.u32 $0x73, v62;
	v23 =	vld.idx.msk [tilespmem:v30+s25+$0x0], $0xffff  }
0x237: {  	s30 =	simm.s32 $0x10;
	s31 =	simm.s32 $0x1C8B0;
	s29 =	simm.s32 $0x1C0C0;
	v30 =	vbroadcast v31, $0x0;
	v26 =	vor.u32 v11, v18;
	v18 =	vor.u32 v11, v20;
	v20 =	vld.idx.msk [tilespmem:v61+s25+$0x0], $0xffff;
	[tilespmem:s28+$0xFFFFFC80] =	vst v60  }
.LBB2_25:
0x238: {  	s0 =	sadd.s32 $0x1, s30  }
0x239: {  	v31 =	vmov s30;
	s1 =	sadd.s32 $0x2, s30;
	s4 =	sadd.s32 $0xF, s30;
	[tilespmem:s28+$0xFFFFFC00] =	vst v28;
	s9 =	smov.u32 s30  }
0x23a: {  	s13 =	sadd.s32 $0xB, s30;
	v28 =	vmov s0;
	v32 =	vmov s1;
	s0 =	sadd.s32 $0x4, s30;
	s1 =	sadd.s32 $0x5, s30;
	v29 =	vld.idx.msk [tilespmem:v29+s25+$0x0], $0xffff;
	v16 =	vor.u32 v11, v16  }
0x23b: {  	s14 =	sadd.s32 $0xE, s30;
	v30 =	vor.u32 v11, v30;
	v33 =	vmov s0;
	v34 =	vmov s1;
	s0 =	sadd.s32 $0x7, s30;
	s1 =	sadd.s32 $0x8, s30;
	v24 =	vld.idx.msk [tilespmem:v24+s25+$0x0], $0xffff;
	[tilespmem:s28+$0xFFFFFE80] =	vst v27  }
0x23c: {  	p0 =	slt.u32 s30, $0x30;
	s15 =	sadd.s32 $0x6, s9;
	v27 =	vand.u32 $0x71, v28;
	s30 =	sadd.s32 $0x10, s30;
	v28 =	vmov s0;
	v35 =	vmov s1;
	v26 =	vld.idx.msk [tilespmem:v26+s25+$0x0], $0xffff;
	[tilespmem:s28+$0xFFFFFF00] =	vst v25  }
0x23d: {  	v25 =	vand.u32 $0x72, v32;
	s0 =	sadd.s32 $0x3, s9;
	v32 =	vand.u32 $0x74, v33;
	s1 =	sadd.s32 $0xA, s9;
	v33 =	vand.u32 $0x78, v35;
	[tilespmem:s28+$0xFFFFFE00] =	vst v23;
	v21 =	vld.idx.msk [tilespmem:v21+s25+$0x0], $0xffff  }
0x23e: {  	s16 =	sadd.s32 $0xD, s9;
	v35 =	vmov s4;
	v23 =	vbroadcast v33, $0x0;
	v33 =	vmov s1;
	s1 =	sadd.s32 $0xC, s9;
	v18 =	vld.idx.msk [tilespmem:v18+s25+$0x0], $0xffff;
	[tilespmem:s28+$0xFFFFF900] =	vst v20  }
0x23f: {  	v36 =	vmov s16;
	s4 =	sadd.s32 $0x9, s9;
	v20 =	vand.u32 $0x70, v31;
	v31 =	vmov s1;
	v17 =	vld.idx.msk [tilespmem:v17+s25+$0x0], $0xffff  }
0x240: {  	v37 =	vmov s14;
	v34 =	vand.u32 $0x75, v34;
	v23 =	vor.u32 v11, v23;
	[tilespmem:s28+$0xFFFFF980] =	vst v29;
	v16 =	vld.idx.msk [tilespmem:v16+s25+$0x0], $0xffff  }
0x241: {  	v28 =	vand.u32 $0x77, v28;
	v33 =	vand.u32 $0x7A, v33;
	v29 =	vmov s15;
	[tilespmem:s28+$0xFFFFFB00] =	vst v24;
	v22 =	vld.idx.msk [tilespmem:v22+s25+$0x0], $0xffff  }
0x242: {  	v24 =	vbroadcast v28, $0x0;
	v28 =	vand.u32 $0x7C, v31;
	v31 =	vand.u32 $0x7F, v35;
	v30 =	vld.idx.msk [tilespmem:v30+s25+$0x0], $0xffff;
	[tilespmem:s28+$0xFFFFFD00] =	vst v26  }
0x243: {  	v35 =	vand.u32 $0x7D, v36;
	v26 =	vmov s13;
	v28 =	vbroadcast v28, $0x0;
	v19 =	vld.idx.msk [tilespmem:v19+s25+$0x0], $0xffff;
	[tilespmem:s28+$0x0] =	vst v21  }
0x244: {  	v21 =	vbroadcast v25, $0x0;
	v24 =	vor.u32 v11, v24;
	v25 =	vbroadcast v35, $0x0;
	[tilespmem:s28+$0xFFFFF880] =	vst v18  }
0x245: {  	v26 =	vand.u32 $0x7B, v26;
	v35 =	vor.u32 v11, v28;
	v18 =	vld.idx.msk [tilespmem:v23+s25+$0x0], $0xffff;
	v23 =	vmov s4;
	[tilespmem:s28+$0xFFFFFA80] =	vst v17  }
0x246: {  	v26 =	vbroadcast v26, $0x0;
	v17 =	vand.u32 $0x76, v29;
	v25 =	vor.u32 v11, v25;
	[tilespmem:s28+$0xFFFFFF80] =	vst v16  }
0x247: {  	v36 =	vmov s0;
	v16 =	vbroadcast v27, $0x0;
	v23 =	vand.u32 $0x79, v23;
	[tilespmem:s28+$0xFFFFFD80] =	vst v22  }
0x248: {  	v34 =	vbroadcast v34, $0x0;
	v22 =	vbroadcast v23, $0x0;
	v23 =	vor.u32 v11, v26;
	[tilespmem:s28+$0xFFFFFA00] =	vst v30  }
0x249: {  	v16 =	vor.u32 v11, v16;
	v30 =	vbroadcast v32, $0x0;
	v28 =	vld.idx.msk [tilespmem:v24+s25+$0x0], $0xffff;
	v24 =	vbroadcast v33, $0x0;
	[tilespmem:s28+$0xFFFFFB80] =	vst v19;
	s28 =	smov.u32 s31  }
.Ltmp11:
0x24a: {  	v31 =	vbroadcast v31, $0x0;
	v19 =	vbroadcast v20, $0x0;
	v26 =	vor.u32 v11, v22;
	v27 =	vld.idx.msk [tilespmem:v35+s25+$0x0], $0xffff;
	(pc) =	sbr.rel @p0 .LBB2_25-.Ltmp11, $4  }
0x24b: {  	v29 =	vor.u32 v11, v21;
	v20 =	vbroadcast v17, $0x0;
	[tilespmem:s31+$0xFFFFFC80] =	vst v18;
	v22 =	vor.u32 v11, v24;
	v25 =	vld.idx.msk [tilespmem:v25+s25+$0x0], $0xffff  }
0x24c: {  	v21 =	vand.u32 $0x73, v36;
	v17 =	vor.u32 v11, v30;
	v24 =	vor.u32 v11, v34  }
0x24d: {  	v32 =	vand.u32 $0x7E, v37;
	v18 =	vor.u32 v11, v19;
	v19 =	vor.u32 v11, v20;
	v23 =	vld.idx.msk [tilespmem:v23+s25+$0x0], $0xffff  }
0x24e: {  	s0 =	simm.s32 $0x0;
	v30 =	vbroadcast v21, $0x0;
	v21 =	vor.u32 v11, v31;
	s31 =	sadd.s32 $0x800, s31;
	v20 =	vld.idx.msk [tilespmem:v16+s25+$0x0], $0xffff;
	v16 =	vbroadcast v32, $0x0  }
0x24f: {  	_ =	sdelay $0x3  }
0x250: {  	[tilespmem:s28+$0xFFFFFC00] =	vst v28;
	v28 =	vld.idx.msk [tilespmem:v29+s25+$0x0], $0xffff  }
0x251: {  	s1 =	simm.s32 $0x1;
	s4 =	simm.s32 $0x2;
	v24 =	vld.idx.msk [tilespmem:v24+s25+$0x0], $0xffff;
	[tilespmem:s28+$0xFFFFFE80] =	vst v27;
	v16 =	vor.u32 v11, v16;
	v29 =	vor.u32 v11, v30  }
0x252: {  	s9 =	simm.s32 $0x4;
	s13 =	simm.s32 $0x5;
	v26 =	vld.idx.msk [tilespmem:v26+s25+$0x0], $0xffff;
	s15 =	simm.s32 $0x7;
	v30 =	vmov s0;
	v31 =	vmov s1;
	v32 =	vmov s4  }
0x253: {  	s14 =	simm.s32 $0x9;
	s16 =	simm.s32 $0x8;
	s31 =	simm.s32 $0xF;
	v55 =	vmov s9;
	v33 =	vmov s13;
	[tilespmem:s28+$0xFFFFFF00] =	vst v25;
	v25 =	vmov s15  }
0x254: {  	v21 =	vld.idx.msk [tilespmem:v21+s25+$0x0], $0xffff;
	s9 =	simm.s32 $0xE;
	v34 =	vmov s16;
	v35 =	vmov s14;
	v58 =	vmov s31  }
0x255: {  	v36 =	vld.idx.msk [tilespmem:v18+s25+$0x0], $0xffff;
	s14 =	simm.s32 $0xD;
	s15 =	simm.s32 $0xB;
	v27 =	vand.u32 $0x72, v32;
	v56 =	vand.u32 $0x78, v34;
	v57 =	vmov s9;
	[tilespmem:s28+$0xFFFFFE00] =	vst v23  }
0x256: {  	v37 =	vld.idx.msk [tilespmem:v17+s25+$0x0], $0xffff;
	s16 =	simm.s32 $0x6;
	v17 =	vand.u32 $0x71, v31;
	v31 =	vmov s14;
	v38 =	vmov s15;
	[tilespmem:s28+$0xFFFFF900] =	vst v20  }
0x257: {  	v32 =	vand.u32 $0x7F, v58;
	v59 =	vmov s16;
	v25 =	vand.u32 $0x77, v25;
	[tilespmem:s28+$0xFFFFF980] =	vst v28  }
0x258: {  	v39 =	vld.idx.msk [tilespmem:v22+s25+$0x0], $0xffff;
	s4 =	simm.s32 $0xA;
	v62 =	vand.u32 $0x79, v35;
	v23 =	vand.u32 $0x74, v55;
	v18 =	vbroadcast v56, $0x0;
	[tilespmem:s28+$0xFFFFFB00] =	vst v24  }
0x259: {  	s13 =	simm.s32 $0xC;
	v40 =	vbroadcast v32, $0x0;
	v32 =	vand.u32 $0x76, v59;
	v20 =	vmov s4;
	[tilespmem:s28+$0x0] =	vst v21;
	v21 =	vld.idx.msk [tilespmem:v19+s25+$0x0], $0xffff  }
0x25a: {  	v23 =	vbroadcast v23, $0x0;
	v28 =	vmov s13;
	v24 =	vor.u32 v12, v18;
	[tilespmem:s28+$0xFFFFFD00] =	vst v26;
	v29 =	vld.idx.msk [tilespmem:v29+s25+$0x0], $0xffff  }
0x25b: {  	v26 =	vand.u32 $0x7D, v31;
	v31 =	vand.u32 $0x7B, v38;
	[tilespmem:s28+$0xFFFFF880] =	vst v36;
	v16 =	vld.idx.msk [tilespmem:v16+s25+$0x0], $0xffff;
	v22 =	vand.u32 $0x7C, v28  }
0x25c: {  	s31 =	simm.s32 $0x3;
	v60 =	vand.u32 $0x7A, v20;
	[tilespmem:s28+$0xFFFFFA80] =	vst v37;
	v19 =	vbroadcast v27, $0x0;
	v22 =	vbroadcast v22, $0x0  }
0x25d: {  	v27 =	vmov s31;
	[tilespmem:s28+$0xFFFFFD80] =	vst v39;
	v40 =	vor.u32 v12, v40;
	v28 =	vand.u32 $0x7E, v57  }
0x25e: {  	v26 =	vbroadcast v26, $0x0;
	v44 =	vbroadcast v31, $0x0;
	v61 =	vor.u32 v12, v22;
	[tilespmem:s28+$0xFFFFFB80] =	vst v21  }
0x25f: {  	v38 =	vor.u32 v12, v23;
	[tilespmem:s28+$0xFFFFFA00] =	vst v29;
	v29 =	vand.u32 $0x73, v27;
	v27 =	vbroadcast v25, $0x0  }
0x260: {  	v31 =	vbroadcast v62, $0x0;
	v63 =	vor.u32 v12, v19;
	v21 =	vbroadcast v32, $0x0;
	[tilespmem:s28+$0xFFFFFF80] =	vst v16  }
0x261: {  	v16 =	vand.u32 $0x70, v30;
	v25 =	vbroadcast v60, $0x0;
	v42 =	vld.idx.msk [tilespmem:v24+s25+$0x0], $0xffff;
	v43 =	vor.u32 v12, v27  }
0x262: {  	v30 =	vand.u32 $0x75, v33;
	v20 =	vbroadcast v16, $0x0;
	v16 =	vbroadcast v28, $0x0  }
0x263: {  	v41 =	vor.u32 v12, v26;
	v28 =	vbroadcast v29, $0x0;
	v24 =	vbroadcast v30, $0x0;
	v39 =	vld.idx.msk [tilespmem:v61+s25+$0x0], $0xffff  }
0x264: {  	v31 =	vor.u32 v12, v31;
	v37 =	vor.u32 v12, v44;
	v35 =	vor.u32 v12, v21  }
0x265: {  	v33 =	vld.idx.msk [tilespmem:v63+s25+$0x0], $0xffff;
	v29 =	vor.u32 v12, v25;
	v28 =	vor.u32 v12, v28;
	v30 =	vor.u32 v12, v24  }
0x266: {  	s30 =	simm.s32 $0x1C8C0;
	s0 =	simm.s32 $0x10;
	s28 =	simm.s32 $0x1C0D0;
	v32 =	vor.u32 v12, v20;
	v34 =	vor.u32 v12, v16;
	[tilespmem:s29+$0xFFFFFC80] =	vst v42;
	v42 =	vbroadcast v17, $0x0;
	v36 =	vld.idx.msk [tilespmem:v43+s25+$0x0], $0xffff  }
.LBB2_27:
0x267: {  	s1 =	sadd.s32 $0x1, s0  }
0x268: {  	v43 =	vmov s0;
	s4 =	sadd.s32 $0x2, s0;
	s9 =	sadd.s32 $0xE, s0;
	[tilespmem:s29+$0xFFFFFE80] =	vst v39;
	v39 =	vld.idx.msk [tilespmem:v41+s25+$0x0], $0xffff;
	s13 =	smov.u32 s0  }
0x269: {  	s14 =	sadd.s32 $0x5, s0;
	s15 =	sadd.s32 $0x9, s0;
	v41 =	vmov s1;
	v44 =	vmov s4;
	s4 =	sadd.s32 $0x4, s0;
	v42 =	vor.u32 v12, v42;
	v38 =	vld.idx.msk [tilespmem:v38+s25+$0x0], $0xffff  }
0x26a: {  	s1 =	sadd.s32 $0x3, s0;
	v46 =	vmov s14;
	s14 =	sadd.s32 $0x8, s0;
	v44 =	vand.u32 $0x72, v44;
	v45 =	vmov s4;
	s4 =	sadd.s32 $0x7, s0;
	v35 =	vld.idx.msk [tilespmem:v35+s25+$0x0], $0xffff  }
0x26b: {  	s31 =	sadd.s32 $0x10, s0;
	s16 =	sadd.s32 $0x6, s13;
	v49 =	vmov s15;
	v48 =	vmov s14;
	v47 =	vmov s4;
	s4 =	sadd.s32 $0xF, s13;
	v40 =	vld.idx.msk [tilespmem:v40+s25+$0x0], $0xffff  }
0x26c: {  	p0 =	slt.u32 s0, $0x30;
	v50 =	vmov s9;
	s14 =	sadd.s32 $0xA, s13;
	v45 =	vand.u32 $0x74, v45;
	v48 =	vand.u32 $0x78, v48;
	[tilespmem:s29+$0xFFFFF980] =	vst v33;
	v33 =	vld.idx.msk [tilespmem:v34+s25+$0x0], $0xffff  }
0x26d: {  	s9 =	sadd.s32 $0xD, s13;
	s0 =	sadd.s32 $0xC, s13;
	v34 =	vbroadcast v48, $0x0;
	v48 =	vmov s14;
	v51 =	vmov s4;
	[tilespmem:s29+$0xFFFFFC00] =	vst v36;
	v36 =	vld.idx.msk [tilespmem:v37+s25+$0x0], $0xffff  }
0x26e: {  	v52 =	vmov s9;
	s4 =	sadd.s32 $0xB, s13;
	v37 =	vand.u32 $0x71, v41;
	v41 =	vmov s0;
	v42 =	vld.idx.msk [tilespmem:v42+s25+$0x0], $0xffff;
	[tilespmem:s29+$0xFFFFFF00] =	vst v39  }
0x26f: {  	v51 =	vand.u32 $0x7F, v51;
	v34 =	vor.u32 v12, v34;
	v39 =	vmov s4;
	v32 =	vld.idx.msk [tilespmem:v32+s25+$0x0], $0xffff;
	[tilespmem:s29+$0xFFFFFA80] =	vst v38  }
0x270: {  	v50 =	vand.u32 $0x7E, v50;
	v38 =	vand.u32 $0x7C, v41;
	v41 =	vand.u32 $0x7D, v52;
	v30 =	vld.idx.msk [tilespmem:v30+s25+$0x0], $0xffff;
	[tilespmem:s29+$0xFFFFFB80] =	vst v35  }
0x271: {  	v51 =	vbroadcast v51, $0x0;
	v35 =	vand.u32 $0x7B, v39;
	v38 =	vbroadcast v38, $0x0;
	v29 =	vld.idx.msk [tilespmem:v29+s25+$0x0], $0xffff;
	[tilespmem:s29+$0x0] =	vst v40  }
0x272: {  	v39 =	vmov s16;
	v40 =	vand.u32 $0x77, v47;
	v47 =	vand.u32 $0x7A, v48;
	v31 =	vld.idx.msk [tilespmem:v31+s25+$0x0], $0xffff;
	[tilespmem:s29+$0xFFFFFF80] =	vst v33  }
0x273: {  	v33 =	vbroadcast v44, $0x0;
	v44 =	vmov s1;
	v38 =	vor.u32 v12, v38;
	v28 =	vld.idx.msk [tilespmem:v28+s25+$0x0], $0xffff;
	[tilespmem:s29+$0xFFFFFE00] =	vst v36  }
0x274: {  	v36 =	vand.u32 $0x70, v43;
	v43 =	vand.u32 $0x75, v46;
	v46 =	vand.u32 $0x79, v49;
	v34 =	vld.idx.msk [tilespmem:v34+s25+$0x0], $0xffff;
	[tilespmem:s29+$0xFFFFF900] =	vst v42  }
0x275: {  	v41 =	vbroadcast v41, $0x0;
	v39 =	vand.u32 $0x76, v39;
	v36 =	vbroadcast v36, $0x0;
	[tilespmem:s29+$0xFFFFF880] =	vst v32  }
0x276: {  	v40 =	vbroadcast v40, $0x0;
	v42 =	vbroadcast v50, $0x0;
	v32 =	vand.u32 $0x73, v44;
	[tilespmem:s29+$0xFFFFFB00] =	vst v30  }
0x277: {  	v33 =	vor.u32 v12, v33;
	v44 =	vbroadcast v39, $0x0;
	v30 =	vbroadcast v45, $0x0;
	[tilespmem:s29+$0xFFFFFD80] =	vst v29  }
0x278: {  	v45 =	vor.u32 v12, v40;
	v29 =	vbroadcast v47, $0x0;
	v47 =	vbroadcast v35, $0x0;
	v39 =	vld.idx.msk [tilespmem:v38+s25+$0x0], $0xffff;
	[tilespmem:s29+$0xFFFFFD00] =	vst v31  }
.Ltmp12:
0x279: {  	v41 =	vor.u32 v12, v41;
	v31 =	vbroadcast v32, $0x0;
	v32 =	vbroadcast v43, $0x0;
	[tilespmem:s29+$0xFFFFFA00] =	vst v28;
	s29 =	smov.u32 s30;
	(pc) =	sbr.rel @p0 .LBB2_27-.Ltmp12, $4  }
0x27a: {  	v35 =	vor.u32 v12, v44;
	v38 =	vor.u32 v12, v30;
	v29 =	vor.u32 v12, v29;
	[tilespmem:s30+$0xFFFFFC80] =	vst v34  }
0x27b: {  	v28 =	vor.u32 v12, v31;
	v30 =	vor.u32 v12, v32;
	v31 =	vbroadcast v46, $0x0  }
0x27c: {  	v40 =	vor.u32 v12, v51;
	v32 =	vor.u32 v12, v36;
	v34 =	vor.u32 v12, v42;
	v33 =	vld.idx.msk [tilespmem:v33+s25+$0x0], $0xffff  }
0x27d: {  	s0 =	smov.u32 s31;
	v42 =	vbroadcast v37, $0x0;
	v37 =	vor.u32 v12, v47;
	s30 =	sadd.s32 $0x800, s30;
	v31 =	vor.u32 v12, v31;
	v36 =	vld.idx.msk [tilespmem:v45+s25+$0x0], $0xffff  }
0x27e: {  	_ =	sdelay $0x3  }
0x27f: {  	v41 =	vld.idx.msk [tilespmem:v41+s25+$0x0], $0xffff  }
0x280: {  	v38 =	vld.idx.msk [tilespmem:v38+s25+$0x0], $0xffff  }
0x281: {  	[tilespmem:s29+$0xFFFFFE80] =	vst v39;
	v35 =	vld.idx.msk [tilespmem:v35+s25+$0x0], $0xffff  }
0x282: {  	v56 =	vld.idx.msk [tilespmem:v40+s25+$0x0], $0xffff;
	[tilespmem:s29+$0xFFFFF980] =	vst v33  }
0x283: {  	v57 =	vld.idx.msk [tilespmem:v34+s25+$0x0], $0xffff;
	[tilespmem:s29+$0xFFFFFC00] =	vst v36  }
0x284: {  	v58 =	vld.idx.msk [tilespmem:v37+s25+$0x0], $0xffff;
	[tilespmem:s29+$0xFFFFFF00] =	vst v41  }
0x285: {  	v32 =	vld.idx.msk [tilespmem:v32+s25+$0x0], $0xffff;
	v42 =	vor.u32 v12, v42;
	[tilespmem:s29+$0xFFFFFA80] =	vst v38  }
0x286: {  	v30 =	vld.idx.msk [tilespmem:v30+s25+$0x0], $0xffff;
	[tilespmem:s29+$0xFFFFFB80] =	vst v35  }
0x287: {  	v29 =	vld.idx.msk [tilespmem:v29+s25+$0x0], $0xffff;
	[tilespmem:s29+$0x0] =	vst v56  }
0x288: {  	v31 =	vld.idx.msk [tilespmem:v31+s25+$0x0], $0xffff;
	[tilespmem:s29+$0xFFFFFF80] =	vst v57  }
0x289: {  	v28 =	vld.idx.msk [tilespmem:v28+s25+$0x0], $0xffff;
	[tilespmem:s29+$0xFFFFFE00] =	vst v58  }
0x28a: {  	[tilespmem:s29+$0xFFFFF880] =	vst v32;
	v59 =	vld.idx.msk [tilespmem:v42+s25+$0x0], $0xffff  }
0x28b: {  	s0 =	simm.s32 $0xB;
	v18 =	vor.u32 v13, v18;
	[tilespmem:s29+$0xFFFFFB00] =	vst v30  }
0x28c: {  	v27 =	vor.u32 v13, v27;
	v17 =	vbroadcast v17, $0x0;
	v60 =	vmov s0;
	[tilespmem:s29+$0xFFFFFD80] =	vst v29  }
0x28d: {  	v30 =	vand.u32 $0x7B, v60;
	v29 =	vor.u32 v13, v22;
	[tilespmem:s29+$0xFFFFFD00] =	vst v31  }
0x28e: {  	s14 =	simm.s32 $0x9;
	v62 =	vor.u32 v13, v17;
	[tilespmem:s29+$0xFFFFFA00] =	vst v28;
	v22 =	vbroadcast v30, $0x0  }
0x28f: {  	s15 =	simm.s32 $0xF;
	v31 =	vor.u32 v13, v26;
	v30 =	vmov s14;
	[tilespmem:s29+$0xFFFFF900] =	vst v59  }
0x290: {  	v26 =	vand.u32 $0x79, v30;
	v30 =	vor.u32 v13, v22;
	v22 =	vmov s15;
	v61 =	vld.idx.msk [tilespmem:v18+s25+$0x0], $0xffff  }
0x291: {  	s16 =	simm.s32 $0x3;
	v17 =	vand.u32 $0x7F, v22;
	v18 =	vbroadcast v26, $0x0;
	v27 =	vld.idx.msk [tilespmem:v27+s25+$0x0], $0xffff  }
0x292: {  	v28 =	vmov s16;
	v63 =	vbroadcast v17, $0x0;
	v17 =	vor.u32 v13, v20;
	v26 =	vld.idx.msk [tilespmem:v29+s25+$0x0], $0xffff  }
0x293: {  	v20 =	vor.u32 v13, v21;
	v29 =	vor.u32 v13, v19;
	v21 =	vld.idx.msk [tilespmem:v62+s25+$0x0], $0xffff;
	v22 =	vor.u32 v13, v18  }
0x294: {  	v18 =	vor.u32 v13, v25;
	v25 =	vld.idx.msk [tilespmem:v31+s25+$0x0], $0xffff;
	v31 =	vand.u32 $0x73, v28;
	v28 =	vor.u32 v13, v24  }
0x295: {  	s30 =	simm.s32 $0x10;
	s31 =	simm.s32 $0x1C8D0;
	s29 =	simm.s32 $0x1C0E0;
	v19 =	vor.u32 v13, v23;
	v23 =	vld.idx.msk [tilespmem:v30+s25+$0x0], $0xffff;
	v24 =	vor.u32 v13, v63;
	v30 =	vbroadcast v31, $0x0;
	[tilespmem:s28+$0xFFFFFC80] =	vst v61  }
.LBB2_29:
0x296: {  	s0 =	sadd.s32 $0x1, s30  }
0x297: {  	v31 =	vmov s30;
	s1 =	sadd.s32 $0x2, s30;
	s4 =	sadd.s32 $0xF, s30;
	[tilespmem:s28+$0xFFFFFC00] =	vst v27;
	s9 =	smov.u32 s30  }
0x298: {  	s13 =	sadd.s32 $0xB, s30;
	v27 =	vmov s0;
	v32 =	vmov s1;
	s0 =	sadd.s32 $0x4, s30;
	s1 =	sadd.s32 $0x5, s30;
	v29 =	vld.idx.msk [tilespmem:v29+s25+$0x0], $0xffff;
	v16 =	vor.u32 v13, v16  }
0x299: {  	s14 =	sadd.s32 $0xE, s30;
	v30 =	vor.u32 v13, v30;
	v33 =	vmov s0;
	v34 =	vmov s1;
	s0 =	sadd.s32 $0x7, s30;
	s1 =	sadd.s32 $0x8, s30;
	v28 =	vld.idx.msk [tilespmem:v28+s25+$0x0], $0xffff;
	[tilespmem:s28+$0xFFFFFE80] =	vst v26  }
0x29a: {  	p0 =	slt.u32 s30, $0x30;
	s15 =	sadd.s32 $0x6, s9;
	v26 =	vand.u32 $0x71, v27;
	s30 =	sadd.s32 $0x10, s30;
	v27 =	vmov s0;
	v35 =	vmov s1;
	v22 =	vld.idx.msk [tilespmem:v22+s25+$0x0], $0xffff;
	[tilespmem:s28+$0xFFFFFF00] =	vst v25  }
0x29b: {  	v25 =	vand.u32 $0x72, v32;
	s0 =	sadd.s32 $0x3, s9;
	v32 =	vand.u32 $0x74, v33;
	s1 =	sadd.s32 $0xA, s9;
	v33 =	vand.u32 $0x78, v35;
	[tilespmem:s28+$0xFFFFFE00] =	vst v23;
	v23 =	vld.idx.msk [tilespmem:v24+s25+$0x0], $0xffff  }
0x29c: {  	s16 =	sadd.s32 $0xD, s9;
	v35 =	vmov s4;
	v24 =	vbroadcast v33, $0x0;
	v33 =	vmov s1;
	s1 =	sadd.s32 $0xC, s9;
	v17 =	vld.idx.msk [tilespmem:v17+s25+$0x0], $0xffff;
	[tilespmem:s28+$0xFFFFF900] =	vst v21  }
0x29d: {  	v36 =	vmov s16;
	s4 =	sadd.s32 $0x9, s9;
	v21 =	vand.u32 $0x70, v31;
	v31 =	vmov s1;
	v19 =	vld.idx.msk [tilespmem:v19+s25+$0x0], $0xffff  }
0x29e: {  	v37 =	vmov s14;
	v34 =	vand.u32 $0x75, v34;
	v24 =	vor.u32 v13, v24;
	[tilespmem:s28+$0xFFFFF980] =	vst v29;
	v16 =	vld.idx.msk [tilespmem:v16+s25+$0x0], $0xffff  }
0x29f: {  	v27 =	vand.u32 $0x77, v27;
	v33 =	vand.u32 $0x7A, v33;
	v29 =	vmov s15;
	[tilespmem:s28+$0xFFFFFB00] =	vst v28;
	v18 =	vld.idx.msk [tilespmem:v18+s25+$0x0], $0xffff  }
0x2a0: {  	v27 =	vbroadcast v27, $0x0;
	v28 =	vand.u32 $0x7C, v31;
	v31 =	vand.u32 $0x7F, v35;
	v30 =	vld.idx.msk [tilespmem:v30+s25+$0x0], $0xffff;
	[tilespmem:s28+$0xFFFFFD00] =	vst v22  }
0x2a1: {  	v35 =	vand.u32 $0x7D, v36;
	v22 =	vmov s13;
	v28 =	vbroadcast v28, $0x0;
	v20 =	vld.idx.msk [tilespmem:v20+s25+$0x0], $0xffff;
	[tilespmem:s28+$0x0] =	vst v23  }
0x2a2: {  	v23 =	vbroadcast v25, $0x0;
	v25 =	vor.u32 v13, v27;
	v27 =	vbroadcast v35, $0x0;
	[tilespmem:s28+$0xFFFFF880] =	vst v17  }
0x2a3: {  	v22 =	vand.u32 $0x7B, v22;
	v28 =	vor.u32 v13, v28;
	v17 =	vld.idx.msk [tilespmem:v24+s25+$0x0], $0xffff;
	v24 =	vmov s4;
	[tilespmem:s28+$0xFFFFFA80] =	vst v19  }
0x2a4: {  	v22 =	vbroadcast v22, $0x0;
	v19 =	vand.u32 $0x76, v29;
	v35 =	vor.u32 v13, v27;
	[tilespmem:s28+$0xFFFFFF80] =	vst v16  }
0x2a5: {  	v36 =	vmov s0;
	v16 =	vbroadcast v26, $0x0;
	v24 =	vand.u32 $0x79, v24;
	[tilespmem:s28+$0xFFFFFD80] =	vst v18  }
0x2a6: {  	v34 =	vbroadcast v34, $0x0;
	v18 =	vbroadcast v24, $0x0;
	v24 =	vor.u32 v13, v22;
	[tilespmem:s28+$0xFFFFFA00] =	vst v30  }
0x2a7: {  	v16 =	vor.u32 v13, v16;
	v30 =	vbroadcast v32, $0x0;
	v27 =	vld.idx.msk [tilespmem:v25+s25+$0x0], $0xffff;
	v25 =	vbroadcast v33, $0x0;
	[tilespmem:s28+$0xFFFFFB80] =	vst v20;
	s28 =	smov.u32 s31  }
.Ltmp13:
0x2a8: {  	v31 =	vbroadcast v31, $0x0;
	v20 =	vbroadcast v21, $0x0;
	v22 =	vor.u32 v13, v18;
	v26 =	vld.idx.msk [tilespmem:v28+s25+$0x0], $0xffff;
	(pc) =	sbr.rel @p0 .LBB2_29-.Ltmp13, $4  }
0x2a9: {  	v29 =	vor.u32 v13, v23;
	v21 =	vbroadcast v19, $0x0;
	[tilespmem:s31+$0xFFFFFC80] =	vst v17;
	v18 =	vor.u32 v13, v25;
	v25 =	vld.idx.msk [tilespmem:v35+s25+$0x0], $0xffff  }
0x2aa: {  	v32 =	vand.u32 $0x73, v36;
	v19 =	vor.u32 v13, v30;
	v28 =	vor.u32 v13, v34  }
0x2ab: {  	v17 =	vor.u32 v13, v20;
	v20 =	vor.u32 v13, v21;
	v23 =	vld.idx.msk [tilespmem:v24+s25+$0x0], $0xffff;
	v24 =	vand.u32 $0x7E, v37  }
0x2ac: {  	s0 =	simm.s32 $0x0;
	v30 =	vbroadcast v32, $0x0;
	s31 =	sadd.s32 $0x800, s31;
	v21 =	vld.idx.msk [tilespmem:v16+s25+$0x0], $0xffff;
	v16 =	vbroadcast v24, $0x0;
	v24 =	vor.u32 v13, v31  }
0x2ad: {  	_ =	sdelay $0x3  }
0x2ae: {  	[tilespmem:s28+$0xFFFFFC00] =	vst v27;
	v27 =	vld.idx.msk [tilespmem:v29+s25+$0x0], $0xffff  }
0x2af: {  	s1 =	simm.s32 $0x1;
	s4 =	simm.s32 $0x2;
	v28 =	vld.idx.msk [tilespmem:v28+s25+$0x0], $0xffff;
	v31 =	vmov s0;
	v29 =	vor.u32 v13, v16  }
0x2b0: {  	s9 =	simm.s32 $0x4;
	s13 =	simm.s32 $0x5;
	v22 =	vld.idx.msk [tilespmem:v22+s25+$0x0], $0xffff;
	s15 =	simm.s32 $0x7;
	v30 =	vor.u32 v13, v30;
	v16 =	vmov s1;
	v32 =	vmov s4  }
0x2b1: {  	s14 =	simm.s32 $0x9;
	s16 =	simm.s32 $0x8;
	v58 =	vmov s9;
	v33 =	vmov s13;
	[tilespmem:s28+$0xFFFFFF00] =	vst v25;
	v25 =	vmov s15  }
0x2b2: {  	[tilespmem:s28+$0xFFFFFE80] =	vst v26;
	v60 =	vld.idx.msk [tilespmem:v20+s25+$0x0], $0xffff;
	s9 =	simm.s32 $0xE;
	v34 =	vmov s16;
	v35 =	vmov s14;
	v20 =	vand.u32 $0x70, v31  }
0x2b3: {  	v36 =	vld.idx.msk [tilespmem:v17+s25+$0x0], $0xffff;
	s13 =	simm.s32 $0xC;
	s15 =	simm.s32 $0xB;
	v26 =	vand.u32 $0x72, v32;
	v32 =	vand.u32 $0x74, v58;
	v59 =	vmov s9;
	[tilespmem:s28+$0xFFFFFE00] =	vst v23  }
0x2b4: {  	v37 =	vld.idx.msk [tilespmem:v19+s25+$0x0], $0xffff;
	v16 =	vand.u32 $0x71, v16;
	v19 =	vmov s13;
	v38 =	vmov s15;
	[tilespmem:s28+$0xFFFFF900] =	vst v21  }
0x2b5: {  	v39 =	vld.idx.msk [tilespmem:v18+s25+$0x0], $0xffff;
	v25 =	vand.u32 $0x77, v25;
	v35 =	vand.u32 $0x79, v35;
	v20 =	vbroadcast v20, $0x0;
	[tilespmem:s28+$0xFFFFF980] =	vst v27  }
0x2b6: {  	s31 =	simm.s32 $0xF;
	s4 =	simm.s32 $0xA;
	v23 =	vld.idx.msk [tilespmem:v24+s25+$0x0], $0xffff;
	v24 =	vand.u32 $0x78, v34;
	v18 =	vand.u32 $0x7C, v19;
	v25 =	vbroadcast v25, $0x0;
	[tilespmem:s28+$0xFFFFFB00] =	vst v28  }
0x2b7: {  	s14 =	simm.s32 $0xD;
	v17 =	vbroadcast v24, $0x0;
	v21 =	vmov s4;
	v24 =	vmov s31;
	[tilespmem:s28+$0xFFFFFD00] =	vst v22  }
0x2b8: {  	v19 =	vbroadcast v18, $0x0;
	s31 =	simm.s32 $0x3;
	v27 =	vmov s14;
	v24 =	vand.u32 $0x7F, v24;
	[tilespmem:s28+$0xFFFFF880] =	vst v36;
	v29 =	vld.idx.msk [tilespmem:v29+s25+$0x0], $0xffff  }
0x2b9: {  	v61 =	vand.u32 $0x7A, v21;
	[tilespmem:s28+$0xFFFFFA80] =	vst v37;
	v21 =	vbroadcast v26, $0x0;
	v26 =	vmov s31;
	v30 =	vld.idx.msk [tilespmem:v30+s25+$0x0], $0xffff  }
0x2ba: {  	s16 =	simm.s32 $0x6;
	[tilespmem:s28+$0xFFFFFD80] =	vst v39;
	v41 =	vor.u32 v14, v25;
	v36 =	vor.u32 v14, v20;
	v28 =	vor.u32 v14, v17  }
0x2bb: {  	[tilespmem:s28+$0xFFFFFB80] =	vst v60;
	v22 =	vand.u32 $0x7D, v27;
	v18 =	vbroadcast v24, $0x0;
	v24 =	vmov s16  }
0x2bc: {  	v27 =	vand.u32 $0x7E, v59;
	v62 =	vor.u32 v14, v19;
	v31 =	vand.u32 $0x76, v24;
	[tilespmem:s28+$0x0] =	vst v23  }
0x2bd: {  	v24 =	vbroadcast v22, $0x0;
	v22 =	vbroadcast v27, $0x0;
	v63 =	vor.u32 v14, v21;
	[tilespmem:s28+$0xFFFFFF80] =	vst v29  }
0x2be: {  	v23 =	vand.u32 $0x7B, v38;
	v27 =	vbroadcast v31, $0x0;
	v44 =	vor.u32 v14, v18;
	[tilespmem:s28+$0xFFFFFA00] =	vst v30  }
0x2bf: {  	v23 =	vbroadcast v23, $0x0;
	v45 =	vor.u32 v14, v24;
	v29 =	vand.u32 $0x75, v33;
	v40 =	vld.idx.msk [tilespmem:v28+s25+$0x0], $0xffff  }
0x2c0: {  	v30 =	vand.u32 $0x73, v26;
	v26 =	vbroadcast v32, $0x0;
	v28 =	vbroadcast v61, $0x0  }
0x2c1: {  	v38 =	vor.u32 v14, v22;
	v30 =	vbroadcast v30, $0x0;
	v31 =	vbroadcast v29, $0x0;
	v43 =	vld.idx.msk [tilespmem:v62+s25+$0x0], $0xffff  }
0x2c2: {  	v39 =	vor.u32 v14, v27;
	v29 =	vbroadcast v35, $0x0;
	v42 =	vor.u32 v14, v26  }
0x2c3: {  	v37 =	vld.idx.msk [tilespmem:v63+s25+$0x0], $0xffff;
	v33 =	vor.u32 v14, v28;
	v32 =	vor.u32 v14, v30;
	v34 =	vor.u32 v14, v31  }
0x2c4: {  	s0 =	simm.s32 $0x10;
	s30 =	simm.s32 $0x1C8E0;
	v46 =	vbroadcast v16, $0x0;
	s28 =	simm.s32 $0x1C0F0;
	v35 =	vor.u32 v14, v29;
	[tilespmem:s29+$0xFFFFFC80] =	vst v40;
	v40 =	vld.idx.msk [tilespmem:v41+s25+$0x0], $0xffff;
	v41 =	vor.u32 v14, v23  }
.LBB2_31:
0x2c5: {  	s1 =	sadd.s32 $0x1, s0  }
0x2c6: {  	v47 =	vmov s0;
	s4 =	sadd.s32 $0x2, s0;
	s9 =	sadd.s32 $0xE, s0;
	[tilespmem:s29+$0xFFFFFE80] =	vst v43;
	v43 =	vld.idx.msk [tilespmem:v45+s25+$0x0], $0xffff;
	s13 =	smov.u32 s0  }
0x2c7: {  	s14 =	sadd.s32 $0x5, s0;
	s15 =	sadd.s32 $0x9, s0;
	v45 =	vmov s1;
	v48 =	vmov s4;
	s4 =	sadd.s32 $0x4, s0;
	v46 =	vor.u32 v14, v46;
	v42 =	vld.idx.msk [tilespmem:v42+s25+$0x0], $0xffff  }
0x2c8: {  	s1 =	sadd.s32 $0x3, s0;
	v50 =	vmov s14;
	s14 =	sadd.s32 $0x8, s0;
	v48 =	vand.u32 $0x72, v48;
	v49 =	vmov s4;
	s4 =	sadd.s32 $0x7, s0;
	v39 =	vld.idx.msk [tilespmem:v39+s25+$0x0], $0xffff  }
0x2c9: {  	s31 =	sadd.s32 $0x10, s0;
	s16 =	sadd.s32 $0x6, s13;
	v53 =	vmov s15;
	v52 =	vmov s14;
	v51 =	vmov s4;
	s4 =	sadd.s32 $0xF, s13;
	v44 =	vld.idx.msk [tilespmem:v44+s25+$0x0], $0xffff  }
0x2ca: {  	p0 =	slt.u32 s0, $0x30;
	v54 =	vmov s9;
	s14 =	sadd.s32 $0xA, s13;
	v49 =	vand.u32 $0x74, v49;
	v52 =	vand.u32 $0x78, v52;
	[tilespmem:s29+$0xFFFFF980] =	vst v37;
	v37 =	vld.idx.msk [tilespmem:v38+s25+$0x0], $0xffff  }
0x2cb: {  	s9 =	sadd.s32 $0xD, s13;
	s0 =	sadd.s32 $0xC, s13;
	v38 =	vbroadcast v52, $0x0;
	v52 =	vmov s14;
	v55 =	vmov s4;
	[tilespmem:s29+$0xFFFFFC00] =	vst v40;
	v40 =	vld.idx.msk [tilespmem:v41+s25+$0x0], $0xffff  }
0x2cc: {  	v56 =	vmov s9;
	s4 =	sadd.s32 $0xB, s13;
	v41 =	vand.u32 $0x71, v45;
	v45 =	vmov s0;
	v46 =	vld.idx.msk [tilespmem:v46+s25+$0x0], $0xffff;
	[tilespmem:s29+$0xFFFFFF00] =	vst v43  }
0x2cd: {  	v55 =	vand.u32 $0x7F, v55;
	v38 =	vor.u32 v14, v38;
	v43 =	vmov s4;
	v36 =	vld.idx.msk [tilespmem:v36+s25+$0x0], $0xffff;
	[tilespmem:s29+$0xFFFFFA80] =	vst v42  }
0x2ce: {  	v54 =	vand.u32 $0x7E, v54;
	v42 =	vand.u32 $0x7C, v45;
	v45 =	vand.u32 $0x7D, v56;
	v34 =	vld.idx.msk [tilespmem:v34+s25+$0x0], $0xffff;
	[tilespmem:s29+$0xFFFFFB80] =	vst v39  }
0x2cf: {  	v55 =	vbroadcast v55, $0x0;
	v39 =	vand.u32 $0x7B, v43;
	v42 =	vbroadcast v42, $0x0;
	v33 =	vld.idx.msk [tilespmem:v33+s25+$0x0], $0xffff;
	[tilespmem:s29+$0x0] =	vst v44  }
0x2d0: {  	v43 =	vmov s16;
	v44 =	vand.u32 $0x77, v51;
	v51 =	vand.u32 $0x7A, v52;
	v35 =	vld.idx.msk [tilespmem:v35+s25+$0x0], $0xffff;
	[tilespmem:s29+$0xFFFFFF80] =	vst v37  }
0x2d1: {  	v37 =	vbroadcast v48, $0x0;
	v48 =	vmov s1;
	v42 =	vor.u32 v14, v42;
	v32 =	vld.idx.msk [tilespmem:v32+s25+$0x0], $0xffff;
	[tilespmem:s29+$0xFFFFFE00] =	vst v40  }
0x2d2: {  	v40 =	vand.u32 $0x70, v47;
	v47 =	vand.u32 $0x75, v50;
	v50 =	vand.u32 $0x79, v53;
	v38 =	vld.idx.msk [tilespmem:v38+s25+$0x0], $0xffff;
	[tilespmem:s29+$0xFFFFF900] =	vst v46  }
0x2d3: {  	v45 =	vbroadcast v45, $0x0;
	v43 =	vand.u32 $0x76, v43;
	v40 =	vbroadcast v40, $0x0;
	[tilespmem:s29+$0xFFFFF880] =	vst v36  }
0x2d4: {  	v44 =	vbroadcast v44, $0x0;
	v46 =	vbroadcast v54, $0x0;
	v36 =	vand.u32 $0x73, v48;
	[tilespmem:s29+$0xFFFFFB00] =	vst v34  }
0x2d5: {  	v37 =	vor.u32 v14, v37;
	v48 =	vbroadcast v43, $0x0;
	v34 =	vbroadcast v49, $0x0;
	[tilespmem:s29+$0xFFFFFD80] =	vst v33  }
0x2d6: {  	v49 =	vor.u32 v14, v44;
	v33 =	vbroadcast v51, $0x0;
	v51 =	vbroadcast v39, $0x0;
	v43 =	vld.idx.msk [tilespmem:v42+s25+$0x0], $0xffff;
	[tilespmem:s29+$0xFFFFFD00] =	vst v35  }
.Ltmp14:
0x2d7: {  	v45 =	vor.u32 v14, v45;
	v35 =	vbroadcast v36, $0x0;
	v36 =	vbroadcast v47, $0x0;
	[tilespmem:s29+$0xFFFFFA00] =	vst v32;
	s29 =	smov.u32 s30;
	(pc) =	sbr.rel @p0 .LBB2_31-.Ltmp14, $4  }
0x2d8: {  	v39 =	vor.u32 v14, v48;
	v42 =	vor.u32 v14, v34;
	v33 =	vor.u32 v14, v33;
	[tilespmem:s30+$0xFFFFFC80] =	vst v38  }
0x2d9: {  	v32 =	vor.u32 v14, v35;
	v34 =	vor.u32 v14, v36;
	v35 =	vbroadcast v50, $0x0  }
0x2da: {  	v44 =	vor.u32 v14, v55;
	v36 =	vor.u32 v14, v40;
	v38 =	vor.u32 v14, v46;
	v37 =	vld.idx.msk [tilespmem:v37+s25+$0x0], $0xffff  }
0x2db: {  	s0 =	smov.u32 s31;
	v46 =	vbroadcast v41, $0x0;
	v41 =	vor.u32 v14, v51;
	s30 =	sadd.s32 $0x800, s30;
	v35 =	vor.u32 v14, v35;
	v40 =	vld.idx.msk [tilespmem:v49+s25+$0x0], $0xffff  }
0x2dc: {  	_ =	sdelay $0x3  }
0x2dd: {  	v45 =	vld.idx.msk [tilespmem:v45+s25+$0x0], $0xffff  }
0x2de: {  	v42 =	vld.idx.msk [tilespmem:v42+s25+$0x0], $0xffff  }
0x2df: {  	[tilespmem:s29+$0xFFFFFE80] =	vst v43;
	v39 =	vld.idx.msk [tilespmem:v39+s25+$0x0], $0xffff  }
0x2e0: {  	v58 =	vld.idx.msk [tilespmem:v44+s25+$0x0], $0xffff;
	[tilespmem:s29+$0xFFFFF980] =	vst v37  }
0x2e1: {  	v59 =	vld.idx.msk [tilespmem:v38+s25+$0x0], $0xffff;
	[tilespmem:s29+$0xFFFFFC00] =	vst v40  }
0x2e2: {  	v60 =	vld.idx.msk [tilespmem:v41+s25+$0x0], $0xffff;
	[tilespmem:s29+$0xFFFFFF00] =	vst v45  }
0x2e3: {  	v36 =	vld.idx.msk [tilespmem:v36+s25+$0x0], $0xffff;
	v46 =	vor.u32 v14, v46;
	[tilespmem:s29+$0xFFFFFA80] =	vst v42  }
0x2e4: {  	v34 =	vld.idx.msk [tilespmem:v34+s25+$0x0], $0xffff;
	[tilespmem:s29+$0xFFFFFB80] =	vst v39  }
0x2e5: {  	v33 =	vld.idx.msk [tilespmem:v33+s25+$0x0], $0xffff;
	[tilespmem:s29+$0x0] =	vst v58  }
0x2e6: {  	v35 =	vld.idx.msk [tilespmem:v35+s25+$0x0], $0xffff;
	[tilespmem:s29+$0xFFFFFF80] =	vst v59  }
0x2e7: {  	v32 =	vld.idx.msk [tilespmem:v32+s25+$0x0], $0xffff;
	[tilespmem:s29+$0xFFFFFE00] =	vst v60  }
0x2e8: {  	[tilespmem:s29+$0xFFFFF880] =	vst v36;
	v61 =	vld.idx.msk [tilespmem:v46+s25+$0x0], $0xffff  }
0x2e9: {  	v17 =	vor.u32 v15, v17;
	[tilespmem:s29+$0xFFFFFB00] =	vst v34  }
0x2ea: {  	[tilespmem:s29+$0xFFFFFD80] =	vst v33  }
0x2eb: {  	v19 =	vor.u32 v15, v19;
	[tilespmem:s29+$0xFFFFFD00] =	vst v35  }
0x2ec: {  	[tilespmem:s29+$0xFFFFFA00] =	vst v32  }
0x2ed: {  	v62 =	vor.u32 v15, v21;
	[tilespmem:s29+$0xFFFFF900] =	vst v61  }
0x2ee: {  	v63 =	vor.u32 v15, v25;
	v34 =	vld.idx.msk [tilespmem:v17+s25+$0x0], $0xffff;
	_ =	sdelay $0x1  }
0x2ef: {  	v26 =	vor.u32 v15, v26;
	v25 =	vor.u32 v15, v27;
	v32 =	vor.u32 v15, v24;
	v27 =	vld.idx.msk [tilespmem:v19+s25+$0x0], $0xffff  }
0x2f0: {  	v21 =	vor.u32 v15, v31;
	v20 =	vor.u32 v15, v20;
	v22 =	vor.u32 v15, v22  }
0x2f1: {  	v23 =	vor.u32 v15, v23;
	v19 =	vor.u32 v15, v28;
	v17 =	vor.u32 v15, v30;
	v24 =	vld.idx.msk [tilespmem:v62+s25+$0x0], $0xffff  }
0x2f2: {  	s0 =	simm.s32 $0x10;
	s29 =	simm.s32 $0x1C8F0;
	v28 =	vor.u32 v15, v18;
	v30 =	vbroadcast v16, $0x0;
	v18 =	vld.idx.msk [tilespmem:v63+s25+$0x0], $0xffff;
	v16 =	vor.u32 v15, v29;
	[tilespmem:s28+$0xFFFFFC80] =	vst v34  }
.LBB2_33:
0x2f3: {  	s1 =	sadd.s32 $0x1, s0  }
0x2f4: {  	v29 =	vmov s0;
	s4 =	sadd.s32 $0x2, s0;
	s9 =	sadd.s32 $0xE, s0;
	[tilespmem:s28+$0xFFFFFE80] =	vst v27;
	v27 =	vld.idx.msk [tilespmem:v32+s25+$0x0], $0xffff;
	s13 =	smov.u32 s0  }
0x2f5: {  	s14 =	sadd.s32 $0x5, s0;
	s15 =	sadd.s32 $0x9, s0;
	v31 =	vmov s1;
	v32 =	vmov s4;
	s4 =	sadd.s32 $0x4, s0;
	v30 =	vor.u32 v15, v30;
	v26 =	vld.idx.msk [tilespmem:v26+s25+$0x0], $0xffff  }
0x2f6: {  	s1 =	sadd.s32 $0x3, s0;
	v34 =	vmov s14;
	s14 =	sadd.s32 $0x8, s0;
	v32 =	vand.u32 $0x72, v32;
	v33 =	vmov s4;
	s4 =	sadd.s32 $0x7, s0;
	v25 =	vld.idx.msk [tilespmem:v25+s25+$0x0], $0xffff  }
0x2f7: {  	s30 =	sadd.s32 $0x10, s0;
	s16 =	sadd.s32 $0x6, s13;
	v37 =	vmov s15;
	v36 =	vmov s14;
	v35 =	vmov s4;
	s4 =	sadd.s32 $0xF, s13;
	v28 =	vld.idx.msk [tilespmem:v28+s25+$0x0], $0xffff  }
0x2f8: {  	p0 =	slt.u32 s0, $0x30;
	v38 =	vmov s9;
	s14 =	sadd.s32 $0xA, s13;
	v33 =	vand.u32 $0x74, v33;
	v36 =	vand.u32 $0x78, v36;
	[tilespmem:s28+$0xFFFFF980] =	vst v24;
	v22 =	vld.idx.msk [tilespmem:v22+s25+$0x0], $0xffff  }
0x2f9: {  	s9 =	sadd.s32 $0xD, s13;
	s0 =	sadd.s32 $0xC, s13;
	v24 =	vbroadcast v36, $0x0;
	v36 =	vmov s14;
	v39 =	vmov s4;
	[tilespmem:s28+$0xFFFFFC00] =	vst v18;
	v18 =	vld.idx.msk [tilespmem:v23+s25+$0x0], $0xffff  }
0x2fa: {  	v40 =	vmov s9;
	s4 =	sadd.s32 $0xB, s13;
	v23 =	vand.u32 $0x71, v31;
	v31 =	vmov s0;
	v30 =	vld.idx.msk [tilespmem:v30+s25+$0x0], $0xffff;
	[tilespmem:s28+$0xFFFFFF00] =	vst v27  }
0x2fb: {  	v39 =	vand.u32 $0x7F, v39;
	v24 =	vor.u32 v15, v24;
	v27 =	vmov s4;
	v20 =	vld.idx.msk [tilespmem:v20+s25+$0x0], $0xffff;
	[tilespmem:s28+$0xFFFFFA80] =	vst v26  }
0x2fc: {  	v38 =	vand.u32 $0x7E, v38;
	v26 =	vand.u32 $0x7C, v31;
	v31 =	vand.u32 $0x7D, v40;
	v21 =	vld.idx.msk [tilespmem:v21+s25+$0x0], $0xffff;
	[tilespmem:s28+$0xFFFFFB80] =	vst v25  }
0x2fd: {  	v39 =	vbroadcast v39, $0x0;
	v25 =	vand.u32 $0x7B, v27;
	v26 =	vbroadcast v26, $0x0;
	v19 =	vld.idx.msk [tilespmem:v19+s25+$0x0], $0xffff;
	[tilespmem:s28+$0x0] =	vst v28  }
0x2fe: {  	v27 =	vmov s16;
	v28 =	vand.u32 $0x77, v35;
	v35 =	vand.u32 $0x7A, v36;
	v16 =	vld.idx.msk [tilespmem:v16+s25+$0x0], $0xffff;
	[tilespmem:s28+$0xFFFFFF80] =	vst v22  }
0x2ff: {  	v22 =	vbroadcast v32, $0x0;
	v32 =	vmov s1;
	v26 =	vor.u32 v15, v26;
	v17 =	vld.idx.msk [tilespmem:v17+s25+$0x0], $0xffff;
	[tilespmem:s28+$0xFFFFFE00] =	vst v18  }
0x300: {  	v18 =	vand.u32 $0x70, v29;
	v29 =	vand.u32 $0x75, v34;
	v34 =	vand.u32 $0x79, v37;
	v24 =	vld.idx.msk [tilespmem:v24+s25+$0x0], $0xffff;
	[tilespmem:s28+$0xFFFFF900] =	vst v30  }
0x301: {  	v27 =	vand.u32 $0x76, v27;
	v18 =	vbroadcast v18, $0x0;
	v30 =	vbroadcast v31, $0x0;
	[tilespmem:s28+$0xFFFFF880] =	vst v20  }
0x302: {  	v28 =	vbroadcast v28, $0x0;
	v31 =	vbroadcast v38, $0x0;
	v20 =	vand.u32 $0x73, v32;
	[tilespmem:s28+$0xFFFFFB00] =	vst v21  }
0x303: {  	v22 =	vor.u32 v15, v22;
	v21 =	vbroadcast v33, $0x0;
	v33 =	vbroadcast v27, $0x0;
	[tilespmem:s28+$0xFFFFFD80] =	vst v19  }
0x304: {  	v36 =	vor.u32 v15, v28;
	v19 =	vbroadcast v35, $0x0;
	v35 =	vbroadcast v25, $0x0;
	v27 =	vld.idx.msk [tilespmem:v26+s25+$0x0], $0xffff;
	[tilespmem:s28+$0xFFFFFD00] =	vst v16  }
.Ltmp15:
0x305: {  	v32 =	vor.u32 v15, v30;
	v16 =	vbroadcast v20, $0x0;
	v20 =	vbroadcast v29, $0x0;
	[tilespmem:s28+$0xFFFFFA00] =	vst v17;
	s28 =	smov.u32 s29;
	(pc) =	sbr.rel @p0 .LBB2_33-.Ltmp15, $4  }
0x306: {  	v26 =	vor.u32 v15, v21;
	v25 =	vor.u32 v15, v33;
	v19 =	vor.u32 v15, v19;
	[tilespmem:s29+$0xFFFFFC80] =	vst v24  }
0x307: {  	v17 =	vor.u32 v15, v16;
	v21 =	vor.u32 v15, v20;
	v16 =	vbroadcast v34, $0x0  }
0x308: {  	v28 =	vor.u32 v15, v39;
	v20 =	vor.u32 v15, v18;
	v24 =	vld.idx.msk [tilespmem:v22+s25+$0x0], $0xffff;
	v22 =	vor.u32 v15, v31  }
0x309: {  	s0 =	smov.u32 s30;
	v30 =	vbroadcast v23, $0x0;
	v23 =	vor.u32 v15, v35;
	s29 =	sadd.s32 $0x800, s29;
	v16 =	vor.u32 v15, v16;
	v18 =	vld.idx.msk [tilespmem:v36+s25+$0x0], $0xffff  }
0x30a: {  	_ =	sdelay $0x3  }
0x30b: {  	v29 =	vld.idx.msk [tilespmem:v32+s25+$0x0], $0xffff  }
0x30c: {  	v26 =	vld.idx.msk [tilespmem:v26+s25+$0x0], $0xffff  }
0x30d: {  	[tilespmem:s28+$0xFFFFFE80] =	vst v27;
	v25 =	vld.idx.msk [tilespmem:v25+s25+$0x0], $0xffff  }
0x30e: {  	v61 =	vld.idx.msk [tilespmem:v28+s25+$0x0], $0xffff;
	[tilespmem:s28+$0xFFFFF980] =	vst v24  }
0x30f: {  	v22 =	vld.idx.msk [tilespmem:v22+s25+$0x0], $0xffff;
	[tilespmem:s28+$0xFFFFFC00] =	vst v18  }
0x310: {  	v62 =	vld.idx.msk [tilespmem:v23+s25+$0x0], $0xffff;
	[tilespmem:s28+$0xFFFFFF00] =	vst v29  }
0x311: {  	v20 =	vld.idx.msk [tilespmem:v20+s25+$0x0], $0xffff;
	v30 =	vor.u32 v15, v30;
	[tilespmem:s28+$0xFFFFFA80] =	vst v26  }
0x312: {  	v21 =	vld.idx.msk [tilespmem:v21+s25+$0x0], $0xffff;
	[tilespmem:s28+$0xFFFFFB80] =	vst v25  }
0x313: {  	v19 =	vld.idx.msk [tilespmem:v19+s25+$0x0], $0xffff;
	[tilespmem:s28+$0x0] =	vst v61  }
0x314: {  	v16 =	vld.idx.msk [tilespmem:v16+s25+$0x0], $0xffff;
	[tilespmem:s28+$0xFFFFFF80] =	vst v22  }
0x315: {  	v17 =	vld.idx.msk [tilespmem:v17+s25+$0x0], $0xffff;
	[tilespmem:s28+$0xFFFFFE00] =	vst v62  }
0x316: {  	[tilespmem:s28+$0xFFFFF880] =	vst v20;
	v63 =	vld.idx.msk [tilespmem:v30+s25+$0x0], $0xffff  }
0x317: {  	[tilespmem:s28+$0xFFFFFB00] =	vst v21  }
0x318: {  	[tilespmem:s28+$0xFFFFFD80] =	vst v19  }
0x319: {  	[tilespmem:s28+$0xFFFFFD00] =	vst v16  }
0x31a: {  	[tilespmem:s28+$0xFFFFFA00] =	vst v17  }
0x31b: {  	s0 =	sadd.s32 s26, s7;
	p0 =	sgt.u32 s23, $0x15;
	[tilespmem:s28+$0xFFFFF900] =	vst v63  }
0x31c: {  	[hbm4b:s0+s10] =	stream.strided.scatter [tilespmem:s19], [sflag:$0x5], $0x2000, s17, s10, $0x38;
	[tilespmem:$0x1D900] =	vst v63  }
0x31d: {  	s0 =	sshll.u32 @!p0 s23, $0x8  }
0x31e: {  	s0 =	sand.u32 @!p0 $0x3FFFFF00, s0  }
0x31f: {  	s1 =	simm.s32 @!p0 $0x100;
	s23 =	sadd.s32 $0x1, s23;
	s0 =	sadd.s32 @!p0 $0x300, s0  }
0x320: {  	[tilespmem:s25], [sflag:s24] =	stream.indirect.gather @!p0 [hbm4b:s5+s1], $0x80, s0, s1, $0xb8;
	[tilespmem:$0x1D900] =	vst v63  }
0x321: {  	p0 =	sne.s32 s23, $0x19  }
.Ltmp16:
0x322: {  	_ = 	snop;
	(pc) =	sbr.rel @p0 .LBB2_2-.Ltmp16, $1  }
0x323: {  	_ =	sdelay $0x3  }
0x324: {  	s22 =	sadd.s32 $0x1, s22  }
0x325: {  	_ =	swait.ge [sflag:s20], $0x2000;
	p0 =	sne.s32 s22, s8  }
.Ltmp17:
0x326: {  	[sflag:s20] =	ssyncset.done $0x0;
	(pc) =	sbr.rel @p0 .LBB2_1-.Ltmp17, $4  }
0x327: {  	[sflag:s20] =	ssyncadd.s32 $0xFFFFE000  }
0x328: {  	_ =	swait.ge [sflag:s21], $0x2000  }
0x329: {  	[sflag:s21] =	ssyncset.done $0x0  }
0x32a: {  	[sflag:s21] =	ssyncadd.s32 $0xFFFFE000  }
0x32b: {  	_ =	sfence.sel $0x180000  }
0x32c: {  	[bflag:$0x0] =	sbarrier.arrive $0xFFFF  }
0x32d: {  	_ =	strace $0x90000047  }
0x32e: {  	s0 =	stileid.u32;
	[bflag:$0x2] =	sbarrier.arrive $0xFFFF  }
0x32f: {  	p0 =	sne.s32 s0, $0x0;
	s0 =	rddreg [dreg:$0x2]  }
0x330: {  	s0 =	sadd.s32 @!p0 $0x100000, s0  }
0x331: {  	[sflag:s0] =	ssyncadd.tile.s32 @!p0 $0x1;
	_ =	shalt  }
.Lfunc_end2:
_tile_overlayer_lowered:
.L_overlay_start_2:
0x332: {  	(tag) =	ssettag $0x2  }
0x333: {  	s0 =	rddreg [dreg:$0x0];
	s2 =	stileid.u32  }
0x334: {  	s1 =	rddreg [dreg:$0x1];
	p0 =	sne.s32 s2, $0x0  }
0x335: {  	s3 =	rddreg [dreg:$0x2];
	[bflag:$0x3] =	sbarrier.arrive $0xFFFF;
	s2 =	simm.s32 @!p0 $0x1C06  }
0x336: {  	[timem:s3], [sflag:s2] =	dma.local @!p0 [hbm:s0], s1  }
0x337: {  	s0 =	simm.s32 @!p0 $0x6  }
0x338: {  	_ =	swait.ge @!p0 [sflag:s0], s1  }
0x339: {  	s1 =	ssub.s32 @!p0 $0x0, s1;
	[sflag:s0] =	ssyncset.done @!p0 $0x0  }
0x33a: {  	[sflag:s0] =	ssyncadd.s32 @!p0 s1  }
0x33b: {  	[bflag:$0x3] =	sbarrier.arrive $0xFFFF  }
0x33c: {  	_ =	shalt  }

</sc_bundles>
